<compile_context>
chip_gen: v7x
topology: tpu7x:2x2x1
jax: 0.10.2.dev20260603
libtpu: 0.0.44.dev20260713+nightly
codegen_flags: <defaults>
</compile_context>

<pallas_src>
import functools

import jax
import jax.numpy as jnp
from jax.experimental import pallas as pl
from jax.experimental.pallas import tpu as pltpu

_BLK = 1024
_H = 128


def _pad_rows(a, m):
    n = a.shape[0]
    p = (-n) % m
    if p:
        a = jnp.pad(a, ((0, p),) + ((0, 0),) * (a.ndim - 1))
    return a


def _pad_cols(a, m):
    c = a.shape[1]
    p = (-c) % m
    if p:
        a = jnp.pad(a, ((0, 0), (0, p)))
    return a


def _mlp_body(nlayers, x_ref, *refs):
    out_ref = refs[-1]
    h = x_ref[...]
    for i in range(nlayers):
        w = refs[2 * i][...]
        b = refs[2 * i + 1][...]
        h = jnp.dot(h, w, preferred_element_type=jnp.float32) + b
        if i < nlayers - 1:
            h = jnp.maximum(h, 0.0)
    out_ref[...] = h


def _mlp_pallas(x, layers, blk=_BLK):
    n = x.shape[0]
    assert n % blk == 0
    nlayers = len(layers)
    flat = []
    in_specs = [pl.BlockSpec((blk, x.shape[1]), lambda i: (i, 0))]
    for w, b in layers:
        flat += [w, b.reshape(1, -1)]
        in_specs += [
            pl.BlockSpec(w.shape, lambda i: (0, 0)),
            pl.BlockSpec((1, b.shape[0]), lambda i: (0, 0)),
        ]
    out_dim = layers[-1][0].shape[1]
    return pl.pallas_call(
        functools.partial(_mlp_body, nlayers),
        grid=(n // blk,),
        in_specs=in_specs,
        out_specs=pl.BlockSpec((blk, out_dim), lambda i: (i, 0)),
        out_shape=jax.ShapeDtypeStruct((n, out_dim), jnp.float32),
    )(x, *flat)


def _edge_body(xs_ref, xd_ref, ea_ref, wa, wb, wc, b1, w2, b2, w3, b3, w4,
               b4, msg_ref, nea_ref):
    h = (jnp.dot(xs_ref[...], wa[...], preferred_element_type=jnp.float32)
         + jnp.dot(xd_ref[...], wb[...], preferred_element_type=jnp.float32)
         + jnp.dot(ea_ref[...], wc[...], preferred_element_type=jnp.float32)
         + b1[...])
    h = jnp.maximum(h, 0.0)
    h = jnp.maximum(jnp.dot(h, w2[...], preferred_element_type=jnp.float32) + b2[...], 0.0)
    h = jnp.maximum(jnp.dot(h, w3[...], preferred_element_type=jnp.float32) + b3[...], 0.0)
    m = jnp.dot(h, w4[...], preferred_element_type=jnp.float32) + b4[...]
    msg_ref[...] = m
    nea_ref[...] = ea_ref[...] + m


def _edge_layer_pallas(xs, xd, ea, mlp, blk=_BLK):
    e = xs.shape[0]
    assert e % blk == 0
    (w1, b1), (w2, b2), (w3, b3), (w4, b4) = mlp
    wa, wb, wc = w1[:_H], w1[_H:2 * _H], w1[2 * _H:]
    ins = [xs, xd, ea, wa, wb, wc, b1.reshape(1, -1), w2, b2.reshape(1, -1),
           w3, b3.reshape(1, -1), w4, b4.reshape(1, -1)]
    in_specs = [pl.BlockSpec((blk, _H), lambda i: (i, 0))] * 3 + [
        pl.BlockSpec(a.shape, lambda i: (0, 0)) for a in ins[3:]
    ]
    return pl.pallas_call(
        _edge_body,
        grid=(e // blk,),
        in_specs=in_specs,
        out_specs=[pl.BlockSpec((blk, _H), lambda i: (i, 0))] * 2,
        out_shape=[jax.ShapeDtypeStruct((e, _H), jnp.float32)] * 2,
    )(*ins)


def _split(v):
    hi = v.astype(jnp.bfloat16)
    lo = (v - hi.astype(jnp.float32)).astype(jnp.bfloat16)
    return hi, lo


def _gn_edge_body(n, swin_ref, sk_ref, sfirst_ref, sact_ref,
                  src_ref, dst_ref, ea_ref, xlo_ref, xhi_ref, xdw_ref,
                  wa, wb, wc, b1, w2, b2, w3, b3, w4, b4,
                  nea_ref, aggr_ref):
    b = pl.program_id(0)
    first = sfirst_ref[b]
    active = sact_ref[b]

    @pl.when(first == 1)
    def _():
        aggr_ref[...] = jnp.zeros((_BLK, _H), jnp.float32)

    @pl.when(active == 0)
    def _():
        nea_ref[...] = ea_ref[...]

    @pl.when(active == 1)
    def _():
        base_s = sk_ref[b] * _BLK
        base_d = swin_ref[b] * _BLK
        s = src_ref[...]
        d = dst_ref[...]
        srel = s - base_s
        drel = d - base_d
        ssrc = (srel == jax.lax.broadcasted_iota(jnp.int32, (_BLK, 2 * _BLK), 1)
                ).astype(jnp.bfloat16)
        sdst = (drel == jax.lax.broadcasted_iota(jnp.int32, (_BLK, _BLK), 1)
                ).astype(jnp.bfloat16)
        xw = jnp.concatenate([xlo_ref[...], xhi_ref[...]], axis=0)
        xwh, xwl = _split(xw)
        xdh, xdl = _split(xdw_ref[...])
        f32 = jnp.float32
        xs = (jnp.dot(ssrc, xwh, preferred_element_type=f32)
              + jnp.dot(ssrc, xwl, preferred_element_type=f32))
        xd = (jnp.dot(sdst, xdh, preferred_element_type=f32)
              + jnp.dot(sdst, xdl, preferred_element_type=f32))
        ea = ea_ref[...]
        h = (jnp.dot(xs, wa[...], preferred_element_type=f32)
             + jnp.dot(xd, wb[...], preferred_element_type=f32)
             + jnp.dot(ea, wc[...], preferred_element_type=f32) + b1[...])
        h = jnp.maximum(h, 0.0)
        h = jnp.maximum(jnp.dot(h, w2[...], preferred_element_type=f32) + b2[...], 0.0)
        h = jnp.maximum(jnp.dot(h, w3[...], preferred_element_type=f32) + b3[...], 0.0)
        m = jnp.dot(h, w4[...], preferred_element_type=f32) + b4[...]
        valid = (s < n) & (d < n)
        m = jnp.where(valid, m, 0.0)
        nea_ref[...] = ea + m
        mh, ml = _split(m)
        dn = (((0,), (0,)), ((), ()))
        contrib = (jax.lax.dot_general(sdst, mh, dn, preferred_element_type=f32)
                   + jax.lax.dot_general(sdst, ml, dn, preferred_element_type=f32))
        aggr_ref[...] += contrib


def _gn_edge_layer(src_w, dst_w, ea, x_ext, swin, sk, sfirst, sact, mlp, n,
                   n_pad):
    e2 = ea.shape[0]
    nb = e2 // _BLK
    (w1, b1), (w2, b2), (w3, b3), (w4, b4) = mlp
    wa, wb, wc = w1[:_H], w1[_H:2 * _H], w1[2 * _H:]
    weights = [wa, wb, wc, b1.reshape(1, -1), w2, b2.reshape(1, -1),
               w3, b3.reshape(1, -1), w4, b4.reshape(1, -1)]
    grid_spec = pltpu.PrefetchScalarGridSpec(
        num_scalar_prefetch=4,
        grid=(nb,),
        in_specs=[
            pl.BlockSpec((_BLK, 1), lambda b, swin, sk, sfi, sac: (b, 0)),
            pl.BlockSpec((_BLK, 1), lambda b, swin, sk, sfi, sac: (b, 0)),
            pl.BlockSpec((_BLK, _H), lambda b, swin, sk, sfi, sac: (b, 0)),
            pl.BlockSpec((_BLK, _H), lambda b, swin, sk, sfi, sac: (sk[b], 0)),
            pl.BlockSpec((_BLK, _H), lambda b, swin, sk, sfi, sac: (sk[b] + 1, 0)),
            pl.BlockSpec((_BLK, _H), lambda b, swin, sk, sfi, sac: (swin[b], 0)),
        ] + [pl.BlockSpec(w.shape, lambda b, swin, sk, sfi, sac: (0, 0))
             for w in weights],
        out_specs=[
            pl.BlockSpec((_BLK, _H), lambda b, swin, sk, sfi, sac: (b, 0)),
            pl.BlockSpec((_BLK, _H), lambda b, swin, sk, sfi, sac: (swin[b], 0)),
        ],
    )
    nea, aggr = pl.pallas_call(
        functools.partial(_gn_edge_body, n),
        grid_spec=grid_spec,
        out_shape=[
            jax.ShapeDtypeStruct((e2, _H), jnp.float32),
            jax.ShapeDtypeStruct((n_pad, _H), jnp.float32),
        ],
    )(swin, sk, sfirst, sact, src_w, dst_w, ea, x_ext, x_ext, x_ext, *weights)
    return nea, aggr


def _node_body(x_ref, ag_ref, wa, wb, b1, w2, b2, w3, b3, w4, b4, out_ref):
    h = (jnp.dot(x_ref[...], wa[...], preferred_element_type=jnp.float32)
         + jnp.dot(ag_ref[...], wb[...], preferred_element_type=jnp.float32)
         + b1[...])
    h = jnp.maximum(h, 0.0)
    h = jnp.maximum(jnp.dot(h, w2[...], preferred_element_type=jnp.float32) + b2[...], 0.0)
    h = jnp.maximum(jnp.dot(h, w3[...], preferred_element_type=jnp.float32) + b3[...], 0.0)
    m = jnp.dot(h, w4[...], preferred_element_type=jnp.float32) + b4[...]
    out_ref[...] = x_ref[...] + m


def _node_layer_pallas(x, aggr, mlp, blk=_BLK):
    n = x.shape[0]
    assert n % blk == 0
    (w1, b1), (w2, b2), (w3, b3), (w4, b4) = mlp
    wa, wb = w1[:_H], w1[_H:]
    ins = [x, aggr, wa, wb, b1.reshape(1, -1), w2, b2.reshape(1, -1),
           w3, b3.reshape(1, -1), w4, b4.reshape(1, -1)]
    in_specs = [pl.BlockSpec((blk, _H), lambda i: (i, 0))] * 2 + [
        pl.BlockSpec(a.shape, lambda i: (0, 0)) for a in ins[2:]
    ]
    return pl.pallas_call(
        _node_body,
        grid=(n // blk,),
        in_specs=in_specs,
        out_specs=pl.BlockSpec((blk, _H), lambda i: (i, 0)),
        out_shape=jax.ShapeDtypeStruct((n, _H), jnp.float32),
    )(*ins)


_RADIUS = 1792
_BAND = 256 + 2 * _RADIUS


def _band_mask_body(n, rx_ref, ry_ref, cwx_ref, cwy_ref, m_ref):
    i = pl.program_id(0)
    rx = rx_ref[0]
    ry = ry_ref[0]
    cwx = cwx_ref[0]
    cwy = cwy_ref[0]
    rxb = rx.astype(jnp.bfloat16).astype(jnp.float32)
    ryb = ry.astype(jnp.bfloat16).astype(jnp.float32)
    cxb = cwx.astype(jnp.bfloat16).astype(jnp.float32)
    cyb = cwy.astype(jnp.bfloat16).astype(jnp.float32)
    dot = rxb * cxb + ryb * cyb
    sqr = rx * rx + ry * ry
    sqc = cwx * cwx + cwy * cwy
    d2 = (sqr + sqc) - 2.0 * dot
    src = (i * 256 - _RADIUS) + jax.lax.broadcasted_iota(jnp.int32, (256, _BAND), 1)
    dst = i * 256 + jax.lax.broadcasted_iota(jnp.int32, (256, _BAND), 0)
    ok = (d2 < (0.03 * 0.03)) & (src != dst) & (src >= 0) & (src < n) & (dst < n)
    m_ref[0] = ok.astype(jnp.int8)


def _band_mask_pallas(px, py, n):
    npad = px.shape[0]
    nb = npad // 256
    rx = px.reshape(nb, 256, 1)
    ry = py.reshape(nb, 256, 1)
    ext_x = jnp.pad(px, (_RADIUS, _BAND))
    ext_y = jnp.pad(py, (_RADIUS, _BAND))
    cwx = jnp.stack([jax.lax.slice(ext_x, (i * 256,), (i * 256 + _BAND,))
                     for i in range(nb)]).reshape(nb, 1, _BAND)
    cwy = jnp.stack([jax.lax.slice(ext_y, (i * 256,), (i * 256 + _BAND,))
                     for i in range(nb)]).reshape(nb, 1, _BAND)
    return pl.pallas_call(
        functools.partial(_band_mask_body, n),
        grid=(nb,),
        in_specs=[
            pl.BlockSpec((1, 256, 1), lambda i: (i, 0, 0)),
            pl.BlockSpec((1, 256, 1), lambda i: (i, 0, 0)),
            pl.BlockSpec((1, 1, _BAND), lambda i: (i, 0, 0)),
            pl.BlockSpec((1, 1, _BAND), lambda i: (i, 0, 0)),
        ],
        out_specs=pl.BlockSpec((1, 256, _BAND), lambda i: (i, 0, 0)),
        out_shape=jax.ShapeDtypeStruct((nb, 256, _BAND), jnp.int8),
    )(rx, ry, cwx, cwy)


def _pad_mlp(layers, in_pad):
    out = [(w, b) for (w, b) in layers]
    w0, b0 = out[0]
    if w0.shape[0] < in_pad:
        w0 = jnp.pad(w0, ((0, in_pad - w0.shape[0]), (0, 0)))
    out[0] = (w0, b0)
    wl, bl = out[-1]
    if wl.shape[1] < _H:
        wl = jnp.pad(wl, ((0, 0), (0, _H - wl.shape[1])))
        bl = jnp.pad(bl, (0, _H - bl.shape[0]))
    out[-1] = (wl, bl)
    return out


def kernel(pos_seq, particle_type, batch_idx, params):
    n = pos_seq.shape[0]
    r = 0.03
    e_cap = 60 * n

    curr_pos = pos_seq[:, -1]
    perm = jnp.argsort(curr_pos[:, 1])
    inv_perm = jnp.argsort(perm)
    n_pad = ((n + _BLK - 1) // _BLK) * _BLK

    cp_s = curr_pos[perm]
    cp_pad = jnp.full((n_pad, 2), 2.0, jnp.float32).at[:n].set(cp_s)

    velocities = pos_seq[:, 1:, :] - pos_seq[:, :-1, :]
    node_features = velocities.reshape(n, -1)
    type_emb = params["type_emb"][particle_type]
    node_input = jnp.concatenate([node_features, type_emb], axis=1)[perm]
    node_input = _pad_cols(_pad_rows(node_input, _BLK), _H)

    x = _mlp_pallas(node_input, _pad_mlp(params["node_enc"], _H))

    mask = _band_mask_pallas(cp_pad[:, 0], cp_pad[:, 1], n)
    fill_d = n_pad - 1
    fill_flat = fill_d * _BAND + (fill_d - (fill_d // 256) * 256 + _RADIUS)
    (flat,) = jnp.nonzero(mask.reshape(-1), size=e_cap, fill_value=fill_flat)
    flat = flat.astype(jnp.int32)
    dst = flat // _BAND
    src = (dst // 256) * 256 - _RADIUS + (flat - dst * _BAND)

    e_pad = ((e_cap + _BLK - 1) // _BLK) * _BLK
    src = jnp.pad(src, (0, e_pad - e_cap), constant_values=fill_d)
    dst = jnp.pad(dst, (0, e_pad - e_cap), constant_values=fill_d)

    nwin = n_pad // _BLK
    bounds = jnp.searchsorted(dst, jnp.arange(0, n_pad + 1, _BLK, dtype=jnp.int32)).astype(jnp.int32)
    counts = bounds[1:] - bounds[:-1]
    pcounts = jnp.maximum((counts + _BLK - 1) // _BLK, 1) * _BLK
    offs = jnp.concatenate([jnp.zeros(1, jnp.int32), jnp.cumsum(pcounts).astype(jnp.int32)])
    e2 = e_pad + nwin * _BLK
    p = jnp.arange(e2, dtype=jnp.int32)
    w_of_p = jnp.clip(jnp.searchsorted(offs, p, side="right") - 1, 0, nwin - 1)
    local = p - offs[w_of_p]
    inb = local < counts[w_of_p]
    gidx = jnp.where(inb, bounds[w_of_p] + local, e_pad - 1)
    src_w = src[gidx].astype(jnp.int32)
    dst_w = dst[gidx].astype(jnp.int32)

    nb = e2 // _BLK
    swin = jnp.clip(
        jnp.searchsorted(offs, jnp.arange(0, e2, _BLK, dtype=jnp.int32), side="right") - 1,
        0, nwin - 1).astype(jnp.int32)
    min_src = src_w.reshape(nb, _BLK).min(axis=1)
    sk = jnp.clip(min_src // _BLK, 0, nwin - 1).astype(jnp.int32)
    sfirst = jnp.concatenate(
        [jnp.ones(1, jnp.int32), (swin[1:] != swin[:-1]).astype(jnp.int32)])
    sact = (min_src < n).astype(jnp.int32)

    rel_pos = cp_pad[src_w] - cp_pad[dst_w]
    edge_dist = jnp.sqrt(jnp.sum(rel_pos * rel_pos, axis=-1, keepdims=True))
    edge_input = jnp.pad(jnp.concatenate([rel_pos, edge_dist], axis=1),
                         ((0, 0), (0, 5)))

    edge_attr = _mlp_pallas(edge_input, _pad_mlp(params["edge_enc"], 8))

    src_c = src_w.reshape(e2, 1)
    dst_c = dst_w.reshape(e2, 1)
    for layer in params["gn"]:
        x_ext = jnp.pad(x, ((0, _BLK), (0, 0)))
        edge_attr, aggr = _gn_edge_layer(src_c, dst_c, edge_attr, x_ext,
                                         swin, sk, sfirst, sact,
                                         layer["edge_mlp"], n, n_pad)
        x = _node_layer_pallas(x, aggr, layer["node_mlp"])

    pred = _mlp_pallas(x, _pad_mlp(params["decoder"], _H))
    return pred[:n, :2][inv_perm]

# --- scband reference (transcript-rebuilt; emitter-appended) ---
"""Pipeline reference for scband-gns-55035710931098 (READ-ONLY COPY).

The authoritative reference and input builder live on the scoring server;
editing this copy changes nothing except your own understanding.
"""

import jax, jax.numpy as jnp
import numpy as np

N = 10000
INPUT_DIM = 2
HIDDEN = 128
NUM_LAYERS = 10
RADIUS = 0.03
SEQ = 6  # pos_seq has 6 timesteps -> 5 velocities -> input_dim*5 node features


def _init_linear(key, fan_in, fan_out):
    k1, k2 = jax.random.split(key)
    bound = 1.0 / np.sqrt(fan_in)
    W = jax.random.uniform(k1, (fan_in, fan_out), minval=-bound, maxval=bound, dtype=jnp.float32)
    b = jax.random.uniform(k2, (fan_out,), minval=-bound, maxval=bound, dtype=jnp.float32)
    return (W, b)


def _init_mlp(key, sizes):
    keys = jax.random.split(key, len(sizes) - 1)
    return [_init_linear(k, sizes[i], sizes[i + 1]) for i, k in enumerate(keys)]


def _mlp(params, x):
    # make_mlp: Linear->ReLU->(Linear->ReLU)*hidden_layers->Linear (no final activation)
    for i, (W, b) in enumerate(params):
        x = x @ W + b
        if i < len(params) - 1:
            x = jax.nn.relu(x)
    return x


def _radius_edges(curr_pos, batch_idx, r):
    # naive_radius_graph: edges where dist < r, same batch, no self loops
    n = curr_pos.shape[0]
    sq = jnp.sum(curr_pos * curr_pos, axis=1)
    d2 = sq[:, None] + sq[None, :] - 2.0 * (curr_pos @ curr_pos.T)
    adj = d2 < (r * r)
    adj = adj & (batch_idx[:, None] == batch_idx[None, :])
    diag = jnp.arange(n)
    adj = adj.at[diag, diag].set(False)
    src, dst = jnp.nonzero(adj, size=60 * n, fill_value=n)
    return src, dst


def setup_inputs(seed: int = 0) -> dict:
    key = jax.random.key(seed)
    ks = jax.random.split(key, 16)
    pos_seq = jax.random.uniform(ks[0], (N, SEQ, INPUT_DIM), dtype=jnp.float32)
    particle_type = jax.random.randint(ks[1], (N,), 0, 9)
    batch_idx = jnp.zeros((N,), dtype=jnp.int32)

    h = HIDDEN
    node_input_size = INPUT_DIM * 5 + 16
    params = {
        "type_emb": jax.random.normal(ks[2], (9, 16), dtype=jnp.float32),
        "node_enc": _init_mlp(ks[3], [node_input_size, h, h, h, h]),
        "edge_enc": _init_mlp(ks[4], [INPUT_DIM + 1, h, h, h, h]),
        "gn": [
            {
                "edge_mlp": _init_mlp(jax.random.fold_in(ks[5], 2 * i), [h * 3, h, h, h, h]),
                "node_mlp": _init_mlp(jax.random.fold_in(ks[5], 2 * i + 1), [h * 2, h, h, h, h]),
            }
            for i in range(NUM_LAYERS)
        ],
        "decoder": _init_mlp(ks[6], [h, h, h, h, INPUT_DIM]),
    }
    return {"pos_seq": pos_seq, "particle_type": particle_type, "batch_idx": batch_idx, "params": params}


def reference(pos_seq, particle_type, batch_idx, params):
    velocities = pos_seq[:, 1:, :] - pos_seq[:, :-1, :]
    node_features = velocities.reshape(velocities.shape[0], -1)
    type_emb = params["type_emb"][particle_type]
    node_input = jnp.concatenate([node_features, type_emb], axis=1)
    x = _mlp(params["node_enc"], node_input)

    curr_pos = pos_seq[:, -1]
    src, dst = _radius_edges(curr_pos, batch_idx, RADIUS)

    rel_pos = curr_pos[src] - curr_pos[dst]
    edge_dist = jnp.linalg.norm(rel_pos, axis=-1, keepdims=True)
    edge_input = jnp.concatenate([rel_pos, edge_dist], axis=1)
    edge_attr = _mlp(params["edge_enc"], edge_input)

    for layer in params["gn"]:
        out_edge = jnp.concatenate([x[src], x[dst], edge_attr], axis=1)
        updated_edge_attr = _mlp(layer["edge_mlp"], out_edge)
        # propagate(aggr='add'): message = updated_edge_attr, scatter-add at dst
        aggr = jax.ops.segment_sum(updated_edge_attr, dst, num_segments=x.shape[0])
        upd_nodes = _mlp(layer["node_mlp"], jnp.concatenate([x, aggr], axis=1))
        edge_attr = edge_attr + updated_edge_attr
        x = x + upd_nodes

    pred_acc = _mlp(params["decoder"], x)
    return pred_acc

if __name__ == "__main__":
    import jax
    _d = setup_inputs()
    print(jax.jit(kernel)(*tuple(_d.values())))

</pallas_src>

<mosaic_0001>
module attributes {stable_mosaic.version = 14 : i64} {
  func.func @_band_mask_body(%arg0: i32, %arg1: memref<1x256x1xf32, #tpu.memory_space<vmem>>, %arg2: memref<1x256x1xf32, #tpu.memory_space<vmem>>, %arg3: memref<1x1x3840xf32, #tpu.memory_space<vmem>>, %arg4: memref<1x1x3840xf32, #tpu.memory_space<vmem>>, %arg5: memref<1x256x3840xi8, #tpu.memory_space<vmem>>) attributes {dimension_semantics = [#tpu.dimension_semantics<arbitrary>], iteration_bounds = array<i64: 40>, scalar_prefetch = 0 : i64, scratch_operands = 0 : i64, tpu.core_type = #tpu.core_type<tc>, window_params = [{transform_indices = @transform_0, window_bounds = array<i64: 1, 256, 1>}, {transform_indices = @transform_1, window_bounds = array<i64: 1, 256, 1>}, {transform_indices = @transform_2, window_bounds = array<i64: 1, 1, 3840>}, {transform_indices = @transform_3, window_bounds = array<i64: 1, 1, 3840>}, {transform_indices = @transform_4, window_bounds = array<i64: 1, 256, 3840>}]} {
    %get3A = arith.constant 0 : index
    %get3A_0 = arith.constant 0 : index
    %get3A_1 = arith.constant 0 : index
    %get3A_2 = vector.load %arg1[%get3A, %get3A_0, %get3A_1] : memref<1x256x1xf32, #tpu.memory_space<vmem>>, vector<1x256x1xf32>
    %get3A_3 = vector.shape_cast %get3A_2 : vector<1x256x1xf32> to vector<256x1xf32>
    %get3A_4 = arith.constant 0 : index
    %get3A_5 = arith.constant 0 : index
    %get3A_6 = arith.constant 0 : index
    %get3A_7 = vector.load %arg2[%get3A_4, %get3A_5, %get3A_6] : memref<1x256x1xf32, #tpu.memory_space<vmem>>, vector<1x256x1xf32>
    %get3A_8 = vector.shape_cast %get3A_7 : vector<1x256x1xf32> to vector<256x1xf32>
    %get3A_9 = arith.constant 0 : index
    %get3A_10 = arith.constant 0 : index
    %get3A_11 = arith.constant 0 : index
    %get3A_12 = vector.load %arg3[%get3A_9, %get3A_10, %get3A_11] : memref<1x1x3840xf32, #tpu.memory_space<vmem>>, vector<1x1x3840xf32>
    %get3A_13 = vector.shape_cast %get3A_12 : vector<1x1x3840xf32> to vector<1x3840xf32>
    %get3A_14 = arith.constant 0 : index
    %get3A_15 = arith.constant 0 : index
    %get3A_16 = arith.constant 0 : index
    %get3A_17 = vector.load %arg4[%get3A_14, %get3A_15, %get3A_16] : memref<1x1x3840xf32, #tpu.memory_space<vmem>>, vector<1x1x3840xf32>
    %get3A_18 = vector.shape_cast %get3A_17 : vector<1x1x3840xf32> to vector<1x3840xf32>
    %convert_element_type3A = arith.truncf %get3A_3 : vector<256x1xf32> to vector<256x1xbf16>
    %convert_element_type3A_19 = arith.extf %convert_element_type3A : vector<256x1xbf16> to vector<256x1xf32>
    %convert_element_type3A_20 = arith.truncf %get3A_8 : vector<256x1xf32> to vector<256x1xbf16>
    %convert_element_type3A_21 = arith.extf %convert_element_type3A_20 : vector<256x1xbf16> to vector<256x1xf32>
    %convert_element_type3A_22 = arith.truncf %get3A_13 : vector<1x3840xf32> to vector<1x3840xbf16>
    %convert_element_type3A_23 = arith.extf %convert_element_type3A_22 : vector<1x3840xbf16> to vector<1x3840xf32>
    %convert_element_type3A_24 = arith.truncf %get3A_18 : vector<1x3840xf32> to vector<1x3840xbf16>
    %convert_element_type3A_25 = arith.extf %convert_element_type3A_24 : vector<1x3840xbf16> to vector<1x3840xf32>
    %mul3A = vector.broadcast %convert_element_type3A_19 : vector<256x1xf32> to vector<256x3840xf32>
    %mul3A_26 = vector.broadcast %convert_element_type3A_23 : vector<1x3840xf32> to vector<256x3840xf32>
    %mul3A_27 = arith.mulf %mul3A, %mul3A_26 : vector<256x3840xf32>
    %mul3A_28 = vector.broadcast %convert_element_type3A_21 : vector<256x1xf32> to vector<256x3840xf32>
    %mul3A_29 = vector.broadcast %convert_element_type3A_25 : vector<1x3840xf32> to vector<256x3840xf32>
    %mul3A_30 = arith.mulf %mul3A_28, %mul3A_29 : vector<256x3840xf32>
    %add3A = arith.addf %mul3A_27, %mul3A_30 : vector<256x3840xf32>
    %mul3A_31 = arith.mulf %get3A_3, %get3A_3 : vector<256x1xf32>
    %mul3A_32 = arith.mulf %get3A_8, %get3A_8 : vector<256x1xf32>
    %add3A_33 = arith.addf %mul3A_31, %mul3A_32 : vector<256x1xf32>
    %mul3A_34 = arith.mulf %get3A_13, %get3A_13 : vector<1x3840xf32>
    %mul3A_35 = arith.mulf %get3A_18, %get3A_18 : vector<1x3840xf32>
    %add3A_36 = arith.addf %mul3A_34, %mul3A_35 : vector<1x3840xf32>
    %add3A_37 = vector.broadcast %add3A_33 : vector<256x1xf32> to vector<256x3840xf32>
    %add3A_38 = vector.broadcast %add3A_36 : vector<1x3840xf32> to vector<256x3840xf32>
    %add3A_39 = arith.addf %add3A_37, %add3A_38 : vector<256x3840xf32>
    %mul3A_40 = arith.constant 2.000000e+00 : f32
    %mul3A_41 = vector.broadcast %mul3A_40 : f32 to vector<256x3840xf32>
    %mul3A_42 = arith.mulf %mul3A_41, %add3A : vector<256x3840xf32>
    %sub3A = arith.subf %add3A_39, %mul3A_42 : vector<256x3840xf32>
    %mul3A_43 = arith.constant 256 : i32
    %mul3A_44 = arith.muli %arg0, %mul3A_43 : i32
    %sub3A_45 = arith.constant 1792 : i32
    %sub3A_46 = arith.subi %mul3A_44, %sub3A_45 : i32
    %iota3A = tpu.iota {dimensions = array<i32: 1>} : vector<256x3840xi32>
    %add3A_47 = vector.broadcast %sub3A_46 : i32 to vector<256x3840xi32>
    %add3A_48 = arith.addi %add3A_47, %iota3A : vector<256x3840xi32>
    %mul3A_49 = arith.constant 256 : i32
    %mul3A_50 = arith.muli %arg0, %mul3A_49 : i32
    %iota3A_51 = tpu.iota {dimensions = array<i32: 0>} : vector<256x3840xi32>
    %add3A_52 = vector.broadcast %mul3A_50 : i32 to vector<256x3840xi32>
    %add3A_53 = arith.addi %add3A_52, %iota3A_51 : vector<256x3840xi32>
    %lt3A = arith.constant 8.99999984E-4 : f32
    %lt3A_54 = vector.broadcast %lt3A : f32 to vector<256x3840xf32>
    %lt3A_55 = arith.cmpf olt, %sub3A, %lt3A_54 : vector<256x3840xf32>
    %ne3A = arith.cmpi ne, %add3A_48, %add3A_53 : vector<256x3840xi32>
    %and3A = arith.andi %lt3A_55, %ne3A : vector<256x3840xi1>
    %ge3A = arith.constant 0 : i32
    %ge3A_56 = vector.broadcast %ge3A : i32 to vector<256x3840xi32>
    %ge3A_57 = arith.cmpi sge, %add3A_48, %ge3A_56 : vector<256x3840xi32>
    %and3A_58 = arith.andi %and3A, %ge3A_57 : vector<256x3840xi1>
    %lt3A_59 = arith.constant 10000 : i32
    %lt3A_60 = vector.broadcast %lt3A_59 : i32 to vector<256x3840xi32>
    %lt3A_61 = arith.cmpi slt, %add3A_48, %lt3A_60 : vector<256x3840xi32>
    %and3A_62 = arith.andi %and3A_58, %lt3A_61 : vector<256x3840xi1>
    %lt3A_63 = arith.constant 10000 : i32
    %lt3A_64 = vector.broadcast %lt3A_63 : i32 to vector<256x3840xi32>
    %lt3A_65 = arith.cmpi slt, %add3A_53, %lt3A_64 : vector<256x3840xi32>
    %and3A_66 = arith.andi %and3A_62, %lt3A_65 : vector<256x3840xi1>
    %convert_element_type3A_67 = arith.extui %and3A_66 : vector<256x3840xi1> to vector<256x3840xi8>
    %swap3A = arith.constant 0 : index
    %swap3A_68 = arith.constant 0 : index
    %swap3A_69 = arith.constant 0 : index
    %swap3A_70 = vector.load %arg5[%swap3A, %swap3A_68, %swap3A_69] : memref<1x256x3840xi8, #tpu.memory_space<vmem>>, vector<1x256x3840xi8>
    %swap3A_71 = vector.shape_cast %swap3A_70 : vector<1x256x3840xi8> to vector<256x3840xi8>
    %swap3A_72 = vector.shape_cast %convert_element_type3A_67 : vector<256x3840xi8> to vector<1x256x3840xi8>
    tpu.vector_store %arg5[%swap3A, %swap3A_68, %swap3A_69], %swap3A_72 {strides = array<i32>} : memref<1x256x3840xi8, #tpu.memory_space<vmem>>, vector<1x256x3840xi8>,
    return
  }
  func.func @transform_0(%arg0: i32) -> (i32, i32, i32) {
    %c0_i32 = arith.constant 0 : i32
    %c0_i32_0 = arith.constant 0 : i32
    %c0_i32_1 = arith.constant 0 : i32
    return %arg0, %c0_i32, %c0_i32_0 : i32, i32, i32
  }
  func.func @transform_1(%arg0: i32) -> (i32, i32, i32) {
    %c0_i32 = arith.constant 0 : i32
    %c0_i32_0 = arith.constant 0 : i32
    %c0_i32_1 = arith.constant 0 : i32
    return %arg0, %c0_i32, %c0_i32_0 : i32, i32, i32
  }
  func.func @transform_2(%arg0: i32) -> (i32, i32, i32) {
    %c0_i32 = arith.constant 0 : i32
    %c0_i32_0 = arith.constant 0 : i32
    %c0_i32_1 = arith.constant 0 : i32
    return %arg0, %c0_i32, %c0_i32_0 : i32, i32, i32
  }
  func.func @transform_3(%arg0: i32) -> (i32, i32, i32) {
    %c0_i32 = arith.constant 0 : i32
    %c0_i32_0 = arith.constant 0 : i32
    %c0_i32_1 = arith.constant 0 : i32
    return %arg0, %c0_i32, %c0_i32_0 : i32, i32, i32
  }
  func.func @transform_4(%arg0: i32) -> (i32, i32, i32) {
    %c0_i32 = arith.constant 0 : i32
    %c0_i32_0 = arith.constant 0 : i32
    %c0_i32_1 = arith.constant 0 : i32
    return %arg0, %c0_i32, %c0_i32_0 : i32, i32, i32
  }
}

module attributes {stable_mosaic.version = 14 : i64} {
  func.func @_mlp_body(%arg0: i32, %arg1: memref<1024x128xf32, #tpu.memory_space<vmem>>, %arg2: memref<128x128xf32, #tpu.memory_space<vmem>>, %arg3: memref<1x128xf32, #tpu.memory_space<vmem>>, %arg4: memref<128x128xf32, #tpu.memory_space<vmem>>, %arg5: memref<1x128xf32, #tpu.memory_space<vmem>>, %arg6: memref<128x128xf32, #tpu.memory_space<vmem>>, %arg7: memref<1x128xf32, #tpu.memory_space<vmem>>, %arg8: memref<128x128xf32, #tpu.memory_space<vmem>>, %arg9: memref<1x128xf32, #tpu.memory_space<vmem>>, %arg10: memref<1024x128xf32, #tpu.memory_space<vmem>>) attributes {dimension_semantics = [#tpu.dimension_semantics<arbitrary>], iteration_bounds = array<i64: 10>, scalar_prefetch = 0 : i64, scratch_operands = 0 : i64, tpu.core_type = #tpu.core_type<tc>, window_params = [{transform_indices = @transform_0, window_bounds = array<i64: 1024, 128>}, {pipeline_mode = #tpu.pipeline_mode<synchronous>, transform_indices = @transform_1, window_bounds = array<i64: 128, 128>}, {pipeline_mode = #tpu.pipeline_mode<synchronous>, transform_indices = @transform_2, window_bounds = array<i64: 1, 128>}, {pipeline_mode = #tpu.pipeline_mode<synchronous>, transform_indices = @transform_3, window_bounds = array<i64: 128, 128>}, {pipeline_mode = #tpu.pipeline_mode<synchronous>, transform_indices = @transform_4, window_bounds = array<i64: 1, 128>}, {pipeline_mode = #tpu.pipeline_mode<synchronous>, transform_indices = @transform_5, window_bounds = array<i64: 128, 128>}, {pipeline_mode = #tpu.pipeline_mode<synchronous>, transform_indices = @transform_6, window_bounds = array<i64: 1, 128>}, {pipeline_mode = #tpu.pipeline_mode<synchronous>, transform_indices = @transform_7, window_bounds = array<i64: 128, 128>}, {pipeline_mode = #tpu.pipeline_mode<synchronous>, transform_indices = @transform_8, window_bounds = array<i64: 1, 128>}, {transform_indices = @transform_9, window_bounds = array<i64: 1024, 128>}]} {
    %get3A = arith.constant 0 : index
    %get3A_0 = arith.constant 0 : index
    %get3A_1 = vector.load %arg1[%get3A, %get3A_0] : memref<1024x128xf32, #tpu.memory_space<vmem>>, vector<1024x128xf32>
    %get3A_2 = arith.constant 0 : index
    %get3A_3 = arith.constant 0 : index
    %get3A_4 = vector.load %arg2[%get3A_2, %get3A_3] : memref<128x128xf32, #tpu.memory_space<vmem>>, vector<128x128xf32>
    %get3A_5 = arith.constant 0 : index
    %get3A_6 = arith.constant 0 : index
    %get3A_7 = vector.load %arg3[%get3A_5, %get3A_6] : memref<1x128xf32, #tpu.memory_space<vmem>>, vector<1x128xf32>
    %dot_general3A = arith.constant dense<0.000000e+00> : vector<1024x128xf32>
    %dot_general3A_8 = tpu.matmul %get3A_1, %get3A_4, %dot_general3A {dimension_numbers = #tpu.dot_dimension_numbers<[1], [0], [0], [1], [0, 0, 1, 1], [], []>, transpose_lhs_hint = false} : vector<1024x128xf32>, vector<128x128xf32>, vector<1024x128xf32> -> vector<1024x128xf32>
    %add3A = vector.broadcast %get3A_7 : vector<1x128xf32> to vector<1024x128xf32>
    %add3A_9 = arith.addf %dot_general3A_8, %add3A : vector<1024x128xf32>
    %max3A = arith.constant 0.000000e+00 : f32
    %max3A_10 = vector.broadcast %max3A : f32 to vector<1024x128xf32>
    %max3A_11 = arith.maximumf %add3A_9, %max3A_10 : vector<1024x128xf32>
    %get3A_12 = arith.constant 0 : index
    %get3A_13 = arith.constant 0 : index
    %get3A_14 = vector.load %arg4[%get3A_12, %get3A_13] : memref<128x128xf32, #tpu.memory_space<vmem>>, vector<128x128xf32>
    %get3A_15 = arith.constant 0 : index
    %get3A_16 = arith.constant 0 : index
    %get3A_17 = vector.load %arg5[%get3A_15, %get3A_16] : memref<1x128xf32, #tpu.memory_space<vmem>>, vector<1x128xf32>
    %dot_general3A_18 = arith.constant dense<0.000000e+00> : vector<1024x128xf32>
    %dot_general3A_19 = tpu.matmul %max3A_11, %get3A_14, %dot_general3A_18 {dimension_numbers = #tpu.dot_dimension_numbers<[1], [0], [0], [1], [0, 0, 1, 1], [], []>, transpose_lhs_hint = false} : vector<1024x128xf32>, vector<128x128xf32>, vector<1024x128xf32> -> vector<1024x128xf32>
    %add3A_20 = vector.broadcast %get3A_17 : vector<1x128xf32> to vector<1024x128xf32>
    %add3A_21 = arith.addf %dot_general3A_19, %add3A_20 : vector<1024x128xf32>
    %max3A_22 = arith.constant 0.000000e+00 : f32
    %max3A_23 = vector.broadcast %max3A_22 : f32 to vector<1024x128xf32>
    %max3A_24 = arith.maximumf %add3A_21, %max3A_23 : vector<1024x128xf32>
    %get3A_25 = arith.constant 0 : index
    %get3A_26 = arith.constant 0 : index
    %get3A_27 = vector.load %arg6[%get3A_25, %get3A_26] : memref<128x128xf32, #tpu.memory_space<vmem>>, vector<128x128xf32>
    %get3A_28 = arith.constant 0 : index
    %get3A_29 = arith.constant 0 : index
    %get3A_30 = vector.load %arg7[%get3A_28, %get3A_29] : memref<1x128xf32, #tpu.memory_space<vmem>>, vector<1x128xf32>
    %dot_general3A_31 = arith.constant dense<0.000000e+00> : vector<1024x128xf32>
    %dot_general3A_32 = tpu.matmul %max3A_24, %get3A_27, %dot_general3A_31 {dimension_numbers = #tpu.dot_dimension_numbers<[1], [0], [0], [1], [0, 0, 1, 1], [], []>, transpose_lhs_hint = false} : vector<1024x128xf32>, vector<128x128xf32>, vector<1024x128xf32> -> vector<1024x128xf32>
    %add3A_33 = vector.broadcast %get3A_30 : vector<1x128xf32> to vector<1024x128xf32>
    %add3A_34 = arith.addf %dot_general3A_32, %add3A_33 : vector<1024x128xf32>
    %max3A_35 = arith.constant 0.000000e+00 : f32
    %max3A_36 = vector.broadcast %max3A_35 : f32 to vector<1024x128xf32>
    %max3A_37 = arith.maximumf %add3A_34, %max3A_36 : vector<1024x128xf32>
    %get3A_38 = arith.constant 0 : index
    %get3A_39 = arith.constant 0 : index
    %get3A_40 = vector.load %arg8[%get3A_38, %get3A_39] : memref<128x128xf32, #tpu.memory_space<vmem>>, vector<128x128xf32>
    %get3A_41 = arith.constant 0 : index
    %get3A_42 = arith.constant 0 : index
    %get3A_43 = vector.load %arg9[%get3A_41, %get3A_42] : memref<1x128xf32, #tpu.memory_space<vmem>>, vector<1x128xf32>
    %dot_general3A_44 = arith.constant dense<0.000000e+00> : vector<1024x128xf32>
    %dot_general3A_45 = tpu.matmul %max3A_37, %get3A_40, %dot_general3A_44 {dimension_numbers = #tpu.dot_dimension_numbers<[1], [0], [0], [1], [0, 0, 1, 1], [], []>, transpose_lhs_hint = false} : vector<1024x128xf32>, vector<128x128xf32>, vector<1024x128xf32> -> vector<1024x128xf32>
    %add3A_46 = vector.broadcast %get3A_43 : vector<1x128xf32> to vector<1024x128xf32>
    %add3A_47 = arith.addf %dot_general3A_45, %add3A_46 : vector<1024x128xf32>
    %swap3A = arith.constant 0 : index
    %swap3A_48 = arith.constant 0 : index
    %swap3A_49 = vector.load %arg10[%swap3A, %swap3A_48] : memref<1024x128xf32, #tpu.memory_space<vmem>>, vector<1024x128xf32>
    tpu.vector_store %arg10[%swap3A, %swap3A_48], %add3A_47 {strides = array<i32>} : memref<1024x128xf32, #tpu.memory_space<vmem>>, vector<1024x128xf32>,
    return
  }
  func.func @transform_0(%arg0: i32) -> (i32, i32) {
    %c0_i32 = arith.constant 0 : i32
    %c0_i32_0 = arith.constant 0 : i32
    return %arg0, %c0_i32 : i32, i32
  }
  func.func @transform_1(%arg0: i32) -> (i32, i32) {
    %c0_i32 = arith.constant 0 : i32
    %c0_i32_0 = arith.constant 0 : i32
    %c0_i32_1 = arith.constant 0 : i32
    return %c0_i32, %c0_i32_0 : i32, i32
  }
  func.func @transform_2(%arg0: i32) -> (i32, i32) {
    %c0_i32 = arith.constant 0 : i32
    %c0_i32_0 = arith.constant 0 : i32
    %c0_i32_1 = arith.constant 0 : i32
    return %c0_i32, %c0_i32_0 : i32, i32
  }
  func.func @transform_3(%arg0: i32) -> (i32, i32) {
    %c0_i32 = arith.constant 0 : i32
    %c0_i32_0 = arith.constant 0 : i32
    %c0_i32_1 = arith.constant 0 : i32
    return %c0_i32, %c0_i32_0 : i32, i32
  }
  func.func @transform_4(%arg0: i32) -> (i32, i32) {
    %c0_i32 = arith.constant 0 : i32
    %c0_i32_0 = arith.constant 0 : i32
    %c0_i32_1 = arith.constant 0 : i32
    return %c0_i32, %c0_i32_0 : i32, i32
  }
  func.func @transform_5(%arg0: i32) -> (i32, i32) {
    %c0_i32 = arith.constant 0 : i32
    %c0_i32_0 = arith.constant 0 : i32
    %c0_i32_1 = arith.constant 0 : i32
    return %c0_i32, %c0_i32_0 : i32, i32
  }
  func.func @transform_6(%arg0: i32) -> (i32, i32) {
    %c0_i32 = arith.constant 0 : i32
    %c0_i32_0 = arith.constant 0 : i32
    %c0_i32_1 = arith.constant 0 : i32
    return %c0_i32, %c0_i32_0 : i32, i32
  }
  func.func @transform_7(%arg0: i32) -> (i32, i32) {
    %c0_i32 = arith.constant 0 : i32
    %c0_i32_0 = arith.constant 0 : i32
    %c0_i32_1 = arith.constant 0 : i32
    return %c0_i32, %c0_i32_0 : i32, i32
  }
  func.func @transform_8(%arg0: i32) -> (i32, i32) {
    %c0_i32 = arith.constant 0 : i32
    %c0_i32_0 = arith.constant 0 : i32
    %c0_i32_1 = arith.constant 0 : i32
    return %c0_i32, %c0_i32_0 : i32, i32
  }
  func.func @transform_9(%arg0: i32) -> (i32, i32) {
    %c0_i32 = arith.constant 0 : i32
    %c0_i32_0 = arith.constant 0 : i32
    return %arg0, %c0_i32 : i32, i32
  }
}

module attributes {stable_mosaic.version = 14 : i64} {
  func.func @_mlp_body(%arg0: i32, %arg1: memref<1024x8xf32, #tpu.memory_space<vmem>>, %arg2: memref<8x128xf32, #tpu.memory_space<vmem>>, %arg3: memref<1x128xf32, #tpu.memory_space<vmem>>, %arg4: memref<128x128xf32, #tpu.memory_space<vmem>>, %arg5: memref<1x128xf32, #tpu.memory_space<vmem>>, %arg6: memref<128x128xf32, #tpu.memory_space<vmem>>, %arg7: memref<1x128xf32, #tpu.memory_space<vmem>>, %arg8: memref<128x128xf32, #tpu.memory_space<vmem>>, %arg9: memref<1x128xf32, #tpu.memory_space<vmem>>, %arg10: memref<1024x128xf32, #tpu.memory_space<vmem>>) attributes {dimension_semantics = [#tpu.dimension_semantics<arbitrary>], iteration_bounds = array<i64: 596>, scalar_prefetch = 0 : i64, scratch_operands = 0 : i64, tpu.core_type = #tpu.core_type<tc>, window_params = [{transform_indices = @transform_0, window_bounds = array<i64: 1024, 8>}, {pipeline_mode = #tpu.pipeline_mode<synchronous>, transform_indices = @transform_1, window_bounds = array<i64: 8, 128>}, {pipeline_mode = #tpu.pipeline_mode<synchronous>, transform_indices = @transform_2, window_bounds = array<i64: 1, 128>}, {pipeline_mode = #tpu.pipeline_mode<synchronous>, transform_indices = @transform_3, window_bounds = array<i64: 128, 128>}, {pipeline_mode = #tpu.pipeline_mode<synchronous>, transform_indices = @transform_4, window_bounds = array<i64: 1, 128>}, {pipeline_mode = #tpu.pipeline_mode<synchronous>, transform_indices = @transform_5, window_bounds = array<i64: 128, 128>}, {pipeline_mode = #tpu.pipeline_mode<synchronous>, transform_indices = @transform_6, window_bounds = array<i64: 1, 128>}, {pipeline_mode = #tpu.pipeline_mode<synchronous>, transform_indices = @transform_7, window_bounds = array<i64: 128, 128>}, {pipeline_mode = #tpu.pipeline_mode<synchronous>, transform_indices = @transform_8, window_bounds = array<i64: 1, 128>}, {transform_indices = @transform_9, window_bounds = array<i64: 1024, 128>}]} {
    %get3A = arith.constant 0 : index
    %get3A_0 = arith.constant 0 : index
    %get3A_1 = vector.load %arg1[%get3A, %get3A_0] : memref<1024x8xf32, #tpu.memory_space<vmem>>, vector<1024x8xf32>
    %get3A_2 = arith.constant 0 : index
    %get3A_3 = arith.constant 0 : index
    %get3A_4 = vector.load %arg2[%get3A_2, %get3A_3] : memref<8x128xf32, #tpu.memory_space<vmem>>, vector<8x128xf32>
    %get3A_5 = arith.constant 0 : index
    %get3A_6 = arith.constant 0 : index
    %get3A_7 = vector.load %arg3[%get3A_5, %get3A_6] : memref<1x128xf32, #tpu.memory_space<vmem>>, vector<1x128xf32>
    %dot_general3A = arith.constant dense<0.000000e+00> : vector<1024x128xf32>
    %dot_general3A_8 = tpu.matmul %get3A_1, %get3A_4, %dot_general3A {dimension_numbers = #tpu.dot_dimension_numbers<[1], [0], [0], [1], [0, 0, 1, 1], [], []>, transpose_lhs_hint = false} : vector<1024x8xf32>, vector<8x128xf32>, vector<1024x128xf32> -> vector<1024x128xf32>
    %add3A = vector.broadcast %get3A_7 : vector<1x128xf32> to vector<1024x128xf32>
    %add3A_9 = arith.addf %dot_general3A_8, %add3A : vector<1024x128xf32>
    %max3A = arith.constant 0.000000e+00 : f32
    %max3A_10 = vector.broadcast %max3A : f32 to vector<1024x128xf32>
    %max3A_11 = arith.maximumf %add3A_9, %max3A_10 : vector<1024x128xf32>
    %get3A_12 = arith.constant 0 : index
    %get3A_13 = arith.constant 0 : index
    %get3A_14 = vector.load %arg4[%get3A_12, %get3A_13] : memref<128x128xf32, #tpu.memory_space<vmem>>, vector<128x128xf32>
    %get3A_15 = arith.constant 0 : index
    %get3A_16 = arith.constant 0 : index
    %get3A_17 = vector.load %arg5[%get3A_15, %get3A_16] : memref<1x128xf32, #tpu.memory_space<vmem>>, vector<1x128xf32>
    %dot_general3A_18 = arith.constant dense<0.000000e+00> : vector<1024x128xf32>
    %dot_general3A_19 = tpu.matmul %max3A_11, %get3A_14, %dot_general3A_18 {dimension_numbers = #tpu.dot_dimension_numbers<[1], [0], [0], [1], [0, 0, 1, 1], [], []>, transpose_lhs_hint = false} : vector<1024x128xf32>, vector<128x128xf32>, vector<1024x128xf32> -> vector<1024x128xf32>
    %add3A_20 = vector.broadcast %get3A_17 : vector<1x128xf32> to vector<1024x128xf32>
    %add3A_21 = arith.addf %dot_general3A_19, %add3A_20 : vector<1024x128xf32>
    %max3A_22 = arith.constant 0.000000e+00 : f32
    %max3A_23 = vector.broadcast %max3A_22 : f32 to vector<1024x128xf32>
    %max3A_24 = arith.maximumf %add3A_21, %max3A_23 : vector<1024x128xf32>
    %get3A_25 = arith.constant 0 : index
    %get3A_26 = arith.constant 0 : index
    %get3A_27 = vector.load %arg6[%get3A_25, %get3A_26] : memref<128x128xf32, #tpu.memory_space<vmem>>, vector<128x128xf32>
    %get3A_28 = arith.constant 0 : index
    %get3A_29 = arith.constant 0 : index
    %get3A_30 = vector.load %arg7[%get3A_28, %get3A_29] : memref<1x128xf32, #tpu.memory_space<vmem>>, vector<1x128xf32>
    %dot_general3A_31 = arith.constant dense<0.000000e+00> : vector<1024x128xf32>
    %dot_general3A_32 = tpu.matmul %max3A_24, %get3A_27, %dot_general3A_31 {dimension_numbers = #tpu.dot_dimension_numbers<[1], [0], [0], [1], [0, 0, 1, 1], [], []>, transpose_lhs_hint = false} : vector<1024x128xf32>, vector<128x128xf32>, vector<1024x128xf32> -> vector<1024x128xf32>
    %add3A_33 = vector.broadcast %get3A_30 : vector<1x128xf32> to vector<1024x128xf32>
    %add3A_34 = arith.addf %dot_general3A_32, %add3A_33 : vector<1024x128xf32>
    %max3A_35 = arith.constant 0.000000e+00 : f32
    %max3A_36 = vector.broadcast %max3A_35 : f32 to vector<1024x128xf32>
    %max3A_37 = arith.maximumf %add3A_34, %max3A_36 : vector<1024x128xf32>
    %get3A_38 = arith.constant 0 : index
    %get3A_39 = arith.constant 0 : index
    %get3A_40 = vector.load %arg8[%get3A_38, %get3A_39] : memref<128x128xf32, #tpu.memory_space<vmem>>, vector<128x128xf32>
    %get3A_41 = arith.constant 0 : index
    %get3A_42 = arith.constant 0 : index
    %get3A_43 = vector.load %arg9[%get3A_41, %get3A_42] : memref<1x128xf32, #tpu.memory_space<vmem>>, vector<1x128xf32>
    %dot_general3A_44 = arith.constant dense<0.000000e+00> : vector<1024x128xf32>
    %dot_general3A_45 = tpu.matmul %max3A_37, %get3A_40, %dot_general3A_44 {dimension_numbers = #tpu.dot_dimension_numbers<[1], [0], [0], [1], [0, 0, 1, 1], [], []>, transpose_lhs_hint = false} : vector<1024x128xf32>, vector<128x128xf32>, vector<1024x128xf32> -> vector<1024x128xf32>
    %add3A_46 = vector.broadcast %get3A_43 : vector<1x128xf32> to vector<1024x128xf32>
    %add3A_47 = arith.addf %dot_general3A_45, %add3A_46 : vector<1024x128xf32>
    %swap3A = arith.constant 0 : index
    %swap3A_48 = arith.constant 0 : index
    %swap3A_49 = vector.load %arg10[%swap3A, %swap3A_48] : memref<1024x128xf32, #tpu.memory_space<vmem>>, vector<1024x128xf32>
    tpu.vector_store %arg10[%swap3A, %swap3A_48], %add3A_47 {strides = array<i32>} : memref<1024x128xf32, #tpu.memory_space<vmem>>, vector<1024x128xf32>,
    return
  }
  func.func @transform_0(%arg0: i32) -> (i32, i32) {
    %c0_i32 = arith.constant 0 : i32
    %c0_i32_0 = arith.constant 0 : i32
    return %arg0, %c0_i32 : i32, i32
  }
  func.func @transform_1(%arg0: i32) -> (i32, i32) {
    %c0_i32 = arith.constant 0 : i32
    %c0_i32_0 = arith.constant 0 : i32
    %c0_i32_1 = arith.constant 0 : i32
    return %c0_i32, %c0_i32_0 : i32, i32
  }
  func.func @transform_2(%arg0: i32) -> (i32, i32) {
    %c0_i32 = arith.constant 0 : i32
    %c0_i32_0 = arith.constant 0 : i32
    %c0_i32_1 = arith.constant 0 : i32
    return %c0_i32, %c0_i32_0 : i32, i32
  }
  func.func @transform_3(%arg0: i32) -> (i32, i32) {
    %c0_i32 = arith.constant 0 : i32
    %c0_i32_0 = arith.constant 0 : i32
    %c0_i32_1 = arith.constant 0 : i32
    return %c0_i32, %c0_i32_0 : i32, i32
  }
  func.func @transform_4(%arg0: i32) -> (i32, i32) {
    %c0_i32 = arith.constant 0 : i32
    %c0_i32_0 = arith.constant 0 : i32
    %c0_i32_1 = arith.constant 0 : i32
    return %c0_i32, %c0_i32_0 : i32, i32
  }
  func.func @transform_5(%arg0: i32) -> (i32, i32) {
    %c0_i32 = arith.constant 0 : i32
    %c0_i32_0 = arith.constant 0 : i32
    %c0_i32_1 = arith.constant 0 : i32
    return %c0_i32, %c0_i32_0 : i32, i32
  }
  func.func @transform_6(%arg0: i32) -> (i32, i32) {
    %c0_i32 = arith.constant 0 : i32
    %c0_i32_0 = arith.constant 0 : i32
    %c0_i32_1 = arith.constant 0 : i32
    return %c0_i32, %c0_i32_0 : i32, i32
  }
  func.func @transform_7(%arg0: i32) -> (i32, i32) {
    %c0_i32 = arith.constant 0 : i32
    %c0_i32_0 = arith.constant 0 : i32
    %c0_i32_1 = arith.constant 0 : i32
    return %c0_i32, %c0_i32_0 : i32, i32
  }
  func.func @transform_8(%arg0: i32) -> (i32, i32) {
    %c0_i32 = arith.constant 0 : i32
    %c0_i32_0 = arith.constant 0 : i32
    %c0_i32_1 = arith.constant 0 : i32
    return %c0_i32, %c0_i32_0 : i32, i32
  }
  func.func @transform_9(%arg0: i32) -> (i32, i32) {
    %c0_i32 = arith.constant 0 : i32
    %c0_i32_0 = arith.constant 0 : i32
    return %arg0, %c0_i32 : i32, i32
  }
}

module attributes {stable_mosaic.version = 14 : i64} {
  func.func @_gn_edge_body(%arg0: i32, %arg1: memref<596xi32, #tpu.memory_space<smem>>, %arg2: memref<596xi32, #tpu.memory_space<smem>>, %arg3: memref<596xi32, #tpu.memory_space<smem>>, %arg4: memref<596xi32, #tpu.memory_space<smem>>, %arg5: memref<1024x1xi32, #tpu.memory_space<vmem>>, %arg6: memref<1024x1xi32, #tpu.memory_space<vmem>>, %arg7: memref<1024x128xf32, #tpu.memory_space<vmem>>, %arg8: memref<1024x128xf32, #tpu.memory_space<vmem>>, %arg9: memref<1024x128xf32, #tpu.memory_space<vmem>>, %arg10: memref<1024x128xf32, #tpu.memory_space<vmem>>, %arg11: memref<128x128xf32, #tpu.memory_space<vmem>>, %arg12: memref<128x128xf32, #tpu.memory_space<vmem>>, %arg13: memref<128x128xf32, #tpu.memory_space<vmem>>, %arg14: memref<1x128xf32, #tpu.memory_space<vmem>>, %arg15: memref<128x128xf32, #tpu.memory_space<vmem>>, %arg16: memref<1x128xf32, #tpu.memory_space<vmem>>, %arg17: memref<128x128xf32, #tpu.memory_space<vmem>>, %arg18: memref<1x128xf32, #tpu.memory_space<vmem>>, %arg19: memref<128x128xf32, #tpu.memory_space<vmem>>, %arg20: memref<1x128xf32, #tpu.memory_space<vmem>>, %arg21: memref<1024x128xf32, #tpu.memory_space<vmem>>, %arg22: memref<1024x128xf32, #tpu.memory_space<vmem>>) attributes {dimension_semantics = [#tpu.dimension_semantics<arbitrary>], iteration_bounds = array<i64: 596>, scalar_prefetch = 4 : i64, scratch_operands = 0 : i64, tpu.core_type = #tpu.core_type<tc>, window_params = [{transform_indices = @transform_0, window_bounds = array<i64: 1024, 1>}, {transform_indices = @transform_1, window_bounds = array<i64: 1024, 1>}, {transform_indices = @transform_2, window_bounds = array<i64: 1024, 128>}, {transform_indices = @transform_3, window_bounds = array<i64: 1024, 128>}, {transform_indices = @transform_4, window_bounds = array<i64: 1024, 128>}, {transform_indices = @transform_5, window_bounds = array<i64: 1024, 128>}, {pipeline_mode = #tpu.pipeline_mode<synchronous>, transform_indices = @transform_6, window_bounds = array<i64: 128, 128>}, {pipeline_mode = #tpu.pipeline_mode<synchronous>, transform_indices = @transform_7, window_bounds = array<i64: 128, 128>}, {pipeline_mode = #tpu.pipeline_mode<synchronous>, transform_indices = @transform_8, window_bounds = array<i64: 128, 128>}, {pipeline_mode = #tpu.pipeline_mode<synchronous>, transform_indices = @transform_9, window_bounds = array<i64: 1, 128>}, {pipeline_mode = #tpu.pipeline_mode<synchronous>, transform_indices = @transform_10, window_bounds = array<i64: 128, 128>}, {pipeline_mode = #tpu.pipeline_mode<synchronous>, transform_indices = @transform_11, window_bounds = array<i64: 1, 128>}, {pipeline_mode = #tpu.pipeline_mode<synchronous>, transform_indices = @transform_12, window_bounds = array<i64: 128, 128>}, {pipeline_mode = #tpu.pipeline_mode<synchronous>, transform_indices = @transform_13, window_bounds = array<i64: 1, 128>}, {pipeline_mode = #tpu.pipeline_mode<synchronous>, transform_indices = @transform_14, window_bounds = array<i64: 128, 128>}, {pipeline_mode = #tpu.pipeline_mode<synchronous>, transform_indices = @transform_15, window_bounds = array<i64: 1, 128>}, {transform_indices = @transform_16, window_bounds = array<i64: 1024, 128>}, {transform_indices = @transform_17, window_bounds = array<i64: 1024, 128>}]} {
    %get3A = arith.index_cast %arg0 : i32 to index
    %get3A_0 = memref.load %arg3[%get3A] : memref<596xi32, #tpu.memory_space<smem>>
    %get3A_1 = arith.index_cast %arg0 : i32 to index
    %get3A_2 = memref.load %arg4[%get3A_1] : memref<596xi32, #tpu.memory_space<smem>>
    %eq3A = arith.constant 1 : i32
    %eq3A_3 = arith.cmpi eq, %get3A_0, %eq3A : i32
    %convert_element_type3A = arith.extui %eq3A_3 : i1 to i32
    %cond3A = arith.constant 0 : i32
    %cond3A_4 = arith.cmpi ne, %convert_element_type3A, %cond3A : i32
    scf.if %cond3A_4 {
      %broadcast_in_dim3A = arith.constant 0.000000e+00 : f32
      %broadcast_in_dim3A_15 = vector.broadcast %broadcast_in_dim3A : f32 to vector<1024x128xf32>
      %swap3A = arith.constant 0 : index
      %swap3A_16 = arith.constant 0 : index
      %swap3A_17 = vector.load %arg22[%swap3A, %swap3A_16] : memref<1024x128xf32, #tpu.memory_space<vmem>>, vector<1024x128xf32>
      tpu.vector_store %arg22[%swap3A, %swap3A_16], %broadcast_in_dim3A_15 {strides = array<i32>} : memref<1024x128xf32, #tpu.memory_space<vmem>>, vector<1024x128xf32>,
    } else {
    }
    %eq3A_5 = arith.constant 0 : i32
    %eq3A_6 = arith.cmpi eq, %get3A_2, %eq3A_5 : i32
    %convert_element_type3A_7 = arith.extui %eq3A_6 : i1 to i32
    %cond3A_8 = arith.constant 0 : i32
    %cond3A_9 = arith.cmpi ne, %convert_element_type3A_7, %cond3A_8 : i32
    scf.if %cond3A_9 {
      %get3A_15 = arith.constant 0 : index
      %get3A_16 = arith.constant 0 : index
      %get3A_17 = vector.load %arg7[%get3A_15, %get3A_16] : memref<1024x128xf32, #tpu.memory_space<vmem>>, vector<1024x128xf32>
      %swap3A = arith.constant 0 : index
      %swap3A_18 = arith.constant 0 : index
      %swap3A_19 = vector.load %arg21[%swap3A, %swap3A_18] : memref<1024x128xf32, #tpu.memory_space<vmem>>, vector<1024x128xf32>
      tpu.vector_store %arg21[%swap3A, %swap3A_18], %get3A_17 {strides = array<i32>} : memref<1024x128xf32, #tpu.memory_space<vmem>>, vector<1024x128xf32>,
    } else {
    }
    %eq3A_10 = arith.constant 1 : i32
    %eq3A_11 = arith.cmpi eq, %get3A_2, %eq3A_10 : i32
    %convert_element_type3A_12 = arith.extui %eq3A_11 : i1 to i32
    %cond3A_13 = arith.constant 0 : i32
    %cond3A_14 = arith.cmpi ne, %convert_element_type3A_12, %cond3A_13 : i32
    scf.if %cond3A_14 {
      %get3A_15 = arith.index_cast %arg0 : i32 to index
      %get3A_16 = memref.load %arg2[%get3A_15] : memref<596xi32, #tpu.memory_space<smem>>
      %mul3A = arith.constant 1024 : i32
      %mul3A_17 = arith.muli %get3A_16, %mul3A : i32
      %get3A_18 = arith.index_cast %arg0 : i32 to index
      %get3A_19 = memref.load %arg1[%get3A_18] : memref<596xi32, #tpu.memory_space<smem>>
      %mul3A_20 = arith.constant 1024 : i32
      %mul3A_21 = arith.muli %get3A_19, %mul3A_20 : i32
      %get3A_22 = arith.constant 0 : index
      %get3A_23 = arith.constant 0 : index
      %get3A_24 = vector.load %arg5[%get3A_22, %get3A_23] : memref<1024x1xi32, #tpu.memory_space<vmem>>, vector<1024x1xi32>
      %get3A_25 = arith.constant 0 : index
      %get3A_26 = arith.constant 0 : index
      %get3A_27 = vector.load %arg6[%get3A_25, %get3A_26] : memref<1024x1xi32, #tpu.memory_space<vmem>>, vector<1024x1xi32>
      %sub3A = vector.broadcast %mul3A_17 : i32 to vector<1024x1xi32>
      %sub3A_28 = arith.subi %get3A_24, %sub3A : vector<1024x1xi32>
      %sub3A_29 = vector.broadcast %mul3A_21 : i32 to vector<1024x1xi32>
      %sub3A_30 = arith.subi %get3A_27, %sub3A_29 : vector<1024x1xi32>
      %iota3A = tpu.iota {dimensions = array<i32: 1>} : vector<1024x2048xi32>
      %eq3A_31 = vector.broadcast %sub3A_28 : vector<1024x1xi32> to vector<1024x2048xi32>
      %eq3A_32 = arith.cmpi eq, %eq3A_31, %iota3A : vector<1024x2048xi32>
      %convert_element_type3A_33 = arith.extui %eq3A_32 : vector<1024x2048xi1> to vector<1024x2048xi32>
      %convert_element_type3A_34 = arith.sitofp %convert_element_type3A_33 : vector<1024x2048xi32> to vector<1024x2048xf32>
      %convert_element_type3A_35 = arith.truncf %convert_element_type3A_34 : vector<1024x2048xf32> to vector<1024x2048xbf16>
      %iota3A_36 = tpu.iota {dimensions = array<i32: 1>} : vector<1024x1024xi32>
      %eq3A_37 = vector.broadcast %sub3A_30 : vector<1024x1xi32> to vector<1024x1024xi32>
      %eq3A_38 = arith.cmpi eq, %eq3A_37, %iota3A_36 : vector<1024x1024xi32>
      %convert_element_type3A_39 = arith.extui %eq3A_38 : vector<1024x1024xi1> to vector<1024x1024xi32>
      %convert_element_type3A_40 = arith.sitofp %convert_element_type3A_39 : vector<1024x1024xi32> to vector<1024x1024xf32>
      %convert_element_type3A_41 = arith.truncf %convert_element_type3A_40 : vector<1024x1024xf32> to vector<1024x1024xbf16>
      %get3A_42 = arith.constant 0 : index
      %get3A_43 = arith.constant 0 : index
      %get3A_44 = vector.load %arg8[%get3A_42, %get3A_43] : memref<1024x128xf32, #tpu.memory_space<vmem>>, vector<1024x128xf32>
      %get3A_45 = arith.constant 0 : index
      %get3A_46 = arith.constant 0 : index
      %get3A_47 = vector.load %arg9[%get3A_45, %get3A_46] : memref<1024x128xf32, #tpu.memory_space<vmem>>, vector<1024x128xf32>
      %concatenate3A = tpu.concatenate %get3A_44, %get3A_47 in 0 : vector<1024x128xf32>, vector<1024x128xf32> -> vector<2048x128xf32>
      %convert_element_type3A_48 = arith.truncf %concatenate3A : vector<2048x128xf32> to vector<2048x128xbf16>
      %convert_element_type3A_49 = arith.extf %convert_element_type3A_48 : vector<2048x128xbf16> to vector<2048x128xf32>
      %sub3A_50 = arith.subf %concatenate3A, %convert_element_type3A_49 : vector<2048x128xf32>
      %convert_element_type3A_51 = arith.truncf %sub3A_50 : vector<2048x128xf32> to vector<2048x128xbf16>
      %get3A_52 = arith.constant 0 : index
      %get3A_53 = arith.constant 0 : index
      %get3A_54 = vector.load %arg10[%get3A_52, %get3A_53] : memref<1024x128xf32, #tpu.memory_space<vmem>>, vector<1024x128xf32>
      %convert_element_type3A_55 = arith.truncf %get3A_54 : vector<1024x128xf32> to vector<1024x128xbf16>
      %convert_element_type3A_56 = arith.extf %convert_element_type3A_55 : vector<1024x128xbf16> to vector<1024x128xf32>
      %sub3A_57 = arith.subf %get3A_54, %convert_element_type3A_56 : vector<1024x128xf32>
      %convert_element_type3A_58 = arith.truncf %sub3A_57 : vector<1024x128xf32> to vector<1024x128xbf16>
      %dot_general3A = arith.constant dense<0.000000e+00> : vector<1024x128xf32>
      %dot_general3A_59 = tpu.matmul %convert_element_type3A_35, %convert_element_type3A_48, %dot_general3A {dimension_numbers = #tpu.dot_dimension_numbers<[1], [0], [0], [1], [0, 0, 1, 1], [], []>, transpose_lhs_hint = false} : vector<1024x2048xbf16>, vector<2048x128xbf16>, vector<1024x128xf32> -> vector<1024x128xf32>
      %dot_general3A_60 = arith.constant dense<0.000000e+00> : vector<1024x128xf32>
      %dot_general3A_61 = tpu.matmul %convert_element_type3A_35, %convert_element_type3A_51, %dot_general3A_60 {dimension_numbers = #tpu.dot_dimension_numbers<[1], [0], [0], [1], [0, 0, 1, 1], [], []>, transpose_lhs_hint = false} : vector<1024x2048xbf16>, vector<2048x128xbf16>, vector<1024x128xf32> -> vector<1024x128xf32>
      %add3A = arith.addf %dot_general3A_59, %dot_general3A_61 : vector<1024x128xf32>
      %dot_general3A_62 = arith.constant dense<0.000000e+00> : vector<1024x128xf32>
      %dot_general3A_63 = tpu.matmul %convert_element_type3A_41, %convert_element_type3A_55, %dot_general3A_62 {dimension_numbers = #tpu.dot_dimension_numbers<[1], [0], [0], [1], [0, 0, 1, 1], [], []>, transpose_lhs_hint = false} : vector<1024x1024xbf16>, vector<1024x128xbf16>, vector<1024x128xf32> -> vector<1024x128xf32>
      %dot_general3A_64 = arith.constant dense<0.000000e+00> : vector<1024x128xf32>
      %dot_general3A_65 = tpu.matmul %convert_element_type3A_41, %convert_element_type3A_58, %dot_general3A_64 {dimension_numbers = #tpu.dot_dimension_numbers<[1], [0], [0], [1], [0, 0, 1, 1], [], []>, transpose_lhs_hint = false} : vector<1024x1024xbf16>, vector<1024x128xbf16>, vector<1024x128xf32> -> vector<1024x128xf32>
      %add3A_66 = arith.addf %dot_general3A_63, %dot_general3A_65 : vector<1024x128xf32>
      %get3A_67 = arith.constant 0 : index
      %get3A_68 = arith.constant 0 : index
      %get3A_69 = vector.load %arg7[%get3A_67, %get3A_68] : memref<1024x128xf32, #tpu.memory_space<vmem>>, vector<1024x128xf32>
      %get3A_70 = arith.constant 0 : index
      %get3A_71 = arith.constant 0 : index
      %get3A_72 = vector.load %arg11[%get3A_70, %get3A_71] : memref<128x128xf32, #tpu.memory_space<vmem>>, vector<128x128xf32>
      %dot_general3A_73 = arith.constant dense<0.000000e+00> : vector<1024x128xf32>
      %dot_general3A_74 = tpu.matmul %add3A, %get3A_72, %dot_general3A_73 {dimension_numbers = #tpu.dot_dimension_numbers<[1], [0], [0], [1], [0, 0, 1, 1], [], []>, transpose_lhs_hint = false} : vector<1024x128xf32>, vector<128x128xf32>, vector<1024x128xf32> -> vector<1024x128xf32>
      %get3A_75 = arith.constant 0 : index
      %get3A_76 = arith.constant 0 : index
      %get3A_77 = vector.load %arg12[%get3A_75, %get3A_76] : memref<128x128xf32, #tpu.memory_space<vmem>>, vector<128x128xf32>
      %dot_general3A_78 = arith.constant dense<0.000000e+00> : vector<1024x128xf32>
      %dot_general3A_79 = tpu.matmul %add3A_66, %get3A_77, %dot_general3A_78 {dimension_numbers = #tpu.dot_dimension_numbers<[1], [0], [0], [1], [0, 0, 1, 1], [], []>, transpose_lhs_hint = false} : vector<1024x128xf32>, vector<128x128xf32>, vector<1024x128xf32> -> vector<1024x128xf32>
      %add3A_80 = arith.addf %dot_general3A_74, %dot_general3A_79 : vector<1024x128xf32>
      %get3A_81 = arith.constant 0 : index
      %get3A_82 = arith.constant 0 : index
      %get3A_83 = vector.load %arg13[%get3A_81, %get3A_82] : memref<128x128xf32, #tpu.memory_space<vmem>>, vector<128x128xf32>
      %dot_general3A_84 = arith.constant dense<0.000000e+00> : vector<1024x128xf32>
      %dot_general3A_85 = tpu.matmul %get3A_69, %get3A_83, %dot_general3A_84 {dimension_numbers = #tpu.dot_dimension_numbers<[1], [0], [0], [1], [0, 0, 1, 1], [], []>, transpose_lhs_hint = false} : vector<1024x128xf32>, vector<128x128xf32>, vector<1024x128xf32> -> vector<1024x128xf32>
      %add3A_86 = arith.addf %add3A_80, %dot_general3A_85 : vector<1024x128xf32>
      %get3A_87 = arith.constant 0 : index
      %get3A_88 = arith.constant 0 : index
      %get3A_89 = vector.load %arg14[%get3A_87, %get3A_88] : memref<1x128xf32, #tpu.memory_space<vmem>>, vector<1x128xf32>
      %add3A_90 = vector.broadcast %get3A_89 : vector<1x128xf32> to vector<1024x128xf32>
      %add3A_91 = arith.addf %add3A_86, %add3A_90 : vector<1024x128xf32>
      %max3A = arith.constant 0.000000e+00 : f32
      %max3A_92 = vector.broadcast %max3A : f32 to vector<1024x128xf32>
      %max3A_93 = arith.maximumf %add3A_91, %max3A_92 : vector<1024x128xf32>
      %get3A_94 = arith.constant 0 : index
      %get3A_95 = arith.constant 0 : index
      %get3A_96 = vector.load %arg15[%get3A_94, %get3A_95] : memref<128x128xf32, #tpu.memory_space<vmem>>, vector<128x128xf32>
      %dot_general3A_97 = arith.constant dense<0.000000e+00> : vector<1024x128xf32>
      %dot_general3A_98 = tpu.matmul %max3A_93, %get3A_96, %dot_general3A_97 {dimension_numbers = #tpu.dot_dimension_numbers<[1], [0], [0], [1], [0, 0, 1, 1], [], []>, transpose_lhs_hint = false} : vector<1024x128xf32>, vector<128x128xf32>, vector<1024x128xf32> -> vector<1024x128xf32>
      %get3A_99 = arith.constant 0 : index
      %get3A_100 = arith.constant 0 : index
      %get3A_101 = vector.load %arg16[%get3A_99, %get3A_100] : memref<1x128xf32, #tpu.memory_space<vmem>>, vector<1x128xf32>
      %add3A_102 = vector.broadcast %get3A_101 : vector<1x128xf32> to vector<1024x128xf32>
      %add3A_103 = arith.addf %dot_general3A_98, %add3A_102 : vector<1024x128xf32>
      %max3A_104 = arith.constant 0.000000e+00 : f32
      %max3A_105 = vector.broadcast %max3A_104 : f32 to vector<1024x128xf32>
      %max3A_106 = arith.maximumf %add3A_103, %max3A_105 : vector<1024x128xf32>
      %get3A_107 = arith.constant 0 : index
      %get3A_108 = arith.constant 0 : index
      %get3A_109 = vector.load %arg17[%get3A_107, %get3A_108] : memref<128x128xf32, #tpu.memory_space<vmem>>, vector<128x128xf32>
      %dot_general3A_110 = arith.constant dense<0.000000e+00> : vector<1024x128xf32>
      %dot_general3A_111 = tpu.matmul %max3A_106, %get3A_109, %dot_general3A_110 {dimension_numbers = #tpu.dot_dimension_numbers<[1], [0], [0], [1], [0, 0, 1, 1], [], []>, transpose_lhs_hint = false} : vector<1024x128xf32>, vector<128x128xf32>, vector<1024x128xf32> -> vector<1024x128xf32>
      %get3A_112 = arith.constant 0 : index
      %get3A_113 = arith.constant 0 : index
      %get3A_114 = vector.load %arg18[%get3A_112, %get3A_113] : memref<1x128xf32, #tpu.memory_space<vmem>>, vector<1x128xf32>
      %add3A_115 = vector.broadcast %get3A_114 : vector<1x128xf32> to vector<1024x128xf32>
      %add3A_116 = arith.addf %dot_general3A_111, %add3A_115 : vector<1024x128xf32>
      %max3A_117 = arith.constant 0.000000e+00 : f32
      %max3A_118 = vector.broadcast %max3A_117 : f32 to vector<1024x128xf32>
      %max3A_119 = arith.maximumf %add3A_116, %max3A_118 : vector<1024x128xf32>
      %get3A_120 = arith.constant 0 : index
      %get3A_121 = arith.constant 0 : index
      %get3A_122 = vector.load %arg19[%get3A_120, %get3A_121] : memref<128x128xf32, #tpu.memory_space<vmem>>, vector<128x128xf32>
      %dot_general3A_123 = arith.constant dense<0.000000e+00> : vector<1024x128xf32>
      %dot_general3A_124 = tpu.matmul %max3A_119, %get3A_122, %dot_general3A_123 {dimension_numbers = #tpu.dot_dimension_numbers<[1], [0], [0], [1], [0, 0, 1, 1], [], []>, transpose_lhs_hint = false} : vector<1024x128xf32>, vector<128x128xf32>, vector<1024x128xf32> -> vector<1024x128xf32>
      %get3A_125 = arith.constant 0 : index
      %get3A_126 = arith.constant 0 : index
      %get3A_127 = vector.load %arg20[%get3A_125, %get3A_126] : memref<1x128xf32, #tpu.memory_space<vmem>>, vector<1x128xf32>
      %add3A_128 = vector.broadcast %get3A_127 : vector<1x128xf32> to vector<1024x128xf32>
      %add3A_129 = arith.addf %dot_general3A_124, %add3A_128 : vector<1024x128xf32>
      %lt3A = arith.constant 10000 : i32
      %lt3A_130 = vector.broadcast %lt3A : i32 to vector<1024x1xi32>
      %lt3A_131 = arith.cmpi slt, %get3A_24, %lt3A_130 : vector<1024x1xi32>
      %lt3A_132 = arith.constant 10000 : i32
      %lt3A_133 = vector.broadcast %lt3A_132 : i32 to vector<1024x1xi32>
      %lt3A_134 = arith.cmpi slt, %get3A_27, %lt3A_133 : vector<1024x1xi32>
      %and3A = arith.andi %lt3A_131, %lt3A_134 : vector<1024x1xi1>
      %jit3A = arith.constant 0.000000e+00 : f32
      %broadcast_in_dim3A = vector.shape_cast %and3A : vector<1024x1xi1> to vector<1024x1xi1>
      %broadcast_in_dim3A_135 = vector.broadcast %broadcast_in_dim3A : vector<1024x1xi1> to vector<1024x128xi1>
      %broadcast_in_dim3A_136 = vector.broadcast %jit3A : f32 to vector<1024x128xf32>
      %select_n3A = arith.select %broadcast_in_dim3A_135, %add3A_129, %broadcast_in_dim3A_136 : vector<1024x128xi1>, vector<1024x128xf32>
      %add3A_137 = arith.addf %get3A_69, %select_n3A : vector<1024x128xf32>
      %swap3A = arith.constant 0 : index
      %swap3A_138 = arith.constant 0 : index
      %swap3A_139 = vector.load %arg21[%swap3A, %swap3A_138] : memref<1024x128xf32, #tpu.memory_space<vmem>>, vector<1024x128xf32>
      tpu.vector_store %arg21[%swap3A, %swap3A_138], %add3A_137 {strides = array<i32>} : memref<1024x128xf32, #tpu.memory_space<vmem>>, vector<1024x128xf32>,
      %convert_element_type3A_140 = arith.truncf %select_n3A : vector<1024x128xf32> to vector<1024x128xbf16>
      %convert_element_type3A_141 = arith.extf %convert_element_type3A_140 : vector<1024x128xbf16> to vector<1024x128xf32>
      %sub3A_142 = arith.subf %select_n3A, %convert_element_type3A_141 : vector<1024x128xf32>
      %convert_element_type3A_143 = arith.truncf %sub3A_142 : vector<1024x128xf32> to vector<1024x128xbf16>
      %dot_general3A_144 = arith.constant dense<0.000000e+00> : vector<1024x128xf32>
      %dot_general3A_145 = tpu.matmul %convert_element_type3A_41, %convert_element_type3A_140, %dot_general3A_144 {dimension_numbers = #tpu.dot_dimension_numbers<[0], [0], [1], [1], [0, 1, 1, 1], [], []>, transpose_lhs_hint = false} : vector<1024x1024xbf16>, vector<1024x128xbf16>, vector<1024x128xf32> -> vector<1024x128xf32>
      %dot_general3A_146 = arith.constant dense<0.000000e+00> : vector<1024x128xf32>
      %dot_general3A_147 = tpu.matmul %convert_element_type3A_41, %convert_element_type3A_143, %dot_general3A_146 {dimension_numbers = #tpu.dot_dimension_numbers<[0], [0], [1], [1], [0, 1, 1, 1], [], []>, transpose_lhs_hint = false} : vector<1024x1024xbf16>, vector<1024x128xbf16>, vector<1024x128xf32> -> vector<1024x128xf32>
      %add3A_148 = arith.addf %dot_general3A_145, %dot_general3A_147 : vector<1024x128xf32>
      %get3A_149 = arith.constant 0 : index
      %get3A_150 = arith.constant 0 : index
      %get3A_151 = vector.load %arg22[%get3A_149, %get3A_150] : memref<1024x128xf32, #tpu.memory_space<vmem>>, vector<1024x128xf32>
      %add3A_152 = arith.addf %get3A_151, %add3A_148 : vector<1024x128xf32>
      %swap3A_153 = arith.constant 0 : index
      %swap3A_154 = arith.constant 0 : index
      %swap3A_155 = vector.load %arg22[%swap3A_153, %swap3A_154] : memref<1024x128xf32, #tpu.memory_space<vmem>>, vector<1024x128xf32>
      tpu.vector_store %arg22[%swap3A_153, %swap3A_154], %add3A_152 {strides = array<i32>} : memref<1024x128xf32, #tpu.memory_space<vmem>>, vector<1024x128xf32>,
    } else {
    }
    return
  }
  func.func @transform_0(%arg0: i32, %arg1: memref<596xi32, #tpu.memory_space<smem>>, %arg2: memref<596xi32, #tpu.memory_space<smem>>, %arg3: memref<596xi32, #tpu.memory_space<smem>>, %arg4: memref<596xi32, #tpu.memory_space<smem>>) -> (i32, i32) {
    %c0_i32 = arith.constant 0 : i32
    %c0_i32_0 = arith.constant 0 : i32
    return %arg0, %c0_i32 : i32, i32
  }
  func.func @transform_1(%arg0: i32, %arg1: memref<596xi32, #tpu.memory_space<smem>>, %arg2: memref<596xi32, #tpu.memory_space<smem>>, %arg3: memref<596xi32, #tpu.memory_space<smem>>, %arg4: memref<596xi32, #tpu.memory_space<smem>>) -> (i32, i32) {
    %c0_i32 = arith.constant 0 : i32
    %c0_i32_0 = arith.constant 0 : i32
    return %arg0, %c0_i32 : i32, i32
  }
  func.func @transform_2(%arg0: i32, %arg1: memref<596xi32, #tpu.memory_space<smem>>, %arg2: memref<596xi32, #tpu.memory_space<smem>>, %arg3: memref<596xi32, #tpu.memory_space<smem>>, %arg4: memref<596xi32, #tpu.memory_space<smem>>) -> (i32, i32) {
    %c0_i32 = arith.constant 0 : i32
    %c0_i32_0 = arith.constant 0 : i32
    return %arg0, %c0_i32 : i32, i32
  }
  func.func @transform_3(%arg0: i32, %arg1: memref<596xi32, #tpu.memory_space<smem>>, %arg2: memref<596xi32, #tpu.memory_space<smem>>, %arg3: memref<596xi32, #tpu.memory_space<smem>>, %arg4: memref<596xi32, #tpu.memory_space<smem>>) -> (i32, i32) {
    %get3A = arith.index_cast %arg0 : i32 to index
    %get3A_0 = memref.load %arg2[%get3A] : memref<596xi32, #tpu.memory_space<smem>>
    %c0_i32 = arith.constant 0 : i32
    %c0_i32_1 = arith.constant 0 : i32
    return %get3A_0, %c0_i32 : i32, i32
  }
  func.func @transform_4(%arg0: i32, %arg1: memref<596xi32, #tpu.memory_space<smem>>, %arg2: memref<596xi32, #tpu.memory_space<smem>>, %arg3: memref<596xi32, #tpu.memory_space<smem>>, %arg4: memref<596xi32, #tpu.memory_space<smem>>) -> (i32, i32) {
    %get3A = arith.index_cast %arg0 : i32 to index
    %get3A_0 = memref.load %arg2[%get3A] : memref<596xi32, #tpu.memory_space<smem>>
    %add3A = arith.constant 1 : i32
    %add3A_1 = arith.addi %get3A_0, %add3A : i32
    %c0_i32 = arith.constant 0 : i32
    %c0_i32_2 = arith.constant 0 : i32
    return %add3A_1, %c0_i32 : i32, i32
  }
  func.func @transform_5(%arg0: i32, %arg1: memref<596xi32, #tpu.memory_space<smem>>, %arg2: memref<596xi32, #tpu.memory_space<smem>>, %arg3: memref<596xi32, #tpu.memory_space<smem>>, %arg4: memref<596xi32, #tpu.memory_space<smem>>) -> (i32, i32) {
    %get3A = arith.index_cast %arg0 : i32 to index
    %get3A_0 = memref.load %arg1[%get3A] : memref<596xi32, #tpu.memory_space<smem>>
    %c0_i32 = arith.constant 0 : i32
    %c0_i32_1 = arith.constant 0 : i32
    return %get3A_0, %c0_i32 : i32, i32
  }
  func.func @transform_6(%arg0: i32, %arg1: memref<596xi32, #tpu.memory_space<smem>>, %arg2: memref<596xi32, #tpu.memory_space<smem>>, %arg3: memref<596xi32, #tpu.memory_space<smem>>, %arg4: memref<596xi32, #tpu.memory_space<smem>>) -> (i32, i32) {
    %c0_i32 = arith.constant 0 : i32
    %c0_i32_0 = arith.constant 0 : i32
    %c0_i32_1 = arith.constant 0 : i32
    return %c0_i32, %c0_i32_0 : i32, i32
  }
  func.func @transform_7(%arg0: i32, %arg1: memref<596xi32, #tpu.memory_space<smem>>, %arg2: memref<596xi32, #tpu.memory_space<smem>>, %arg3: memref<596xi32, #tpu.memory_space<smem>>, %arg4: memref<596xi32, #tpu.memory_space<smem>>) -> (i32, i32) {
    %c0_i32 = arith.constant 0 : i32
    %c0_i32_0 = arith.constant 0 : i32
    %c0_i32_1 = arith.constant 0 : i32
    return %c0_i32, %c0_i32_0 : i32, i32
  }
  func.func @transform_8(%arg0: i32, %arg1: memref<596xi32, #tpu.memory_space<smem>>, %arg2: memref<596xi32, #tpu.memory_space<smem>>, %arg3: memref<596xi32, #tpu.memory_space<smem>>, %arg4: memref<596xi32, #tpu.memory_space<smem>>) -> (i32, i32) {
    %c0_i32 = arith.constant 0 : i32
    %c0_i32_0 = arith.constant 0 : i32
    %c0_i32_1 = arith.constant 0 : i32
    return %c0_i32, %c0_i32_0 : i32, i32
  }
  func.func @transform_9(%arg0: i32, %arg1: memref<596xi32, #tpu.memory_space<smem>>, %arg2: memref<596xi32, #tpu.memory_space<smem>>, %arg3: memref<596xi32, #tpu.memory_space<smem>>, %arg4: memref<596xi32, #tpu.memory_space<smem>>) -> (i32, i32) {
    %c0_i32 = arith.constant 0 : i32
    %c0_i32_0 = arith.constant 0 : i32
    %c0_i32_1 = arith.constant 0 : i32
    return %c0_i32, %c0_i32_0 : i32, i32
  }
  func.func @transform_10(%arg0: i32, %arg1: memref<596xi32, #tpu.memory_space<smem>>, %arg2: memref<596xi32, #tpu.memory_space<smem>>, %arg3: memref<596xi32, #tpu.memory_space<smem>>, %arg4: memref<596xi32, #tpu.memory_space<smem>>) -> (i32, i32) {
    %c0_i32 = arith.constant 0 : i32
    %c0_i32_0 = arith.constant 0 : i32
    %c0_i32_1 = arith.constant 0 : i32
    return %c0_i32, %c0_i32_0 : i32, i32
  }
  func.func @transform_11(%arg0: i32, %arg1: memref<596xi32, #tpu.memory_space<smem>>, %arg2: memref<596xi32, #tpu.memory_space<smem>>, %arg3: memref<596xi32, #tpu.memory_space<smem>>, %arg4: memref<596xi32, #tpu.memory_space<smem>>) -> (i32, i32) {
    %c0_i32 = arith.constant 0 : i32
    %c0_i32_0 = arith.constant 0 : i32
    %c0_i32_1 = arith.constant 0 : i32
    return %c0_i32, %c0_i32_0 : i32, i32
  }
  func.func @transform_12(%arg0: i32, %arg1: memref<596xi32, #tpu.memory_space<smem>>, %arg2: memref<596xi32, #tpu.memory_space<smem>>, %arg3: memref<596xi32, #tpu.memory_space<smem>>, %arg4: memref<596xi32, #tpu.memory_space<smem>>) -> (i32, i32) {
    %c0_i32 = arith.constant 0 : i32
    %c0_i32_0 = arith.constant 0 : i32
    %c0_i32_1 = arith.constant 0 : i32
    return %c0_i32, %c0_i32_0 : i32, i32
  }
  func.func @transform_13(%arg0: i32, %arg1: memref<596xi32, #tpu.memory_space<smem>>, %arg2: memref<596xi32, #tpu.memory_space<smem>>, %arg3: memref<596xi32, #tpu.memory_space<smem>>, %arg4: memref<596xi32, #tpu.memory_space<smem>>) -> (i32, i32) {
    %c0_i32 = arith.constant 0 : i32
    %c0_i32_0 = arith.constant 0 : i32
    %c0_i32_1 = arith.constant 0 : i32
    return %c0_i32, %c0_i32_0 : i32, i32
  }
  func.func @transform_14(%arg0: i32, %arg1: memref<596xi32, #tpu.memory_space<smem>>, %arg2: memref<596xi32, #tpu.memory_space<smem>>, %arg3: memref<596xi32, #tpu.memory_space<smem>>, %arg4: memref<596xi32, #tpu.memory_space<smem>>) -> (i32, i32) {
    %c0_i32 = arith.constant 0 : i32
    %c0_i32_0 = arith.constant 0 : i32
    %c0_i32_1 = arith.constant 0 : i32
    return %c0_i32, %c0_i32_0 : i32, i32
  }
  func.func @transform_15(%arg0: i32, %arg1: memref<596xi32, #tpu.memory_space<smem>>, %arg2: memref<596xi32, #tpu.memory_space<smem>>, %arg3: memref<596xi32, #tpu.memory_space<smem>>, %arg4: memref<596xi32, #tpu.memory_space<smem>>) -> (i32, i32) {
    %c0_i32 = arith.constant 0 : i32
    %c0_i32_0 = arith.constant 0 : i32
    %c0_i32_1 = arith.constant 0 : i32
    return %c0_i32, %c0_i32_0 : i32, i32
  }
  func.func @transform_16(%arg0: i32, %arg1: memref<596xi32, #tpu.memory_space<smem>>, %arg2: memref<596xi32, #tpu.memory_space<smem>>, %arg3: memref<596xi32, #tpu.memory_space<smem>>, %arg4: memref<596xi32, #tpu.memory_space<smem>>) -> (i32, i32) {
    %c0_i32 = arith.constant 0 : i32
    %c0_i32_0 = arith.constant 0 : i32
    return %arg0, %c0_i32 : i32, i32
  }
  func.func @transform_17(%arg0: i32, %arg1: memref<596xi32, #tpu.memory_space<smem>>, %arg2: memref<596xi32, #tpu.memory_space<smem>>, %arg3: memref<596xi32, #tpu.memory_space<smem>>, %arg4: memref<596xi32, #tpu.memory_space<smem>>) -> (i32, i32) {
    %get3A = arith.index_cast %arg0 : i32 to index
    %get3A_0 = memref.load %arg1[%get3A] : memref<596xi32, #tpu.memory_space<smem>>
    %c0_i32 = arith.constant 0 : i32
    %c0_i32_1 = arith.constant 0 : i32
    return %get3A_0, %c0_i32 : i32, i32
  }
}

module attributes {stable_mosaic.version = 14 : i64} {
  func.func @_node_body(%arg0: i32, %arg1: memref<1024x128xf32, #tpu.memory_space<vmem>>, %arg2: memref<1024x128xf32, #tpu.memory_space<vmem>>, %arg3: memref<128x128xf32, #tpu.memory_space<vmem>>, %arg4: memref<128x128xf32, #tpu.memory_space<vmem>>, %arg5: memref<1x128xf32, #tpu.memory_space<vmem>>, %arg6: memref<128x128xf32, #tpu.memory_space<vmem>>, %arg7: memref<1x128xf32, #tpu.memory_space<vmem>>, %arg8: memref<128x128xf32, #tpu.memory_space<vmem>>, %arg9: memref<1x128xf32, #tpu.memory_space<vmem>>, %arg10: memref<128x128xf32, #tpu.memory_space<vmem>>, %arg11: memref<1x128xf32, #tpu.memory_space<vmem>>, %arg12: memref<1024x128xf32, #tpu.memory_space<vmem>>) attributes {dimension_semantics = [#tpu.dimension_semantics<arbitrary>], iteration_bounds = array<i64: 10>, scalar_prefetch = 0 : i64, scratch_operands = 0 : i64, tpu.core_type = #tpu.core_type<tc>, window_params = [{transform_indices = @transform_0, window_bounds = array<i64: 1024, 128>}, {transform_indices = @transform_1, window_bounds = array<i64: 1024, 128>}, {pipeline_mode = #tpu.pipeline_mode<synchronous>, transform_indices = @transform_2, window_bounds = array<i64: 128, 128>}, {pipeline_mode = #tpu.pipeline_mode<synchronous>, transform_indices = @transform_3, window_bounds = array<i64: 128, 128>}, {pipeline_mode = #tpu.pipeline_mode<synchronous>, transform_indices = @transform_4, window_bounds = array<i64: 1, 128>}, {pipeline_mode = #tpu.pipeline_mode<synchronous>, transform_indices = @transform_5, window_bounds = array<i64: 128, 128>}, {pipeline_mode = #tpu.pipeline_mode<synchronous>, transform_indices = @transform_6, window_bounds = array<i64: 1, 128>}, {pipeline_mode = #tpu.pipeline_mode<synchronous>, transform_indices = @transform_7, window_bounds = array<i64: 128, 128>}, {pipeline_mode = #tpu.pipeline_mode<synchronous>, transform_indices = @transform_8, window_bounds = array<i64: 1, 128>}, {pipeline_mode = #tpu.pipeline_mode<synchronous>, transform_indices = @transform_9, window_bounds = array<i64: 128, 128>}, {pipeline_mode = #tpu.pipeline_mode<synchronous>, transform_indices = @transform_10, window_bounds = array<i64: 1, 128>}, {transform_indices = @transform_11, window_bounds = array<i64: 1024, 128>}]} {
    %get3A = arith.constant 0 : index
    %get3A_0 = arith.constant 0 : index
    %get3A_1 = vector.load %arg1[%get3A, %get3A_0] : memref<1024x128xf32, #tpu.memory_space<vmem>>, vector<1024x128xf32>
    %get3A_2 = arith.constant 0 : index
    %get3A_3 = arith.constant 0 : index
    %get3A_4 = vector.load %arg3[%get3A_2, %get3A_3] : memref<128x128xf32, #tpu.memory_space<vmem>>, vector<128x128xf32>
    %dot_general3A = arith.constant dense<0.000000e+00> : vector<1024x128xf32>
    %dot_general3A_5 = tpu.matmul %get3A_1, %get3A_4, %dot_general3A {dimension_numbers = #tpu.dot_dimension_numbers<[1], [0], [0], [1], [0, 0, 1, 1], [], []>, transpose_lhs_hint = false} : vector<1024x128xf32>, vector<128x128xf32>, vector<1024x128xf32> -> vector<1024x128xf32>
    %get3A_6 = arith.constant 0 : index
    %get3A_7 = arith.constant 0 : index
    %get3A_8 = vector.load %arg2[%get3A_6, %get3A_7] : memref<1024x128xf32, #tpu.memory_space<vmem>>, vector<1024x128xf32>
    %get3A_9 = arith.constant 0 : index
    %get3A_10 = arith.constant 0 : index
    %get3A_11 = vector.load %arg4[%get3A_9, %get3A_10] : memref<128x128xf32, #tpu.memory_space<vmem>>, vector<128x128xf32>
    %dot_general3A_12 = arith.constant dense<0.000000e+00> : vector<1024x128xf32>
    %dot_general3A_13 = tpu.matmul %get3A_8, %get3A_11, %dot_general3A_12 {dimension_numbers = #tpu.dot_dimension_numbers<[1], [0], [0], [1], [0, 0, 1, 1], [], []>, transpose_lhs_hint = false} : vector<1024x128xf32>, vector<128x128xf32>, vector<1024x128xf32> -> vector<1024x128xf32>
    %add3A = arith.addf %dot_general3A_5, %dot_general3A_13 : vector<1024x128xf32>
    %get3A_14 = arith.constant 0 : index
    %get3A_15 = arith.constant 0 : index
    %get3A_16 = vector.load %arg5[%get3A_14, %get3A_15] : memref<1x128xf32, #tpu.memory_space<vmem>>, vector<1x128xf32>
    %add3A_17 = vector.broadcast %get3A_16 : vector<1x128xf32> to vector<1024x128xf32>
    %add3A_18 = arith.addf %add3A, %add3A_17 : vector<1024x128xf32>
    %max3A = arith.constant 0.000000e+00 : f32
    %max3A_19 = vector.broadcast %max3A : f32 to vector<1024x128xf32>
    %max3A_20 = arith.maximumf %add3A_18, %max3A_19 : vector<1024x128xf32>
    %get3A_21 = arith.constant 0 : index
    %get3A_22 = arith.constant 0 : index
    %get3A_23 = vector.load %arg6[%get3A_21, %get3A_22] : memref<128x128xf32, #tpu.memory_space<vmem>>, vector<128x128xf32>
    %dot_general3A_24 = arith.constant dense<0.000000e+00> : vector<1024x128xf32>
    %dot_general3A_25 = tpu.matmul %max3A_20, %get3A_23, %dot_general3A_24 {dimension_numbers = #tpu.dot_dimension_numbers<[1], [0], [0], [1], [0, 0, 1, 1], [], []>, transpose_lhs_hint = false} : vector<1024x128xf32>, vector<128x128xf32>, vector<1024x128xf32> -> vector<1024x128xf32>
    %get3A_26 = arith.constant 0 : index
    %get3A_27 = arith.constant 0 : index
    %get3A_28 = vector.load %arg7[%get3A_26, %get3A_27] : memref<1x128xf32, #tpu.memory_space<vmem>>, vector<1x128xf32>
    %add3A_29 = vector.broadcast %get3A_28 : vector<1x128xf32> to vector<1024x128xf32>
    %add3A_30 = arith.addf %dot_general3A_25, %add3A_29 : vector<1024x128xf32>
    %max3A_31 = arith.constant 0.000000e+00 : f32
    %max3A_32 = vector.broadcast %max3A_31 : f32 to vector<1024x128xf32>
    %max3A_33 = arith.maximumf %add3A_30, %max3A_32 : vector<1024x128xf32>
    %get3A_34 = arith.constant 0 : index
    %get3A_35 = arith.constant 0 : index
    %get3A_36 = vector.load %arg8[%get3A_34, %get3A_35] : memref<128x128xf32, #tpu.memory_space<vmem>>, vector<128x128xf32>
    %dot_general3A_37 = arith.constant dense<0.000000e+00> : vector<1024x128xf32>
    %dot_general3A_38 = tpu.matmul %max3A_33, %get3A_36, %dot_general3A_37 {dimension_numbers = #tpu.dot_dimension_numbers<[1], [0], [0], [1], [0, 0, 1, 1], [], []>, transpose_lhs_hint = false} : vector<1024x128xf32>, vector<128x128xf32>, vector<1024x128xf32> -> vector<1024x128xf32>
    %get3A_39 = arith.constant 0 : index
    %get3A_40 = arith.constant 0 : index
    %get3A_41 = vector.load %arg9[%get3A_39, %get3A_40] : memref<1x128xf32, #tpu.memory_space<vmem>>, vector<1x128xf32>
    %add3A_42 = vector.broadcast %get3A_41 : vector<1x128xf32> to vector<1024x128xf32>
    %add3A_43 = arith.addf %dot_general3A_38, %add3A_42 : vector<1024x128xf32>
    %max3A_44 = arith.constant 0.000000e+00 : f32
    %max3A_45 = vector.broadcast %max3A_44 : f32 to vector<1024x128xf32>
    %max3A_46 = arith.maximumf %add3A_43, %max3A_45 : vector<1024x128xf32>
    %get3A_47 = arith.constant 0 : index
    %get3A_48 = arith.constant 0 : index
    %get3A_49 = vector.load %arg10[%get3A_47, %get3A_48] : memref<128x128xf32, #tpu.memory_space<vmem>>, vector<128x128xf32>
    %dot_general3A_50 = arith.constant dense<0.000000e+00> : vector<1024x128xf32>
    %dot_general3A_51 = tpu.matmul %max3A_46, %get3A_49, %dot_general3A_50 {dimension_numbers = #tpu.dot_dimension_numbers<[1], [0], [0], [1], [0, 0, 1, 1], [], []>, transpose_lhs_hint = false} : vector<1024x128xf32>, vector<128x128xf32>, vector<1024x128xf32> -> vector<1024x128xf32>
    %get3A_52 = arith.constant 0 : index
    %get3A_53 = arith.constant 0 : index
    %get3A_54 = vector.load %arg11[%get3A_52, %get3A_53] : memref<1x128xf32, #tpu.memory_space<vmem>>, vector<1x128xf32>
    %add3A_55 = vector.broadcast %get3A_54 : vector<1x128xf32> to vector<1024x128xf32>
    %add3A_56 = arith.addf %dot_general3A_51, %add3A_55 : vector<1024x128xf32>
    %get3A_57 = arith.constant 0 : index
    %get3A_58 = arith.constant 0 : index
    %get3A_59 = vector.load %arg1[%get3A_57, %get3A_58] : memref<1024x128xf32, #tpu.memory_space<vmem>>, vector<1024x128xf32>
    %add3A_60 = arith.addf %get3A_59, %add3A_56 : vector<1024x128xf32>
    %swap3A = arith.constant 0 : index
    %swap3A_61 = arith.constant 0 : index
    %swap3A_62 = vector.load %arg12[%swap3A, %swap3A_61] : memref<1024x128xf32, #tpu.memory_space<vmem>>, vector<1024x128xf32>
    tpu.vector_store %arg12[%swap3A, %swap3A_61], %add3A_60 {strides = array<i32>} : memref<1024x128xf32, #tpu.memory_space<vmem>>, vector<1024x128xf32>,
    return
  }
  func.func @transform_0(%arg0: i32) -> (i32, i32) {
    %c0_i32 = arith.constant 0 : i32
    %c0_i32_0 = arith.constant 0 : i32
    return %arg0, %c0_i32 : i32, i32
  }
  func.func @transform_1(%arg0: i32) -> (i32, i32) {
    %c0_i32 = arith.constant 0 : i32
    %c0_i32_0 = arith.constant 0 : i32
    return %arg0, %c0_i32 : i32, i32
  }
  func.func @transform_2(%arg0: i32) -> (i32, i32) {
    %c0_i32 = arith.constant 0 : i32
    %c0_i32_0 = arith.constant 0 : i32
    %c0_i32_1 = arith.constant 0 : i32
    return %c0_i32, %c0_i32_0 : i32, i32
  }
  func.func @transform_3(%arg0: i32) -> (i32, i32) {
    %c0_i32 = arith.constant 0 : i32
    %c0_i32_0 = arith.constant 0 : i32
    %c0_i32_1 = arith.constant 0 : i32
    return %c0_i32, %c0_i32_0 : i32, i32
  }
  func.func @transform_4(%arg0: i32) -> (i32, i32) {
    %c0_i32 = arith.constant 0 : i32
    %c0_i32_0 = arith.constant 0 : i32
    %c0_i32_1 = arith.constant 0 : i32
    return %c0_i32, %c0_i32_0 : i32, i32
  }
  func.func @transform_5(%arg0: i32) -> (i32, i32) {
    %c0_i32 = arith.constant 0 : i32
    %c0_i32_0 = arith.constant 0 : i32
    %c0_i32_1 = arith.constant 0 : i32
    return %c0_i32, %c0_i32_0 : i32, i32
  }
  func.func @transform_6(%arg0: i32) -> (i32, i32) {
    %c0_i32 = arith.constant 0 : i32
    %c0_i32_0 = arith.constant 0 : i32
    %c0_i32_1 = arith.constant 0 : i32
    return %c0_i32, %c0_i32_0 : i32, i32
  }
  func.func @transform_7(%arg0: i32) -> (i32, i32) {
    %c0_i32 = arith.constant 0 : i32
    %c0_i32_0 = arith.constant 0 : i32
    %c0_i32_1 = arith.constant 0 : i32
    return %c0_i32, %c0_i32_0 : i32, i32
  }
  func.func @transform_8(%arg0: i32) -> (i32, i32) {
    %c0_i32 = arith.constant 0 : i32
    %c0_i32_0 = arith.constant 0 : i32
    %c0_i32_1 = arith.constant 0 : i32
    return %c0_i32, %c0_i32_0 : i32, i32
  }
  func.func @transform_9(%arg0: i32) -> (i32, i32) {
    %c0_i32 = arith.constant 0 : i32
    %c0_i32_0 = arith.constant 0 : i32
    %c0_i32_1 = arith.constant 0 : i32
    return %c0_i32, %c0_i32_0 : i32, i32
  }
  func.func @transform_10(%arg0: i32) -> (i32, i32) {
    %c0_i32 = arith.constant 0 : i32
    %c0_i32_0 = arith.constant 0 : i32
    %c0_i32_1 = arith.constant 0 : i32
    return %c0_i32, %c0_i32_0 : i32, i32
  }
  func.func @transform_11(%arg0: i32) -> (i32, i32) {
    %c0_i32 = arith.constant 0 : i32
    %c0_i32_0 = arith.constant 0 : i32
    return %arg0, %c0_i32 : i32, i32
  }
}

</mosaic_0001>

<sc_bundles>
// kernel: gather_offload_async_start.1
scs
__scs_entry_jumppad:
0x0: {  	(pc) =	sbr.rel $0x88, $3  }
0x1: {  	(tag) =	ssettag $0x0;
	lr =	simm.s32 $0x1  }
0x2: {  	[smem:$0x3EE6] =	sst lr;
	_ =	strace $0xD0000000  }
0x3: {  	_ = 	snop  }
0x4: {  	_ = 	snop  }
0x5: {  	_ = 	snop  }
0x6: {  	_ = 	snop  }
0x7: {  	_ = 	snop  }
__scs_overlays_trampoline_lowered:
0x8: {  	[smem:$0x3EF5] =	sst s0  }
0x9: {  	[smem:$0x3EF6] =	sst s1  }
0xa: {  	[smem:$0x3EF7] =	sst s2  }
0xb: {  	[smem:$0x3EF8] =	sst s3  }
0xc: {  	[smem:$0x3EF9] =	sst s4  }
0xd: {  	[smem:$0x3EFA] =	sst s5  }
0xe: {  	[smem:$0x3EFB] =	sst s6  }
0xf: {  	[smem:$0x3EFC] =	sst s7  }
0x10: {  	[smem:$0x3EFD] =	sst s8  }
0x11: {  	[smem:$0x3EFE] =	sst s9;
	s0 =	simm.s32 @!p0 $0x0  }
0x12: {  	s1 =	sld [smem:$0x3EE4];
	s0 =	simm.s32 @p0 $0x1  }
0x13: {  	[smem:$0x3EFF] =	sst s0;
	s0 =	simm.s32 @!p1 $0x0  }
0x14: {  	s2 =	sld [smem:$0x3EE3];
	s0 =	simm.s32 @p1 $0x1  }
0x15: {  	[smem:$0x3F00] =	sst s0;
	s0 =	simm.s32 @!p2 $0x0  }
0x16: {  	s3 =	sld [smem:$0x3FDB];
	s0 =	simm.s32 @p2 $0x1  }
0x17: {  	s4 =	simm.s32 $0x1BF5;
	[smem:$0x3F02] =	sst s0  }
0x18: {  	s0 =	sld [smem:$0x3EE5];
	_ =	swait.ge [sflag:s4], $0x0  }
0x19: {  	s7 =	sld [smem:$0x3EE6]  }
0x1a: {  	s8 =	sadd.s32 $0xFFFFE003, lr  }
0x1b: {  	s9 =	sadd.s32 $0xFFFFFEF7, lr;
	s5 =	simm.s32 $0xFFFFFFFF;
	p2 =	slt.u32 s8, $0xFFFFF086  }
0x1c: {  	p1 =	slt.u32 s9, $0xF7A;
	s5 =	simm.s32 @!p2 $0x0  }
0x1d: {  	s5 =	simm.s32 @p1 $0x1;
	p0 =	seq.s32 s7, s2  }
0x1e: {  	s7 =	smul.u32 @!p0 $0xF7A, s2;
	p2 =	seq.s32 @!p0 s5, $0x0  }
0x1f: {  	s9 =	smul.u32 $0xF7A, s1;
	s8 =	simm.s32 @!p0 $0x1BF5;
	p2 =	por !p2, p0  }
0x20: {  	[sflag:s8] =	ssyncset.s32 @!p0 $0xFFFFF086;
	s6 =	sadd.s32 @!p0 s3, s7;
	s7 =	simm.s32 @!p0 $0x108  }
0x21: {  	s3 =	sadd.s32 s3, s9;
	s6 =	sadd.s32 @!p0 $0x88, s6;
	s7 =	simm.s32 @p2 $0x1082  }
0x22: {  	[simem:s7], [sflag:s8] =	dma.local @!p0 [hbm:s6], $0xF7A  }
0x23: {  	s9 =	sor.u32 $0xD0000000, s2;
	s6 =	simm.s32 $0x108;
	_ =	swait.ge @!p0 [sflag:s8], $0x0  }
0x24: {  	s3 =	sadd.s32 $0x88, s3;
	s6 =	simm.s32 @!p1 $0x1082;
	[sflag:s4] =	ssyncset.s32 $0xFFFFF086  }
0x25: {  	[simem:s6], [sflag:s4] =	dma.local [hbm:s3], $0xF7A  }
0x26: {  	[smem:$0x3EE6] =	sst s1;
	(tag) =	ssettag s2;
	_ =	strace s9  }
0x27: {  	s1 =	sld [smem:$0x3EF6]  }
0x28: {  	s2 =	sld [smem:$0x3EF7]  }
0x29: {  	s4 =	sld [smem:$0x3EF9]  }
0x2a: {  	p0 =	seq.s32 s5, $0x0;
	s5 =	sld [smem:$0x3EFA]  }
0x2b: {  	s6 =	sld [smem:$0x3EFB]  }
0x2c: {  	s7 =	sld [smem:$0x3EFC]  }
0x2d: {  	s3 =	simm.s32 $0x108;
	s8 =	sld [smem:$0x3EFD]  }
0x2e: {  	s3 =	simm.s32 @!p0 $0x1082;
	s9 =	sld [smem:$0x3EFE]  }
0x2f: {  	lr =	sadd.s32 s0, s3;
	s0 =	sld [smem:$0x3EF5]  }
0x30: {  	s3 =	sld [smem:$0x3EF8]  }
0x31: {  	[smem:$0x3F01] =	sst s10  }
0x32: {  	s10 =	sld [smem:$0x3EFF];
	_ =	sdelay $0x3  }
0x33: {  	p0 =	seq.s32 s10, $0x1;
	s10 =	sld [smem:$0x3F01];
	_ =	sdelay $0x3  }
0x34: {  	[smem:$0x3F01] =	sst s10  }
0x35: {  	s10 =	sld [smem:$0x3F00];
	_ =	sdelay $0x3  }
0x36: {  	p1 =	seq.s32 s10, $0x1;
	s10 =	sld [smem:$0x3F01];
	_ =	sdelay $0x3  }
0x37: {  	[smem:$0x3F01] =	sst s10  }
0x38: {  	s10 =	sld [smem:$0x3F02]  }
0x39: {  	_ = 	snop;
	(pc) =	sbr.ind lr, $3  }
0x3a: {  	_ = 	snop  }
0x3b: {  	_ = 	snop  }
0x3c: {  	p2 =	seq.s32 s10, $0x1;
	s10 =	sld [smem:$0x3F01]  }
0x3d: {  	_ =	shalt  }
0x3e: {  	_ =	shalt  }
0x3f: {  	_ =	shalt  }
0x40: {  	_ =	shalt  }
0x41: {  	_ =	shalt  }
0x42: {  	_ =	shalt  }
0x43: {  	_ =	shalt  }
0x44: {  	_ =	shalt  }
0x45: {  	_ =	shalt  }
0x46: {  	_ =	shalt  }
0x47: {  	_ =	shalt  }
0x48: {  	_ =	shalt  }
0x49: {  	_ =	shalt  }
0x4a: {  	_ =	shalt  }
0x4b: {  	_ =	shalt  }
0x4c: {  	_ =	shalt  }
0x4d: {  	_ =	shalt  }
0x4e: {  	_ =	shalt  }
0x4f: {  	_ =	shalt  }
0x50: {  	_ =	shalt  }
0x51: {  	_ =	shalt  }
0x52: {  	_ =	shalt  }
0x53: {  	_ =	shalt  }
0x54: {  	_ =	shalt  }
0x55: {  	_ =	shalt  }
0x56: {  	_ =	shalt  }
0x57: {  	_ =	shalt  }
0x58: {  	_ =	shalt  }
0x59: {  	_ =	shalt  }
0x5a: {  	_ =	shalt  }
0x5b: {  	_ =	shalt  }
0x5c: {  	_ =	shalt  }
0x5d: {  	_ =	shalt  }
0x5e: {  	_ =	shalt  }
0x5f: {  	_ =	shalt  }
0x60: {  	_ =	shalt  }
0x61: {  	_ =	shalt  }
0x62: {  	_ =	shalt  }
0x63: {  	_ =	shalt  }
0x64: {  	_ =	shalt  }
0x65: {  	_ =	shalt  }
0x66: {  	_ =	shalt  }
0x67: {  	_ =	shalt  }
0x68: {  	_ =	shalt  }
0x69: {  	_ =	shalt  }
0x6a: {  	_ =	shalt  }
0x6b: {  	_ =	shalt  }
0x6c: {  	_ =	shalt  }
0x6d: {  	_ =	shalt  }
0x6e: {  	_ =	shalt  }
0x6f: {  	_ =	shalt  }
0x70: {  	_ =	shalt  }
0x71: {  	_ =	shalt  }
0x72: {  	_ =	shalt  }
0x73: {  	_ =	shalt  }
0x74: {  	_ =	shalt  }
0x75: {  	_ =	shalt  }
0x76: {  	_ =	shalt  }
0x77: {  	_ =	shalt  }
0x78: {  	_ =	shalt  }
0x79: {  	_ =	shalt  }
0x7a: {  	_ =	shalt  }
0x7b: {  	_ =	shalt  }
0x7c: {  	_ =	shalt  }
0x7d: {  	_ =	shalt  }
0x7e: {  	_ =	shalt  }
0x7f: {  	_ =	shalt  }
0x80: {  	_ =	shalt  }
0x81: {  	_ =	shalt  }
0x82: {  	_ =	shalt  }
0x83: {  	_ =	shalt  }
0x84: {  	_ =	shalt  }
0x85: {  	_ =	shalt  }
0x86: {  	_ =	shalt  }
0x87: {  	_ =	shalt  }
.Lfunc_end0:
.L_simem_size_0:
called_computation.4_lowered:
.L_overlay_start_0:
0x88: {  	s0 =	sld [smem:$0x3FD9]  }
0x89: {  	s1 =	sld [smem:$0x3FFE];
	_ =	sdelay $0x3  }
0x8a: {  	s0 =	sadd.s32 s1, s0  }
0x8b: {  	[smem:$0x3F0D] =	sst s0  }
0x8c: {  	_ = 	snop  }
0x8d: {  	(tm) =	ssettm $0x1  }
0x8e: {  	s15 =	sld [smem:$0x3FFB];
	_ =	sdelay $0x3  }
0x8f: {  	_ =	strace s15  }
0x90: {  	s0 =	sld [smem:$0x3FFC];
	_ =	sdelay $0x3  }
0x91: {  	_ =	strace s0  }
0x92: {  	s0 =	sld [smem:$0x3FFD];
	_ =	sdelay $0x3  }
0x93: {  	_ =	strace s0  }
0x94: {  	_ =	strace $0x8FFFFFFF  }
0x95: {  	s16 =	sld [smem:$0x3FDB];
	_ =	sdelay $0x1  }
0x96: {  	s17 =	simm.s32 $_scs_section_size  }
0x97: {  	s2 =	simm.s32 $_size__tile_overlayer_lowered;
	s3 =	simm.s32 $_tile_overlayer_lowered  }
0x98: {  	s20 =	simm.s32 $0x1BFF;
	s19 =	sshll.u32 s3, $0x1;
	s0 =	sadd.s32 s17, s16  }
0x99: {  	s4 =	simm.s32 $0x0;
	s18 =	sshll.u32 s2, $0x1;
	s2 =	sadd.s32 s19, s0  }
0x9a: {  	[timem:s4], [sflag:s20] =	dma.local [hbm:s2], s18  }
0x9b: {  	_ =	swait.ge [sflag:s20], s18  }
0x9c: {  	s1 =	ssub.s32 $0x0, s18;
	[sflag:s20] =	ssyncset.done $0x0  }
0x9d: {  	[sflag:s20] =	ssyncadd.s32 s1;
	_ =	sdelay $0x1  }
0x9e: {  	s21 =	simm.s32 $0x1B8B  }
0x9f: {  	_ =	swait.ge [sflag:s21], $0x1  }
0xa0: {  	[sflag:s21] =	ssyncset.done $0x0  }
0xa1: {  	s23 =	simm.s32 $0x1B8E;
	s22 =	sld [smem:$0x3FFE];
	[sflag:s21] =	ssyncadd.s32 $0xFFFFFFFF  }
0xa2: {  	s24 =	simm.s32 $execute0_lowered;
	[smem:$0x3FD2] =	sst s23  }
0xa3: {  	s2 =	sshll.u32 s24, $0x1;
	_ =	strace $0x8000004C;
	[dreg:$0x1] =	wrdreg $0xFFFFFFFF  }
0xa4: {  	s25 =	simm.s32 $_size_execute0_lowered;
	s0 =	sadd.s32 s0, s2;
	[dreg:$0x0] =	wrdreg $0x0  }
0xa5: {  	s2 =	sshll.u32 s25, $0x1;
	[dreg:$0x2] =	wrdreg s0  }
0xa6: {  	[dreg:$0x3] =	wrdreg s2  }
0xa7: {  	[dreg:$0x4] =	wrdreg $0xC0  }
0xa8: {  	_ =	task [dreg:s4], $0x5FFFF  }
0xa9: {  	[dreg:$0x1] =	wrdreg $0xFFFFFFFF  }
0xaa: {  	[dreg:$0x0] =	wrdreg $0x60  }
0xab: {  	[dreg:$0x2] =	wrdreg s22  }
0xac: {  	[dreg:$0x3] =	wrdreg $0xA  }
0xad: {  	_ =	task.clear_ibuf [dreg:s4], $0x4FFFF;
	_ =	strace $0x9000004C  }
0xae: {  	s26 =	simm.s32 $0xA;
	_ =	strace $0x8000004E  }
0xaf: {  	_ =	swait.ge [sflag:s26], $0x1  }
0xb0: {  	[sflag:s26] =	ssyncadd.s32 $0xFFFFFFFF  }
0xb1: {  	_ =	strace $0x9000004E  }
0xb2: {  	_ =	sfence  }
0xb3: {  	s28 =	sld [smem:$0x0];
	_ =	sdelay $0x1  }
0xb4: {  	s29 =	srdreg.scid  }
0xb5: {  	s30 =	sshll.u32 s29, $0xD;
	s31 =	sshrl.u32 s29, $0x2  }
0xb6: {  	s1 =	sand.u32 $0x1, s29;
	s2 =	sand.u32 $0x4000, s30;
	s0 =	sadd.s32 s31, s28  }
0xb7: {  	s1 =	sor.u32 s2, s1;
	s0 =	sshll.u32 s0, $0x11  }
0xb8: {  	s0 =	sor.u32 s0, s1  }
0xb9: {  	s0 =	sadd.s32 $0x8F2B, s0  }
0xba: {  	[sflag:s0] =	ssyncadd.remote.s32 $0x1  }
0xbb: {  	_ =	sfence.sel $0xFFFF  }
0xbc: {  	[dreg:$0x0] =	wrdreg $0xFFFFFFFF;
	(pc) =	sbr.abs _section_cstart, $3  }
0xbd: {  	[dreg:$0x1] =	wrdreg $0xFFFFFFFF  }
0xbe: {  	_ =	task.clear_ibuf [dreg:s4], $0x2FFFF;
	_ =	strace $0x9FFFFFFF  }
0xbf: {  	(tm) =	ssettm $0x7FFFFFFF  }
tec
execute0_lowered:
.L_overlay_start_1:
0x0: {  	(tag) =	ssettag $0x1  }
0x1: {  	s0 =	stileid.u32  }
0x2: {  	s1 =	smin.u32 s0, $0x9  }
0x3: {  	s1 =	sadd.s32 s0, s1  }
0x4: {  	s2 =	simm.s32 $0x320;
	p0 =	slt.u32 s0, $0x9;
	s1 =	smul.u32 $0x190, s1  }
0x5: {  	s2 =	simm.s32 @!p0 $0x190  }
0x6: {  	s2 =	sadd.s32 s2, s1  }
0x7: {  	s3 =	smin.u32 s2, $0x2710  }
0x8: {  	s7 =	ssub.s32 s3, s1  }
0x9: {  	p0 =	sgt.s32 s7, $0x0  }
0xa: {  	s7 =	simm.s32 @!p0 $0x0  }
0xb: {  	s31 =	sand.u32 $0xFFF0, s7  }
0xc: {  	s2 =	sshrl.u32 s31, $0x4  }
0xd: {  	s4 =	smul.u32 $0xA3E, s2  }
0xe: {  	s9 =	rddreg [dreg:$0x0];
	s6 =	simm.s32 $0x1;
	s11 =	simm.s32 $0x3  }
0xf: {  	s13 =	simm.s32 $0x0;
	s12 =	simm.s32 $0x0;
	s8 =	sshrl.u32 s4, $0x10  }
0x10: {  	s2 =	rddreg [dreg:$0x1];
	_ =	strace $0x8000004D;
	s10 =	smul.u32 $0x190, s8  }
.Ltmp0:
0x11: {  	s5 =	sadd.s32 $0x47600, s9;
	[sflag:s6] =	ssyncpa.u1 $0x0;
	(pc) =	sbr.rel .LBB2_1-.Ltmp0, $4  }
0x12: {  	s4 =	sadd.s32 $0xAFAE00, s9;
	p0 =	sne.s32 s7, s10;
	s10 =	simm.s32 $0x1  }
0x13: {  	s9 =	sadd.s32 $0x19AE00, s9;
	s7 =	simm.s32 $0x2;
	s10 =	simm.s32 @!p0 $0x0  }
0x14: {  	[sflag:s7] =	ssyncpa.u1 $0x0;
	p0 =	por $0x0, $0x0;
	s8 =	sadd.s32 s8, s10  }
0x15: {  	vm0 =	vmmov $0xff;
	vm1 =	vcmask $0x3F20;
	[sflag:s11] =	ssyncpa.u1 $0x0;
	s11 =	smov.u32 s1;
	s10 =	sadd.s32 $0x1, s8  }
.LBB2_6:
0x16: {  	[hbm:s17] =	stream.linear.scatter [tilespmem:s14], [sflag:$0x3], $0x400, $0x38;
	[tilespmem:$0x19320] =	vst v63  }
.LBB2_7:
0x17: {  	s13 =	sadd.s32 $0x190, s11  }
0x18: {  	s15 =	smov.u32 s1;
	p2 =	slt.s32 s13, s3  }
0x19: {  	s15 =	smov.u32 @p2 s13;
	p2 =	sne.s32 s12, s10  }
.Ltmp1:
0x1a: {  	p1 =	slt.u32 s12, $0x2;
	(pc) =	sbr.rel @!p2 .LBB2_8-.Ltmp1, $4  }
0x1b: {  	s14 =	simm.s32 @!p1 $0x3  }
0x1c: {  	s16 =	sadd.s32 $0x1, s12;
	_ =	swait.ge @!p1 [sflag:s14], $0xC800  }
0x1d: {  	p0 =	por !p0, !p0;
	s13 =	smov.u32 s11;
	[sflag:s14] =	ssyncset.done @!p1 $0x0  }
0x1e: {  	s12 =	smov.u32 s16;
	s11 =	smov.u32 s15;
	[sflag:s14] =	ssyncadd.s32 @!p1 $0xFFFF3800  }
.LBB2_1:
0x1f: {  	p1 =	sge.u32 s12, s8  }
0x20: {  	s14 =	sxor.u32 @!p1 $0xFFFFFFFF, s12  }
0x21: {  	s14 =	sand.u32 @!p1 $0x1, s14  }
0x22: {  	s14 =	smul.u32 @!p1 $0x640, s14  }
0x23: {  	s31 =	sadd.s32 $0xFFFFFFFF, s12;
	s15 =	sshrl.u32 @!p1 s11, $0x3  }
0x24: {  	s16 =	sand.u32 @!p1 $0x7, s11;
	s15 =	sadd.s32 @!p1 s5, s15;
	s14 =	sshrl.u32 @!p1 s14, $0x2  }
0x25: {  	[tilespmem:s14], [sflag:$0x2] =	stream.linear.gather @!p1 [hbm4b:s15+s16], $0x190, $0x38;
	[tilespmem:$0x19320] =	vst v63  }
0x26: {  	p1 =	sge.u32 s31, s8  }
.Ltmp2:
0x27: {  	_ = 	snop;
	(pc) =	sbr.rel @p1 .LBB2_7-.Ltmp2, $1  }
0x28: {  	_ =	sdelay $0x3  }
0x29: {  	s14 =	simm.s32 $0x1  }
0x2a: {  	s14 =	simm.s32 @!p0 $0x0  }
0x2b: {  	s15 =	smul.u32 $0x640, s14  }
0x2c: {  	_ =	swait.ge [sflag:s7], $0x190  }
0x2d: {  	[sflag:s7] =	ssyncset.done $0x0;
	s16 =	sshrl.u32 s15, $0x2  }
0x2e: {  	[sflag:s7] =	ssyncadd.s32 $0xFFFFFE70;
	s15 =	sadd.s32 $0x0, s16  }
0x2f: {  	v0 =	vld.msk [tilespmem:s15+$0x0 ss:$0x1], $0xffff;
	_ =	sdelay $0x4  }
0x30: {  	vm2 =	vgt.s32 v0, $0x0  }
0x31: {  	v0 =	vnsel vm2, $0x0, v0  }
0x32: {  	v0 =	vmin.u32 v0, $0x270F  }
0x33: {  	v0 =	vshll.u32 v0, $0x4  }
0x34: {  	s14 =	smul.u32 $0x32000, s14;
	_ =	sdelay $0x1  }
0x35: {  	s14 =	sshrl.u32 s14, $0x2  }
0x36: {  	s14 =	sor.u32 $0x320, s14  }
0x37: {  	[tilespmem:s14], [sflag:$0x1] =	stream.indirect_vreg.gather [hbm:s4], $0x80, v0, vm0, $0x38;
	[tilespmem:$0x19320] =	vst v63  }
0x38: {  	s17 =	sadd.s32 $0x10, s16;
	s15 =	sadd.s32 $0x400, s14  }
0x39: {  	[tilespmem:s15], [sflag:$0x1] =	stream.indirect_vreg.gather [hbm:s4], $0x80, v0, vm1, $0x38;
	[tilespmem:$0x19320] =	vst v63  }
0x3a: {  	s18 =	simm.s32 $0x80;
	v0 =	vld.msk [tilespmem:s17+$0x0 ss:$0x1], $0xffff;
	s17 =	smov.u32 s14  }
.LBB2_3:
0x3b: {  	p1 =	sne.s32 s18, $0x600;
	_ =	sdelay $0x4  }
0x3c: {  	vm2 =	vgt.s32 v0, $0x0  }
0x3d: {  	v0 =	vnsel vm2, $0x0, v0  }
0x3e: {  	v0 =	vmin.u32 v0, $0x270F  }
0x3f: {  	v0 =	vshll.u32 v0, $0x4;
	_ =	sdelay $0x3  }
.Ltmp3:
0x40: {  	s19 =	sshra.s32 s18, $0x2;
	s17 =	sadd.s32 $0x800, s17;
	(pc) =	sbr.rel @p1 .LBB2_3-.Ltmp3, $4  }
0x41: {  	[tilespmem:s17], [sflag:$0x1] =	stream.indirect_vreg.gather [hbm:s4], $0x80, v0, vm0, $0x38;
	[tilespmem:$0x19320] =	vst v63  }
0x42: {  	s19 =	sadd.s32 s19, s16;
	s20 =	sadd.s32 $0x400, s17  }
0x43: {  	[tilespmem:s20], [sflag:$0x1] =	stream.indirect_vreg.gather [hbm:s4], $0x80, v0, vm1, $0x38;
	[tilespmem:$0x19320] =	vst v63  }
0x44: {  	s18 =	sadd.s32 $0x40, s18;
	v0 =	vld.msk [tilespmem:s19+$0x0 ss:$0x1], $0xffff  }
0x45: {  	_ =	sdelay $0x3  }
0x46: {  	vm2 =	vgt.s32 v0, $0x0  }
0x47: {  	v0 =	vnsel vm2, $0x0, v0  }
0x48: {  	v0 =	vmin.u32 v0, $0x270F  }
0x49: {  	v0 =	vshll.u32 v0, $0x4;
	_ =	sdelay $0x3  }
0x4a: {  	s16 =	sadd.s32 $0x800, s17  }
0x4b: {  	[tilespmem:s16], [sflag:$0x1] =	stream.indirect_vreg.gather [hbm:s4], $0x80, v0, vm0, $0x38;
	[tilespmem:$0x19320] =	vst v63  }
0x4c: {  	s16 =	sadd.s32 $0x400, s16  }
0x4d: {  	[tilespmem:s16], [sflag:$0x1] =	stream.indirect_vreg.gather [hbm:s4], $0x80, v0, vm1, $0x38;
	[tilespmem:$0x19320] =	vst v63  }
0x4e: {  	s13 =	sshll.u32 s13, $0x4;
	_ =	swait.ge [sflag:s6], $0xC800  }
0x4f: {  	s13 =	sadd.s32 s13, s9;
	[sflag:s6] =	ssyncset.done $0x0  }
0x50: {  	s17 =	sadd.s32 $0x0, s13;
	s16 =	simm.s32 $0x80;
	[sflag:s6] =	ssyncadd.s32 $0xFFFF3800  }
.LBB2_5:
0x51: {  	[hbm:s17] =	stream.linear.scatter [tilespmem:s14], [sflag:$0x3], $0x400, $0x38;
	[tilespmem:$0x19320] =	vst v63  }
0x52: {  	s17 =	smov.u32 s16;
	s14 =	smov.u32 s15;
	p1 =	sne.s32 s16, $0x1880  }
.Ltmp4:
0x53: {  	s16 =	sadd.s32 $0x80, s16;
	(pc) =	sbr.rel @p1 .LBB2_5-.Ltmp4, $2  }
0x54: {  	_ =	sdelay $0x2  }
0x55: {  	s15 =	sadd.s32 $0x400, s15;
	s17 =	sadd.s32 s17, s13  }
.Ltmp5:
0x56: {  	_ = 	snop;
	(pc) =	sbr.rel .LBB2_6-.Ltmp5, $1  }
0x57: {  	_ =	sdelay $0x3  }
.LBB2_8:
0x58: {  	_ =	sfence.sel $0x180000  }
0x59: {  	s1 =	simm.s32 $0x2;
	[bflag:$0x0] =	sbarrier.arrive $0xFFFF  }
0x5a: {  	s30 =	simm.s32 $0x3;
	[sflag:s1] =	ssyncpa.u1 $0x1  }
0x5b: {  	s31 =	simm.s32 $0x1;
	[sflag:s30] =	ssyncpa.u1 $0x1  }
0x5c: {  	[sflag:s31] =	ssyncpa.u1 $0x1  }
0x5d: {  	p0 =	sne.s32 s0, $0x0;
	_ =	strace $0x9000004D  }
0x5e: {  	s0 =	sadd.s32 @!p0 $0x100000, s2;
	[bflag:$0x2] =	sbarrier.arrive $0xFFFF  }
0x5f: {  	[sflag:s0] =	ssyncadd.tile.s32 @!p0 $0x1;
	_ =	shalt  }
.Lfunc_end2:
_tile_overlayer_lowered:
.L_overlay_start_2:
0x60: {  	(tag) =	ssettag $0x2  }
0x61: {  	s0 =	rddreg [dreg:$0x0];
	s2 =	stileid.u32  }
0x62: {  	s1 =	rddreg [dreg:$0x1];
	p0 =	sne.s32 s2, $0x0  }
0x63: {  	s3 =	rddreg [dreg:$0x2];
	[bflag:$0x3] =	sbarrier.arrive $0xFFFF;
	s2 =	simm.s32 @!p0 $0x1C01  }
0x64: {  	[timem:s3], [sflag:s2] =	dma.local @!p0 [hbm:s0], s1  }
0x65: {  	s0 =	simm.s32 @!p0 $0x1  }
0x66: {  	_ =	swait.ge @!p0 [sflag:s0], s1  }
0x67: {  	s1 =	ssub.s32 @!p0 $0x0, s1;
	[sflag:s0] =	ssyncset.done @!p0 $0x0  }
0x68: {  	[sflag:s0] =	ssyncadd.s32 @!p0 s1  }
0x69: {  	[bflag:$0x3] =	sbarrier.arrive $0xFFFF  }
0x6a: {  	_ =	shalt  }

// kernel: gather_offload_async_start.2
scs
__scs_entry_jumppad:
0x0: {  	(pc) =	sbr.rel $0x88, $3  }
0x1: {  	(tag) =	ssettag $0x0;
	lr =	simm.s32 $0x1  }
0x2: {  	[smem:$0x3EE6] =	sst lr;
	_ =	strace $0xD0000000  }
0x3: {  	_ = 	snop  }
0x4: {  	_ = 	snop  }
0x5: {  	_ = 	snop  }
0x6: {  	_ = 	snop  }
0x7: {  	_ = 	snop  }
__scs_overlays_trampoline_lowered:
0x8: {  	[smem:$0x3EF5] =	sst s0  }
0x9: {  	[smem:$0x3EF6] =	sst s1  }
0xa: {  	[smem:$0x3EF7] =	sst s2  }
0xb: {  	[smem:$0x3EF8] =	sst s3  }
0xc: {  	[smem:$0x3EF9] =	sst s4  }
0xd: {  	[smem:$0x3EFA] =	sst s5  }
0xe: {  	[smem:$0x3EFB] =	sst s6  }
0xf: {  	[smem:$0x3EFC] =	sst s7  }
0x10: {  	[smem:$0x3EFD] =	sst s8  }
0x11: {  	[smem:$0x3EFE] =	sst s9;
	s0 =	simm.s32 @!p0 $0x0  }
0x12: {  	s1 =	sld [smem:$0x3EE4];
	s0 =	simm.s32 @p0 $0x1  }
0x13: {  	[smem:$0x3EFF] =	sst s0;
	s0 =	simm.s32 @!p1 $0x0  }
0x14: {  	s2 =	sld [smem:$0x3EE3];
	s0 =	simm.s32 @p1 $0x1  }
0x15: {  	[smem:$0x3F00] =	sst s0;
	s0 =	simm.s32 @!p2 $0x0  }
0x16: {  	s3 =	sld [smem:$0x3FDB];
	s0 =	simm.s32 @p2 $0x1  }
0x17: {  	s4 =	simm.s32 $0x1BF5;
	[smem:$0x3F02] =	sst s0  }
0x18: {  	s0 =	sld [smem:$0x3EE5];
	_ =	swait.ge [sflag:s4], $0x0  }
0x19: {  	s7 =	sld [smem:$0x3EE6]  }
0x1a: {  	s8 =	sadd.s32 $0xFFFFE003, lr  }
0x1b: {  	s9 =	sadd.s32 $0xFFFFFEF7, lr;
	s5 =	simm.s32 $0xFFFFFFFF;
	p2 =	slt.u32 s8, $0xFFFFF086  }
0x1c: {  	p1 =	slt.u32 s9, $0xF7A;
	s5 =	simm.s32 @!p2 $0x0  }
0x1d: {  	s5 =	simm.s32 @p1 $0x1;
	p0 =	seq.s32 s7, s2  }
0x1e: {  	s7 =	smul.u32 @!p0 $0xF7A, s2;
	p2 =	seq.s32 @!p0 s5, $0x0  }
0x1f: {  	s9 =	smul.u32 $0xF7A, s1;
	s8 =	simm.s32 @!p0 $0x1BF5;
	p2 =	por !p2, p0  }
0x20: {  	[sflag:s8] =	ssyncset.s32 @!p0 $0xFFFFF086;
	s6 =	sadd.s32 @!p0 s3, s7;
	s7 =	simm.s32 @!p0 $0x108  }
0x21: {  	s3 =	sadd.s32 s3, s9;
	s6 =	sadd.s32 @!p0 $0x88, s6;
	s7 =	simm.s32 @p2 $0x1082  }
0x22: {  	[simem:s7], [sflag:s8] =	dma.local @!p0 [hbm:s6], $0xF7A  }
0x23: {  	s9 =	sor.u32 $0xD0000000, s2;
	s6 =	simm.s32 $0x108;
	_ =	swait.ge @!p0 [sflag:s8], $0x0  }
0x24: {  	s3 =	sadd.s32 $0x88, s3;
	s6 =	simm.s32 @!p1 $0x1082;
	[sflag:s4] =	ssyncset.s32 $0xFFFFF086  }
0x25: {  	[simem:s6], [sflag:s4] =	dma.local [hbm:s3], $0xF7A  }
0x26: {  	[smem:$0x3EE6] =	sst s1;
	(tag) =	ssettag s2;
	_ =	strace s9  }
0x27: {  	s1 =	sld [smem:$0x3EF6]  }
0x28: {  	s2 =	sld [smem:$0x3EF7]  }
0x29: {  	s4 =	sld [smem:$0x3EF9]  }
0x2a: {  	p0 =	seq.s32 s5, $0x0;
	s5 =	sld [smem:$0x3EFA]  }
0x2b: {  	s6 =	sld [smem:$0x3EFB]  }
0x2c: {  	s7 =	sld [smem:$0x3EFC]  }
0x2d: {  	s3 =	simm.s32 $0x108;
	s8 =	sld [smem:$0x3EFD]  }
0x2e: {  	s3 =	simm.s32 @!p0 $0x1082;
	s9 =	sld [smem:$0x3EFE]  }
0x2f: {  	lr =	sadd.s32 s0, s3;
	s0 =	sld [smem:$0x3EF5]  }
0x30: {  	s3 =	sld [smem:$0x3EF8]  }
0x31: {  	[smem:$0x3F01] =	sst s10  }
0x32: {  	s10 =	sld [smem:$0x3EFF];
	_ =	sdelay $0x3  }
0x33: {  	p0 =	seq.s32 s10, $0x1;
	s10 =	sld [smem:$0x3F01];
	_ =	sdelay $0x3  }
0x34: {  	[smem:$0x3F01] =	sst s10  }
0x35: {  	s10 =	sld [smem:$0x3F00];
	_ =	sdelay $0x3  }
0x36: {  	p1 =	seq.s32 s10, $0x1;
	s10 =	sld [smem:$0x3F01];
	_ =	sdelay $0x3  }
0x37: {  	[smem:$0x3F01] =	sst s10  }
0x38: {  	s10 =	sld [smem:$0x3F02]  }
0x39: {  	_ = 	snop;
	(pc) =	sbr.ind lr, $3  }
0x3a: {  	_ = 	snop  }
0x3b: {  	_ = 	snop  }
0x3c: {  	p2 =	seq.s32 s10, $0x1;
	s10 =	sld [smem:$0x3F01]  }
0x3d: {  	_ =	shalt  }
0x3e: {  	_ =	shalt  }
0x3f: {  	_ =	shalt  }
0x40: {  	_ =	shalt  }
0x41: {  	_ =	shalt  }
0x42: {  	_ =	shalt  }
0x43: {  	_ =	shalt  }
0x44: {  	_ =	shalt  }
0x45: {  	_ =	shalt  }
0x46: {  	_ =	shalt  }
0x47: {  	_ =	shalt  }
0x48: {  	_ =	shalt  }
0x49: {  	_ =	shalt  }
0x4a: {  	_ =	shalt  }
0x4b: {  	_ =	shalt  }
0x4c: {  	_ =	shalt  }
0x4d: {  	_ =	shalt  }
0x4e: {  	_ =	shalt  }
0x4f: {  	_ =	shalt  }
0x50: {  	_ =	shalt  }
0x51: {  	_ =	shalt  }
0x52: {  	_ =	shalt  }
0x53: {  	_ =	shalt  }
0x54: {  	_ =	shalt  }
0x55: {  	_ =	shalt  }
0x56: {  	_ =	shalt  }
0x57: {  	_ =	shalt  }
0x58: {  	_ =	shalt  }
0x59: {  	_ =	shalt  }
0x5a: {  	_ =	shalt  }
0x5b: {  	_ =	shalt  }
0x5c: {  	_ =	shalt  }
0x5d: {  	_ =	shalt  }
0x5e: {  	_ =	shalt  }
0x5f: {  	_ =	shalt  }
0x60: {  	_ =	shalt  }
0x61: {  	_ =	shalt  }
0x62: {  	_ =	shalt  }
0x63: {  	_ =	shalt  }
0x64: {  	_ =	shalt  }
0x65: {  	_ =	shalt  }
0x66: {  	_ =	shalt  }
0x67: {  	_ =	shalt  }
0x68: {  	_ =	shalt  }
0x69: {  	_ =	shalt  }
0x6a: {  	_ =	shalt  }
0x6b: {  	_ =	shalt  }
0x6c: {  	_ =	shalt  }
0x6d: {  	_ =	shalt  }
0x6e: {  	_ =	shalt  }
0x6f: {  	_ =	shalt  }
0x70: {  	_ =	shalt  }
0x71: {  	_ =	shalt  }
0x72: {  	_ =	shalt  }
0x73: {  	_ =	shalt  }
0x74: {  	_ =	shalt  }
0x75: {  	_ =	shalt  }
0x76: {  	_ =	shalt  }
0x77: {  	_ =	shalt  }
0x78: {  	_ =	shalt  }
0x79: {  	_ =	shalt  }
0x7a: {  	_ =	shalt  }
0x7b: {  	_ =	shalt  }
0x7c: {  	_ =	shalt  }
0x7d: {  	_ =	shalt  }
0x7e: {  	_ =	shalt  }
0x7f: {  	_ =	shalt  }
0x80: {  	_ =	shalt  }
0x81: {  	_ =	shalt  }
0x82: {  	_ =	shalt  }
0x83: {  	_ =	shalt  }
0x84: {  	_ =	shalt  }
0x85: {  	_ =	shalt  }
0x86: {  	_ =	shalt  }
0x87: {  	_ =	shalt  }
.Lfunc_end0:
.L_simem_size_0:
called_computation.5_lowered:
.L_overlay_start_0:
0x88: {  	s2 =	sld [smem:$0x3FD9]  }
0x89: {  	s3 =	sld [smem:$0x3FFE];
	_ =	sdelay $0x1  }
0x8a: {  	s1 =	srdreg.scid  }
0x8b: {  	s0 =	sand.u32 $0x1, s1  }
0x8c: {  	s16 =	sshll.u32 s0, $0xA;
	s2 =	sadd.s32 s3, s2  }
0x8d: {  	s2 =	sadd.s32 s2, s16  }
0x8e: {  	[smem:$0x3F0D] =	sst s2  }
0x8f: {  	_ = 	snop  }
0x90: {  	(tm) =	ssettm $0x1  }
0x91: {  	s17 =	sld [smem:$0x3FFB];
	_ =	sdelay $0x3  }
0x92: {  	_ =	strace s17  }
0x93: {  	s2 =	sld [smem:$0x3FFC];
	_ =	sdelay $0x3  }
0x94: {  	_ =	strace s2  }
0x95: {  	s2 =	sld [smem:$0x3FFD];
	_ =	sdelay $0x3  }
0x96: {  	_ =	strace s2  }
0x97: {  	_ =	strace $0x8FFFFFFF  }
0x98: {  	s18 =	sld [smem:$0x3FDB];
	_ =	sdelay $0x1  }
0x99: {  	s19 =	simm.s32 $_scs_section_size  }
0x9a: {  	s4 =	simm.s32 $_size__tile_overlayer_lowered;
	s5 =	simm.s32 $_tile_overlayer_lowered  }
0x9b: {  	s22 =	simm.s32 $0x1BFF;
	s21 =	sshll.u32 s5, $0x1;
	s2 =	sadd.s32 s19, s18  }
0x9c: {  	s6 =	simm.s32 $0x0;
	s20 =	sshll.u32 s4, $0x1;
	s4 =	sadd.s32 s21, s2  }
0x9d: {  	[timem:s6], [sflag:s22] =	dma.local [hbm:s4], s20  }
0x9e: {  	_ =	swait.ge [sflag:s22], s20  }
0x9f: {  	s3 =	ssub.s32 $0x0, s20;
	[sflag:s22] =	ssyncset.done $0x0  }
0xa0: {  	[sflag:s22] =	ssyncadd.s32 s3;
	_ =	sdelay $0x1  }
0xa1: {  	s23 =	simm.s32 $0x1B8B  }
0xa2: {  	_ =	swait.ge [sflag:s23], $0x1  }
0xa3: {  	[sflag:s23] =	ssyncset.done $0x0  }
0xa4: {  	s25 =	simm.s32 $0x1B8E;
	s24 =	sld [smem:$0x3FFE];
	[sflag:s23] =	ssyncadd.s32 $0xFFFFFFFF  }
0xa5: {  	s26 =	simm.s32 $execute0_lowered;
	[smem:$0x3FD2] =	sst s25  }
0xa6: {  	s4 =	sshll.u32 s26, $0x1;
	_ =	strace $0x80000058;
	[dreg:$0x1] =	wrdreg $0xFFFFFFFF  }
0xa7: {  	s28 =	simm.s32 $_size_execute0_lowered;
	s2 =	sadd.s32 s2, s4;
	[dreg:$0x0] =	wrdreg $0x0  }
0xa8: {  	s4 =	sshll.u32 s28, $0x1;
	[dreg:$0x2] =	wrdreg s2  }
0xa9: {  	[dreg:$0x3] =	wrdreg s4  }
0xaa: {  	[dreg:$0x4] =	wrdreg $0xC0  }
0xab: {  	_ =	task [dreg:s6], $0x5FFFF  }
0xac: {  	[dreg:$0x1] =	wrdreg $0xFFFFFFFF  }
0xad: {  	[dreg:$0x0] =	wrdreg $0x60  }
0xae: {  	[dreg:$0x2] =	wrdreg s24  }
0xaf: {  	[dreg:$0x3] =	wrdreg $0x9  }
0xb0: {  	_ =	task.clear_ibuf [dreg:s6], $0x4FFFF;
	_ =	strace $0x90000058  }
0xb1: {  	s29 =	simm.s32 $0x9;
	_ =	strace $0x8000005A  }
0xb2: {  	_ =	swait.ge [sflag:s29], $0x1  }
0xb3: {  	[sflag:s29] =	ssyncadd.s32 $0xFFFFFFFF  }
0xb4: {  	_ =	strace $0x9000005A  }
0xb5: {  	_ =	sfence  }
0xb6: {  	s30 =	sld [smem:$0x0];
	_ =	sdelay $0x2  }
0xb7: {  	s31 =	sshll.u32 s1, $0xD;
	s1 =	sshrl.u32 s1, $0x2  }
0xb8: {  	s3 =	sand.u32 $0x4000, s31;
	s1 =	sadd.s32 s1, s30  }
0xb9: {  	s0 =	sor.u32 s3, s0;
	s1 =	sshll.u32 s1, $0x11  }
0xba: {  	s0 =	sor.u32 s1, s0  }
0xbb: {  	s0 =	sadd.s32 $0x8F2B, s0  }
0xbc: {  	[sflag:s0] =	ssyncadd.remote.s32 $0x1  }
0xbd: {  	_ =	sfence.sel $0xFFFF  }
0xbe: {  	[dreg:$0x0] =	wrdreg $0xFFFFFFFF;
	(pc) =	sbr.abs _section_cstart, $3  }
0xbf: {  	[dreg:$0x1] =	wrdreg $0xFFFFFFFF  }
0xc0: {  	_ =	task.clear_ibuf [dreg:s6], $0x2FFFF;
	_ =	strace $0x9FFFFFFF  }
0xc1: {  	(tm) =	ssettm $0x7FFFFFFF  }
tec
execute0_lowered:
.L_overlay_start_1:
0x0: {  	(tag) =	ssettag $0x1  }
0x1: {  	s0 =	stileid.u32;
	s1 =	srdreg.scid  }
0x2: {  	s1 =	sand.u32 $0x1, s1;
	s2 =	sshll.u32 s0, $0x1  }
0x3: {  	s1 =	sor.u32 s2, s1  }
0x4: {  	s2 =	smul.u32 $0x2540, s1;
	_ =	sdelay $0x1  }
0x5: {  	s6 =	ssub.s32 $0x95000, s2  }
0x6: {  	s31 =	smulhi.u32 $0xDBEB7, s6  }
0x7: {  	s8 =	rddreg [dreg:$0x0];
	s5 =	simm.s32 $0x1;
	s10 =	simm.s32 $0x3  }
0x8: {  	s13 =	simm.s32 $0x0;
	s12 =	simm.s32 $0x0;
	s7 =	sshrl.u32 s31, $0x6  }
0x9: {  	s3 =	sadd.s32 $0xAD600, s8;
	s4 =	sadd.s32 $0x2AA00, s8;
	s9 =	smul.u32 $0x4A800, s7  }
.Ltmp0:
0xa: {  	s8 =	sadd.s32 $0xE5000, s8;
	s1 =	rddreg [dreg:$0x1];
	(pc) =	sbr.rel .LBB2_1-.Ltmp0, $4  }
0xb: {  	_ =	strace $0x80000059;
	p0 =	sne.s32 s6, s9;
	s9 =	simm.s32 $0x1  }
0xc: {  	[sflag:s5] =	ssyncpa.u1 $0x0;
	s6 =	simm.s32 $0x2;
	s9 =	simm.s32 @!p0 $0x0  }
0xd: {  	s11 =	smov.u32 s2;
	[sflag:s6] =	ssyncpa.u1 $0x0;
	s7 =	sadd.s32 s9, s7  }
0xe: {  	vm0 =	vmmov $0xffff;
	[sflag:s10] =	ssyncpa.u1 $0x0;
	s10 =	simm.s32 $0x0;
	s9 =	sadd.s32 $0x1, s7  }
.LBB2_4:
0xf: {  	v2 =	vnsel vm1, $0x0, v2  }
0x10: {  	vm1 =	vgt.s32 v0, $0x0;
	v2 =	vmin.u32 v2, $0x927FF  }
0x11: {  	v0 =	vnsel vm1, $0x0, v0  }
0x12: {  	v0 =	vmin.u32 v0, $0x927FF  }
0x13: {  	[tilespmem:s18], [sflag:$0x1] =	stream.indirect_vreg.gather [hbm4b:s3+s10], $0x1, v1, vm0, $0x4038;
	[tilespmem:$0x9500] =	vst v63  }
0x14: {  	(ifvalue) =	ssetifvalue $0x7FFFFFFF  }
0x15: {  	[tilespmem:s15], [sflag:$0x1] =	stream.indirect_vreg.gather [hbm4b:s3+s10], $0x1, v2, vm0, $0x4038;
	[tilespmem:$0x9500] =	vst v63  }
0x16: {  	s29 =	sadd.s32 $0x10, s15;
	(ifvalue) =	ssetifvalue $0x7FFFFFFF  }
0x17: {  	[tilespmem:s29], [sflag:$0x1] =	stream.indirect_vreg.gather [hbm4b:s3+s10], $0x1, v0, vm0, $0x4038;
	[tilespmem:$0x9500] =	vst v63  }
0x18: {  	_ =	swait.ge [sflag:s5], $0x2540  }
0x19: {  	s30 =	sshrl.u32 s13, $0x3;
	[sflag:s5] =	ssyncset.done $0x0  }
0x1a: {  	s31 =	sand.u32 $0x7, s13;
	s15 =	sadd.s32 s8, s30;
	[sflag:s5] =	ssyncadd.s32 $0xFFFFDAC0  }
0x1b: {  	[hbm4b:s15+s31] =	stream.linear.scatter [tilespmem:s14], [sflag:$0x3], $0x2540, $0x38;
	[tilespmem:$0x9500] =	vst v63  }
.LBB2_5:
0x1c: {  	s15 =	sadd.s32 $0x4A800, s11  }
0x1d: {  	p1 =	sgt.s32 s15, $0x94FFF  }
0x1e: {  	s15 =	smov.u32 @p1 s2;
	p1 =	sne.s32 s12, s9  }
.Ltmp1:
0x1f: {  	p0 =	slt.u32 s12, $0x2;
	(pc) =	sbr.rel @!p1 .LBB2_6-.Ltmp1, $4  }
0x20: {  	s14 =	simm.s32 @!p0 $0x3  }
0x21: {  	_ =	swait.ge @!p0 [sflag:s14], $0x2540  }
0x22: {  	s16 =	sadd.s32 $0x1, s12;
	s13 =	smov.u32 s11;
	[sflag:s14] =	ssyncset.done @!p0 $0x0  }
0x23: {  	s12 =	smov.u32 s16;
	s11 =	smov.u32 s15;
	[sflag:s14] =	ssyncadd.s32 @!p0 $0xFFFFDAC0  }
.LBB2_1:
0x24: {  	p0 =	sge.u32 s12, s7  }
0x25: {  	s14 =	sxor.u32 @!p0 $0xFFFFFFFF, s12  }
0x26: {  	s14 =	sand.u32 @!p0 $0x1, s14  }
0x27: {  	s14 =	smul.u32 @!p0 $0x9500, s14  }
0x28: {  	s31 =	sadd.s32 $0xFFFFFFFF, s12;
	s15 =	sshrl.u32 @!p0 s11, $0x3  }
0x29: {  	s16 =	sand.u32 @!p0 $0x7, s11;
	s15 =	sadd.s32 @!p0 s4, s15;
	s14 =	sshrl.u32 @!p0 s14, $0x2  }
0x2a: {  	[tilespmem:s14], [sflag:$0x2] =	stream.linear.gather @!p0 [hbm4b:s15+s16], $0x2540, $0x38;
	[tilespmem:$0x9500] =	vst v63  }
0x2b: {  	p0 =	sge.u32 s31, s7  }
.Ltmp2:
0x2c: {  	_ = 	snop;
	(pc) =	sbr.rel @p0 .LBB2_5-.Ltmp2, $1  }
0x2d: {  	_ =	sdelay $0x3  }
0x2e: {  	s14 =	sand.u32 $0x1, s12  }
0x2f: {  	_ =	swait.ge [sflag:s6], $0x2540;
	p0 =	seq.s32 s14, $0x1;
	s14 =	simm.s32 $0x2540  }
0x30: {  	[sflag:s6] =	ssyncset.done $0x0;
	s14 =	simm.s32 @!p0 $0x0  }
0x31: {  	[sflag:s6] =	ssyncadd.s32 $0xFFFFDAC0;
	(ifvalue) =	ssetifvalue $0x7FFFFFFF;
	v0 =	vld.msk [tilespmem:s14+$0x0 ss:$0x1], $0xffff;
	_ =	sdelay $0x4  }
0x32: {  	s15 =	sadd.s32 $0x10, s14;
	vm1 =	vgt.s32 v0, $0x0  }
0x33: {  	v2 =	vld.msk [tilespmem:s15+$0x0 ss:$0x1], $0xffff;
	v1 =	vnsel vm1, $0x0, v0  }
0x34: {  	v1 =	vmin.u32 v1, $0x927FF;
	_ =	sdelay $0x2  }
0x35: {  	s17 =	simm.s32 $0x20;
	s14 =	sor.u32 $0x4A80, s14;
	s16 =	sadd.s32 $0x10, s15  }
0x36: {  	s15 =	sadd.s32 $0x10, s14;
	s18 =	smov.u32 s14;
	v0 =	vld.msk [tilespmem:s16+$0x0 ss:$0x1], $0xffff;
	vm1 =	vgt.s32 v2, $0x0;
	(ifvalue) =	ssetifvalue $0x7FFFFFFF  }
.LBB2_3:
0x37: {  	[tilespmem:s18], [sflag:$0x1] =	stream.indirect_vreg.gather [hbm4b:s3+s10], $0x1, v1, vm0, $0x4038;
	[tilespmem:$0x9500] =	vst v63  }
0x38: {  	s17 =	sadd.s32 $0x10, s17  }
0x39: {  	v2 =	vnsel vm1, $0x0, v2;
	p0 =	slt.u32 s17, $0x2530  }
.Ltmp3:
0x3a: {  	s18 =	smov.u32 s15;
	v1 =	vmin.u32 v2, $0x927FF;
	(pc) =	sbr.rel @p0 .LBB2_3-.Ltmp3, $3  }
0x3b: {  	_ =	sdelay $0x1  }
0x3c: {  	s16 =	sadd.s32 $0x10, s16  }
0x3d: {  	vm1 =	vgt.s32 v0, $0x0;
	s15 =	sadd.s32 $0x10, s15;
	v2 =	vmov v0;
	(ifvalue) =	ssetifvalue $0x7FFFFFFF;
	v0 =	vld.msk [tilespmem:s16+$0x0 ss:$0x1], $0xffff  }
.Ltmp4:
0x3e: {  	_ = 	snop;
	(pc) =	sbr.rel .LBB2_4-.Ltmp4, $1  }
0x3f: {  	_ =	sdelay $0x3  }
.LBB2_6:
0x40: {  	_ =	sfence.sel $0x180000  }
0x41: {  	s2 =	simm.s32 $0x2;
	[bflag:$0x0] =	sbarrier.arrive $0xFFFF  }
0x42: {  	s30 =	simm.s32 $0x3;
	[sflag:s2] =	ssyncpa.u1 $0x1  }
0x43: {  	s31 =	simm.s32 $0x1;
	[sflag:s30] =	ssyncpa.u1 $0x1  }
0x44: {  	[sflag:s31] =	ssyncpa.u1 $0x1  }
0x45: {  	p0 =	sne.s32 s0, $0x0;
	_ =	strace $0x90000059  }
0x46: {  	s0 =	sadd.s32 @!p0 $0x100000, s1;
	[bflag:$0x2] =	sbarrier.arrive $0xFFFF  }
0x47: {  	[sflag:s0] =	ssyncadd.tile.s32 @!p0 $0x1;
	_ =	shalt  }
.Lfunc_end2:
_tile_overlayer_lowered:
.L_overlay_start_2:
0x48: {  	(tag) =	ssettag $0x2  }
0x49: {  	s0 =	rddreg [dreg:$0x0];
	s2 =	stileid.u32  }
0x4a: {  	s1 =	rddreg [dreg:$0x1];
	p0 =	sne.s32 s2, $0x0  }
0x4b: {  	s3 =	rddreg [dreg:$0x2];
	[bflag:$0x3] =	sbarrier.arrive $0xFFFF;
	s2 =	simm.s32 @!p0 $0x1C01  }
0x4c: {  	[timem:s3], [sflag:s2] =	dma.local @!p0 [hbm:s0], s1  }
0x4d: {  	s0 =	simm.s32 @!p0 $0x1  }
0x4e: {  	_ =	swait.ge @!p0 [sflag:s0], s1  }
0x4f: {  	s1 =	ssub.s32 @!p0 $0x0, s1;
	[sflag:s0] =	ssyncset.done @!p0 $0x0  }
0x50: {  	[sflag:s0] =	ssyncadd.s32 @!p0 s1  }
0x51: {  	[bflag:$0x3] =	sbarrier.arrive $0xFFFF  }
0x52: {  	_ =	shalt  }

// kernel: gather_offload_async_start.3
scs
__scs_entry_jumppad:
0x0: {  	(pc) =	sbr.rel $0x88, $3  }
0x1: {  	(tag) =	ssettag $0x0;
	lr =	simm.s32 $0x1  }
0x2: {  	[smem:$0x3EE6] =	sst lr;
	_ =	strace $0xD0000000  }
0x3: {  	_ = 	snop  }
0x4: {  	_ = 	snop  }
0x5: {  	_ = 	snop  }
0x6: {  	_ = 	snop  }
0x7: {  	_ = 	snop  }
__scs_overlays_trampoline_lowered:
0x8: {  	[smem:$0x3EF5] =	sst s0  }
0x9: {  	[smem:$0x3EF6] =	sst s1  }
0xa: {  	[smem:$0x3EF7] =	sst s2  }
0xb: {  	[smem:$0x3EF8] =	sst s3  }
0xc: {  	[smem:$0x3EF9] =	sst s4  }
0xd: {  	[smem:$0x3EFA] =	sst s5  }
0xe: {  	[smem:$0x3EFB] =	sst s6  }
0xf: {  	[smem:$0x3EFC] =	sst s7  }
0x10: {  	[smem:$0x3EFD] =	sst s8  }
0x11: {  	[smem:$0x3EFE] =	sst s9;
	s0 =	simm.s32 @!p0 $0x0  }
0x12: {  	s1 =	sld [smem:$0x3EE4];
	s0 =	simm.s32 @p0 $0x1  }
0x13: {  	[smem:$0x3EFF] =	sst s0;
	s0 =	simm.s32 @!p1 $0x0  }
0x14: {  	s2 =	sld [smem:$0x3EE3];
	s0 =	simm.s32 @p1 $0x1  }
0x15: {  	[smem:$0x3F00] =	sst s0;
	s0 =	simm.s32 @!p2 $0x0  }
0x16: {  	s3 =	sld [smem:$0x3FDB];
	s0 =	simm.s32 @p2 $0x1  }
0x17: {  	s4 =	simm.s32 $0x1BF5;
	[smem:$0x3F02] =	sst s0  }
0x18: {  	s0 =	sld [smem:$0x3EE5];
	_ =	swait.ge [sflag:s4], $0x0  }
0x19: {  	s7 =	sld [smem:$0x3EE6]  }
0x1a: {  	s8 =	sadd.s32 $0xFFFFE003, lr  }
0x1b: {  	s9 =	sadd.s32 $0xFFFFFEF7, lr;
	s5 =	simm.s32 $0xFFFFFFFF;
	p2 =	slt.u32 s8, $0xFFFFF086  }
0x1c: {  	p1 =	slt.u32 s9, $0xF7A;
	s5 =	simm.s32 @!p2 $0x0  }
0x1d: {  	s5 =	simm.s32 @p1 $0x1;
	p0 =	seq.s32 s7, s2  }
0x1e: {  	s7 =	smul.u32 @!p0 $0xF7A, s2;
	p2 =	seq.s32 @!p0 s5, $0x0  }
0x1f: {  	s9 =	smul.u32 $0xF7A, s1;
	s8 =	simm.s32 @!p0 $0x1BF5;
	p2 =	por !p2, p0  }
0x20: {  	[sflag:s8] =	ssyncset.s32 @!p0 $0xFFFFF086;
	s6 =	sadd.s32 @!p0 s3, s7;
	s7 =	simm.s32 @!p0 $0x108  }
0x21: {  	s3 =	sadd.s32 s3, s9;
	s6 =	sadd.s32 @!p0 $0x88, s6;
	s7 =	simm.s32 @p2 $0x1082  }
0x22: {  	[simem:s7], [sflag:s8] =	dma.local @!p0 [hbm:s6], $0xF7A  }
0x23: {  	s9 =	sor.u32 $0xD0000000, s2;
	s6 =	simm.s32 $0x108;
	_ =	swait.ge @!p0 [sflag:s8], $0x0  }
0x24: {  	s3 =	sadd.s32 $0x88, s3;
	s6 =	simm.s32 @!p1 $0x1082;
	[sflag:s4] =	ssyncset.s32 $0xFFFFF086  }
0x25: {  	[simem:s6], [sflag:s4] =	dma.local [hbm:s3], $0xF7A  }
0x26: {  	[smem:$0x3EE6] =	sst s1;
	(tag) =	ssettag s2;
	_ =	strace s9  }
0x27: {  	s1 =	sld [smem:$0x3EF6]  }
0x28: {  	s2 =	sld [smem:$0x3EF7]  }
0x29: {  	s4 =	sld [smem:$0x3EF9]  }
0x2a: {  	p0 =	seq.s32 s5, $0x0;
	s5 =	sld [smem:$0x3EFA]  }
0x2b: {  	s6 =	sld [smem:$0x3EFB]  }
0x2c: {  	s7 =	sld [smem:$0x3EFC]  }
0x2d: {  	s3 =	simm.s32 $0x108;
	s8 =	sld [smem:$0x3EFD]  }
0x2e: {  	s3 =	simm.s32 @!p0 $0x1082;
	s9 =	sld [smem:$0x3EFE]  }
0x2f: {  	lr =	sadd.s32 s0, s3;
	s0 =	sld [smem:$0x3EF5]  }
0x30: {  	s3 =	sld [smem:$0x3EF8]  }
0x31: {  	[smem:$0x3F01] =	sst s10  }
0x32: {  	s10 =	sld [smem:$0x3EFF];
	_ =	sdelay $0x3  }
0x33: {  	p0 =	seq.s32 s10, $0x1;
	s10 =	sld [smem:$0x3F01];
	_ =	sdelay $0x3  }
0x34: {  	[smem:$0x3F01] =	sst s10  }
0x35: {  	s10 =	sld [smem:$0x3F00];
	_ =	sdelay $0x3  }
0x36: {  	p1 =	seq.s32 s10, $0x1;
	s10 =	sld [smem:$0x3F01];
	_ =	sdelay $0x3  }
0x37: {  	[smem:$0x3F01] =	sst s10  }
0x38: {  	s10 =	sld [smem:$0x3F02]  }
0x39: {  	_ = 	snop;
	(pc) =	sbr.ind lr, $3  }
0x3a: {  	_ = 	snop  }
0x3b: {  	_ = 	snop  }
0x3c: {  	p2 =	seq.s32 s10, $0x1;
	s10 =	sld [smem:$0x3F01]  }
0x3d: {  	_ =	shalt  }
0x3e: {  	_ =	shalt  }
0x3f: {  	_ =	shalt  }
0x40: {  	_ =	shalt  }
0x41: {  	_ =	shalt  }
0x42: {  	_ =	shalt  }
0x43: {  	_ =	shalt  }
0x44: {  	_ =	shalt  }
0x45: {  	_ =	shalt  }
0x46: {  	_ =	shalt  }
0x47: {  	_ =	shalt  }
0x48: {  	_ =	shalt  }
0x49: {  	_ =	shalt  }
0x4a: {  	_ =	shalt  }
0x4b: {  	_ =	shalt  }
0x4c: {  	_ =	shalt  }
0x4d: {  	_ =	shalt  }
0x4e: {  	_ =	shalt  }
0x4f: {  	_ =	shalt  }
0x50: {  	_ =	shalt  }
0x51: {  	_ =	shalt  }
0x52: {  	_ =	shalt  }
0x53: {  	_ =	shalt  }
0x54: {  	_ =	shalt  }
0x55: {  	_ =	shalt  }
0x56: {  	_ =	shalt  }
0x57: {  	_ =	shalt  }
0x58: {  	_ =	shalt  }
0x59: {  	_ =	shalt  }
0x5a: {  	_ =	shalt  }
0x5b: {  	_ =	shalt  }
0x5c: {  	_ =	shalt  }
0x5d: {  	_ =	shalt  }
0x5e: {  	_ =	shalt  }
0x5f: {  	_ =	shalt  }
0x60: {  	_ =	shalt  }
0x61: {  	_ =	shalt  }
0x62: {  	_ =	shalt  }
0x63: {  	_ =	shalt  }
0x64: {  	_ =	shalt  }
0x65: {  	_ =	shalt  }
0x66: {  	_ =	shalt  }
0x67: {  	_ =	shalt  }
0x68: {  	_ =	shalt  }
0x69: {  	_ =	shalt  }
0x6a: {  	_ =	shalt  }
0x6b: {  	_ =	shalt  }
0x6c: {  	_ =	shalt  }
0x6d: {  	_ =	shalt  }
0x6e: {  	_ =	shalt  }
0x6f: {  	_ =	shalt  }
0x70: {  	_ =	shalt  }
0x71: {  	_ =	shalt  }
0x72: {  	_ =	shalt  }
0x73: {  	_ =	shalt  }
0x74: {  	_ =	shalt  }
0x75: {  	_ =	shalt  }
0x76: {  	_ =	shalt  }
0x77: {  	_ =	shalt  }
0x78: {  	_ =	shalt  }
0x79: {  	_ =	shalt  }
0x7a: {  	_ =	shalt  }
0x7b: {  	_ =	shalt  }
0x7c: {  	_ =	shalt  }
0x7d: {  	_ =	shalt  }
0x7e: {  	_ =	shalt  }
0x7f: {  	_ =	shalt  }
0x80: {  	_ =	shalt  }
0x81: {  	_ =	shalt  }
0x82: {  	_ =	shalt  }
0x83: {  	_ =	shalt  }
0x84: {  	_ =	shalt  }
0x85: {  	_ =	shalt  }
0x86: {  	_ =	shalt  }
0x87: {  	_ =	shalt  }
.Lfunc_end0:
.L_simem_size_0:
called_computation.6_lowered:
.L_overlay_start_0:
0x88: {  	s2 =	sld [smem:$0x3FD9]  }
0x89: {  	s3 =	sld [smem:$0x3FFE];
	_ =	sdelay $0x1  }
0x8a: {  	s1 =	srdreg.scid  }
0x8b: {  	s0 =	sand.u32 $0x1, s1  }
0x8c: {  	s16 =	sshll.u32 s0, $0xA;
	s2 =	sadd.s32 s3, s2  }
0x8d: {  	s2 =	sadd.s32 s2, s16  }
0x8e: {  	[smem:$0x3F0D] =	sst s2  }
0x8f: {  	_ = 	snop  }
0x90: {  	(tm) =	ssettm $0x1  }
0x91: {  	s17 =	sld [smem:$0x3FFB];
	_ =	sdelay $0x3  }
0x92: {  	_ =	strace s17  }
0x93: {  	s2 =	sld [smem:$0x3FFC];
	_ =	sdelay $0x3  }
0x94: {  	_ =	strace s2  }
0x95: {  	s2 =	sld [smem:$0x3FFD];
	_ =	sdelay $0x3  }
0x96: {  	_ =	strace s2  }
0x97: {  	_ =	strace $0x8FFFFFFF  }
0x98: {  	s18 =	sld [smem:$0x3FDB];
	_ =	sdelay $0x1  }
0x99: {  	s19 =	simm.s32 $_scs_section_size  }
0x9a: {  	s4 =	simm.s32 $_size__tile_overlayer_lowered;
	s5 =	simm.s32 $_tile_overlayer_lowered  }
0x9b: {  	s22 =	simm.s32 $0x1BFF;
	s21 =	sshll.u32 s5, $0x1;
	s2 =	sadd.s32 s19, s18  }
0x9c: {  	s6 =	simm.s32 $0x0;
	s20 =	sshll.u32 s4, $0x1;
	s4 =	sadd.s32 s21, s2  }
0x9d: {  	[timem:s6], [sflag:s22] =	dma.local [hbm:s4], s20  }
0x9e: {  	_ =	swait.ge [sflag:s22], s20  }
0x9f: {  	s3 =	ssub.s32 $0x0, s20;
	[sflag:s22] =	ssyncset.done $0x0  }
0xa0: {  	[sflag:s22] =	ssyncadd.s32 s3;
	_ =	sdelay $0x1  }
0xa1: {  	s23 =	simm.s32 $0x1B8B  }
0xa2: {  	_ =	swait.ge [sflag:s23], $0x1  }
0xa3: {  	[sflag:s23] =	ssyncset.done $0x0  }
0xa4: {  	s25 =	simm.s32 $0x1B8E;
	s24 =	sld [smem:$0x3FFE];
	[sflag:s23] =	ssyncadd.s32 $0xFFFFFFFF  }
0xa5: {  	s26 =	simm.s32 $execute0_lowered;
	[smem:$0x3FD2] =	sst s25  }
0xa6: {  	s4 =	sshll.u32 s26, $0x1;
	_ =	strace $0x80000055;
	[dreg:$0x1] =	wrdreg $0xFFFFFFFF  }
0xa7: {  	s28 =	simm.s32 $_size_execute0_lowered;
	s2 =	sadd.s32 s2, s4;
	[dreg:$0x0] =	wrdreg $0x0  }
0xa8: {  	s4 =	sshll.u32 s28, $0x1;
	[dreg:$0x2] =	wrdreg s2  }
0xa9: {  	[dreg:$0x3] =	wrdreg s4  }
0xaa: {  	[dreg:$0x4] =	wrdreg $0xC0  }
0xab: {  	_ =	task [dreg:s6], $0x5FFFF  }
0xac: {  	[dreg:$0x1] =	wrdreg $0xFFFFFFFF  }
0xad: {  	[dreg:$0x0] =	wrdreg $0x60  }
0xae: {  	[dreg:$0x2] =	wrdreg s24  }
0xaf: {  	[dreg:$0x3] =	wrdreg $0x9  }
0xb0: {  	_ =	task.clear_ibuf [dreg:s6], $0x4FFFF;
	_ =	strace $0x90000055  }
0xb1: {  	s29 =	simm.s32 $0x9;
	_ =	strace $0x80000057  }
0xb2: {  	_ =	swait.ge [sflag:s29], $0x1  }
0xb3: {  	[sflag:s29] =	ssyncadd.s32 $0xFFFFFFFF  }
0xb4: {  	_ =	strace $0x90000057  }
0xb5: {  	_ =	sfence  }
0xb6: {  	s30 =	sld [smem:$0x0];
	_ =	sdelay $0x2  }
0xb7: {  	s31 =	sshll.u32 s1, $0xD;
	s1 =	sshrl.u32 s1, $0x2  }
0xb8: {  	s3 =	sand.u32 $0x4000, s31;
	s1 =	sadd.s32 s1, s30  }
0xb9: {  	s0 =	sor.u32 s3, s0;
	s1 =	sshll.u32 s1, $0x11  }
0xba: {  	s0 =	sor.u32 s1, s0  }
0xbb: {  	s0 =	sadd.s32 $0x8F2B, s0  }
0xbc: {  	[sflag:s0] =	ssyncadd.remote.s32 $0x1  }
0xbd: {  	_ =	sfence.sel $0xFFFF  }
0xbe: {  	[dreg:$0x0] =	wrdreg $0xFFFFFFFF;
	(pc) =	sbr.abs _section_cstart, $3  }
0xbf: {  	[dreg:$0x1] =	wrdreg $0xFFFFFFFF  }
0xc0: {  	_ =	task.clear_ibuf [dreg:s6], $0x2FFFF;
	_ =	strace $0x9FFFFFFF  }
0xc1: {  	(tm) =	ssettm $0x7FFFFFFF  }
tec
execute0_lowered:
.L_overlay_start_1:
0x0: {  	(tag) =	ssettag $0x1  }
0x1: {  	s0 =	stileid.u32;
	s1 =	srdreg.scid  }
0x2: {  	s1 =	sand.u32 $0x1, s1;
	s2 =	sshll.u32 s0, $0x1  }
0x3: {  	s1 =	sor.u32 s2, s1  }
0x4: {  	s2 =	smul.u32 $0x2540, s1;
	_ =	sdelay $0x1  }
0x5: {  	s6 =	ssub.s32 $0x95000, s2  }
0x6: {  	s31 =	smulhi.u32 $0xDBEB7, s6  }
0x7: {  	s8 =	rddreg [dreg:$0x0];
	s5 =	simm.s32 $0x1;
	s10 =	simm.s32 $0x3  }
0x8: {  	s13 =	simm.s32 $0x0;
	s12 =	simm.s32 $0x0;
	s7 =	sshrl.u32 s31, $0x6  }
0x9: {  	s3 =	sadd.s32 $0x9B000, s8;
	s4 =	sadd.s32 $0x2AA00, s8;
	s9 =	smul.u32 $0x4A800, s7  }
.Ltmp0:
0xa: {  	s8 =	sadd.s32 $0xBFC00, s8;
	s1 =	rddreg [dreg:$0x1];
	(pc) =	sbr.rel .LBB2_1-.Ltmp0, $4  }
0xb: {  	_ =	strace $0x80000056;
	p0 =	sne.s32 s6, s9;
	s9 =	simm.s32 $0x1  }
0xc: {  	[sflag:s5] =	ssyncpa.u1 $0x0;
	s6 =	simm.s32 $0x2;
	s9 =	simm.s32 @!p0 $0x0  }
0xd: {  	s11 =	smov.u32 s2;
	[sflag:s6] =	ssyncpa.u1 $0x0;
	s7 =	sadd.s32 s9, s7  }
0xe: {  	vm0 =	vmmov $0xffff;
	[sflag:s10] =	ssyncpa.u1 $0x0;
	s10 =	simm.s32 $0x0;
	s9 =	sadd.s32 $0x1, s7  }
.LBB2_4:
0xf: {  	v2 =	vnsel vm1, $0x0, v2  }
0x10: {  	vm1 =	vgt.s32 v0, $0x0;
	v2 =	vmin.u32 v2, $0x927FF  }
0x11: {  	v0 =	vnsel vm1, $0x0, v0  }
0x12: {  	v0 =	vmin.u32 v0, $0x927FF  }
0x13: {  	[tilespmem:s18], [sflag:$0x1] =	stream.indirect_vreg.gather [hbm4b:s3+s10], $0x1, v1, vm0, $0x4038;
	[tilespmem:$0x9500] =	vst v63  }
0x14: {  	(ifvalue) =	ssetifvalue $0x7FFFFFFF  }
0x15: {  	[tilespmem:s15], [sflag:$0x1] =	stream.indirect_vreg.gather [hbm4b:s3+s10], $0x1, v2, vm0, $0x4038;
	[tilespmem:$0x9500] =	vst v63  }
0x16: {  	s29 =	sadd.s32 $0x10, s15;
	(ifvalue) =	ssetifvalue $0x7FFFFFFF  }
0x17: {  	[tilespmem:s29], [sflag:$0x1] =	stream.indirect_vreg.gather [hbm4b:s3+s10], $0x1, v0, vm0, $0x4038;
	[tilespmem:$0x9500] =	vst v63  }
0x18: {  	_ =	swait.ge [sflag:s5], $0x2540  }
0x19: {  	s30 =	sshrl.u32 s13, $0x3;
	[sflag:s5] =	ssyncset.done $0x0  }
0x1a: {  	s31 =	sand.u32 $0x7, s13;
	s15 =	sadd.s32 s8, s30;
	[sflag:s5] =	ssyncadd.s32 $0xFFFFDAC0  }
0x1b: {  	[hbm4b:s15+s31] =	stream.linear.scatter [tilespmem:s14], [sflag:$0x3], $0x2540, $0x38;
	[tilespmem:$0x9500] =	vst v63  }
.LBB2_5:
0x1c: {  	s15 =	sadd.s32 $0x4A800, s11  }
0x1d: {  	p1 =	sgt.s32 s15, $0x94FFF  }
0x1e: {  	s15 =	smov.u32 @p1 s2;
	p1 =	sne.s32 s12, s9  }
.Ltmp1:
0x1f: {  	p0 =	slt.u32 s12, $0x2;
	(pc) =	sbr.rel @!p1 .LBB2_6-.Ltmp1, $4  }
0x20: {  	s14 =	simm.s32 @!p0 $0x3  }
0x21: {  	_ =	swait.ge @!p0 [sflag:s14], $0x2540  }
0x22: {  	s16 =	sadd.s32 $0x1, s12;
	s13 =	smov.u32 s11;
	[sflag:s14] =	ssyncset.done @!p0 $0x0  }
0x23: {  	s12 =	smov.u32 s16;
	s11 =	smov.u32 s15;
	[sflag:s14] =	ssyncadd.s32 @!p0 $0xFFFFDAC0  }
.LBB2_1:
0x24: {  	p0 =	sge.u32 s12, s7  }
0x25: {  	s14 =	sxor.u32 @!p0 $0xFFFFFFFF, s12  }
0x26: {  	s14 =	sand.u32 @!p0 $0x1, s14  }
0x27: {  	s14 =	smul.u32 @!p0 $0x9500, s14  }
0x28: {  	s31 =	sadd.s32 $0xFFFFFFFF, s12;
	s15 =	sshrl.u32 @!p0 s11, $0x3  }
0x29: {  	s16 =	sand.u32 @!p0 $0x7, s11;
	s15 =	sadd.s32 @!p0 s4, s15;
	s14 =	sshrl.u32 @!p0 s14, $0x2  }
0x2a: {  	[tilespmem:s14], [sflag:$0x2] =	stream.linear.gather @!p0 [hbm4b:s15+s16], $0x2540, $0x38;
	[tilespmem:$0x9500] =	vst v63  }
0x2b: {  	p0 =	sge.u32 s31, s7  }
.Ltmp2:
0x2c: {  	_ = 	snop;
	(pc) =	sbr.rel @p0 .LBB2_5-.Ltmp2, $1  }
0x2d: {  	_ =	sdelay $0x3  }
0x2e: {  	s14 =	sand.u32 $0x1, s12  }
0x2f: {  	_ =	swait.ge [sflag:s6], $0x2540;
	p0 =	seq.s32 s14, $0x1;
	s14 =	simm.s32 $0x2540  }
0x30: {  	[sflag:s6] =	ssyncset.done $0x0;
	s14 =	simm.s32 @!p0 $0x0  }
0x31: {  	[sflag:s6] =	ssyncadd.s32 $0xFFFFDAC0;
	(ifvalue) =	ssetifvalue $0x7FFFFFFF;
	v0 =	vld.msk [tilespmem:s14+$0x0 ss:$0x1], $0xffff;
	_ =	sdelay $0x4  }
0x32: {  	s15 =	sadd.s32 $0x10, s14;
	vm1 =	vgt.s32 v0, $0x0  }
0x33: {  	v2 =	vld.msk [tilespmem:s15+$0x0 ss:$0x1], $0xffff;
	v1 =	vnsel vm1, $0x0, v0  }
0x34: {  	v1 =	vmin.u32 v1, $0x927FF;
	_ =	sdelay $0x2  }
0x35: {  	s17 =	simm.s32 $0x20;
	s14 =	sor.u32 $0x4A80, s14;
	s16 =	sadd.s32 $0x10, s15  }
0x36: {  	s15 =	sadd.s32 $0x10, s14;
	s18 =	smov.u32 s14;
	v0 =	vld.msk [tilespmem:s16+$0x0 ss:$0x1], $0xffff;
	vm1 =	vgt.s32 v2, $0x0;
	(ifvalue) =	ssetifvalue $0x7FFFFFFF  }
.LBB2_3:
0x37: {  	[tilespmem:s18], [sflag:$0x1] =	stream.indirect_vreg.gather [hbm4b:s3+s10], $0x1, v1, vm0, $0x4038;
	[tilespmem:$0x9500] =	vst v63  }
0x38: {  	s17 =	sadd.s32 $0x10, s17  }
0x39: {  	v2 =	vnsel vm1, $0x0, v2;
	p0 =	slt.u32 s17, $0x2530  }
.Ltmp3:
0x3a: {  	s18 =	smov.u32 s15;
	v1 =	vmin.u32 v2, $0x927FF;
	(pc) =	sbr.rel @p0 .LBB2_3-.Ltmp3, $3  }
0x3b: {  	_ =	sdelay $0x1  }
0x3c: {  	s16 =	sadd.s32 $0x10, s16  }
0x3d: {  	vm1 =	vgt.s32 v0, $0x0;
	s15 =	sadd.s32 $0x10, s15;
	v2 =	vmov v0;
	(ifvalue) =	ssetifvalue $0x7FFFFFFF;
	v0 =	vld.msk [tilespmem:s16+$0x0 ss:$0x1], $0xffff  }
.Ltmp4:
0x3e: {  	_ = 	snop;
	(pc) =	sbr.rel .LBB2_4-.Ltmp4, $1  }
0x3f: {  	_ =	sdelay $0x3  }
.LBB2_6:
0x40: {  	_ =	sfence.sel $0x180000  }
0x41: {  	s2 =	simm.s32 $0x2;
	[bflag:$0x0] =	sbarrier.arrive $0xFFFF  }
0x42: {  	s30 =	simm.s32 $0x3;
	[sflag:s2] =	ssyncpa.u1 $0x1  }
0x43: {  	s31 =	simm.s32 $0x1;
	[sflag:s30] =	ssyncpa.u1 $0x1  }
0x44: {  	[sflag:s31] =	ssyncpa.u1 $0x1  }
0x45: {  	p0 =	sne.s32 s0, $0x0;
	_ =	strace $0x90000056  }
0x46: {  	s0 =	sadd.s32 @!p0 $0x100000, s1;
	[bflag:$0x2] =	sbarrier.arrive $0xFFFF  }
0x47: {  	[sflag:s0] =	ssyncadd.tile.s32 @!p0 $0x1;
	_ =	shalt  }
.Lfunc_end2:
_tile_overlayer_lowered:
.L_overlay_start_2:
0x48: {  	(tag) =	ssettag $0x2  }
0x49: {  	s0 =	rddreg [dreg:$0x0];
	s2 =	stileid.u32  }
0x4a: {  	s1 =	rddreg [dreg:$0x1];
	p0 =	sne.s32 s2, $0x0  }
0x4b: {  	s3 =	rddreg [dreg:$0x2];
	[bflag:$0x3] =	sbarrier.arrive $0xFFFF;
	s2 =	simm.s32 @!p0 $0x1C01  }
0x4c: {  	[timem:s3], [sflag:s2] =	dma.local @!p0 [hbm:s0], s1  }
0x4d: {  	s0 =	simm.s32 @!p0 $0x1  }
0x4e: {  	_ =	swait.ge @!p0 [sflag:s0], s1  }
0x4f: {  	s1 =	ssub.s32 @!p0 $0x0, s1;
	[sflag:s0] =	ssyncset.done @!p0 $0x0  }
0x50: {  	[sflag:s0] =	ssyncadd.s32 @!p0 s1  }
0x51: {  	[bflag:$0x3] =	sbarrier.arrive $0xFFFF  }
0x52: {  	_ =	shalt  }

// kernel: gather_offload_async_start.4
scs
__scs_entry_jumppad:
0x0: {  	(pc) =	sbr.rel $0x88, $3  }
0x1: {  	(tag) =	ssettag $0x0;
	lr =	simm.s32 $0x1  }
0x2: {  	[smem:$0x3EE6] =	sst lr;
	_ =	strace $0xD0000000  }
0x3: {  	_ = 	snop  }
0x4: {  	_ = 	snop  }
0x5: {  	_ = 	snop  }
0x6: {  	_ = 	snop  }
0x7: {  	_ = 	snop  }
__scs_overlays_trampoline_lowered:
0x8: {  	[smem:$0x3EF5] =	sst s0  }
0x9: {  	[smem:$0x3EF6] =	sst s1  }
0xa: {  	[smem:$0x3EF7] =	sst s2  }
0xb: {  	[smem:$0x3EF8] =	sst s3  }
0xc: {  	[smem:$0x3EF9] =	sst s4  }
0xd: {  	[smem:$0x3EFA] =	sst s5  }
0xe: {  	[smem:$0x3EFB] =	sst s6  }
0xf: {  	[smem:$0x3EFC] =	sst s7  }
0x10: {  	[smem:$0x3EFD] =	sst s8  }
0x11: {  	[smem:$0x3EFE] =	sst s9;
	s0 =	simm.s32 @!p0 $0x0  }
0x12: {  	s1 =	sld [smem:$0x3EE4];
	s0 =	simm.s32 @p0 $0x1  }
0x13: {  	[smem:$0x3EFF] =	sst s0;
	s0 =	simm.s32 @!p1 $0x0  }
0x14: {  	s2 =	sld [smem:$0x3EE3];
	s0 =	simm.s32 @p1 $0x1  }
0x15: {  	[smem:$0x3F00] =	sst s0;
	s0 =	simm.s32 @!p2 $0x0  }
0x16: {  	s3 =	sld [smem:$0x3FDB];
	s0 =	simm.s32 @p2 $0x1  }
0x17: {  	s4 =	simm.s32 $0x1BF5;
	[smem:$0x3F02] =	sst s0  }
0x18: {  	s0 =	sld [smem:$0x3EE5];
	_ =	swait.ge [sflag:s4], $0x0  }
0x19: {  	s7 =	sld [smem:$0x3EE6]  }
0x1a: {  	s8 =	sadd.s32 $0xFFFFE003, lr  }
0x1b: {  	s9 =	sadd.s32 $0xFFFFFEF7, lr;
	s5 =	simm.s32 $0xFFFFFFFF;
	p2 =	slt.u32 s8, $0xFFFFF086  }
0x1c: {  	p1 =	slt.u32 s9, $0xF7A;
	s5 =	simm.s32 @!p2 $0x0  }
0x1d: {  	s5 =	simm.s32 @p1 $0x1;
	p0 =	seq.s32 s7, s2  }
0x1e: {  	s7 =	smul.u32 @!p0 $0xF7A, s2;
	p2 =	seq.s32 @!p0 s5, $0x0  }
0x1f: {  	s9 =	smul.u32 $0xF7A, s1;
	s8 =	simm.s32 @!p0 $0x1BF5;
	p2 =	por !p2, p0  }
0x20: {  	[sflag:s8] =	ssyncset.s32 @!p0 $0xFFFFF086;
	s6 =	sadd.s32 @!p0 s3, s7;
	s7 =	simm.s32 @!p0 $0x108  }
0x21: {  	s3 =	sadd.s32 s3, s9;
	s6 =	sadd.s32 @!p0 $0x88, s6;
	s7 =	simm.s32 @p2 $0x1082  }
0x22: {  	[simem:s7], [sflag:s8] =	dma.local @!p0 [hbm:s6], $0xF7A  }
0x23: {  	s9 =	sor.u32 $0xD0000000, s2;
	s6 =	simm.s32 $0x108;
	_ =	swait.ge @!p0 [sflag:s8], $0x0  }
0x24: {  	s3 =	sadd.s32 $0x88, s3;
	s6 =	simm.s32 @!p1 $0x1082;
	[sflag:s4] =	ssyncset.s32 $0xFFFFF086  }
0x25: {  	[simem:s6], [sflag:s4] =	dma.local [hbm:s3], $0xF7A  }
0x26: {  	[smem:$0x3EE6] =	sst s1;
	(tag) =	ssettag s2;
	_ =	strace s9  }
0x27: {  	s1 =	sld [smem:$0x3EF6]  }
0x28: {  	s2 =	sld [smem:$0x3EF7]  }
0x29: {  	s4 =	sld [smem:$0x3EF9]  }
0x2a: {  	p0 =	seq.s32 s5, $0x0;
	s5 =	sld [smem:$0x3EFA]  }
0x2b: {  	s6 =	sld [smem:$0x3EFB]  }
0x2c: {  	s7 =	sld [smem:$0x3EFC]  }
0x2d: {  	s3 =	simm.s32 $0x108;
	s8 =	sld [smem:$0x3EFD]  }
0x2e: {  	s3 =	simm.s32 @!p0 $0x1082;
	s9 =	sld [smem:$0x3EFE]  }
0x2f: {  	lr =	sadd.s32 s0, s3;
	s0 =	sld [smem:$0x3EF5]  }
0x30: {  	s3 =	sld [smem:$0x3EF8]  }
0x31: {  	[smem:$0x3F01] =	sst s10  }
0x32: {  	s10 =	sld [smem:$0x3EFF];
	_ =	sdelay $0x3  }
0x33: {  	p0 =	seq.s32 s10, $0x1;
	s10 =	sld [smem:$0x3F01];
	_ =	sdelay $0x3  }
0x34: {  	[smem:$0x3F01] =	sst s10  }
0x35: {  	s10 =	sld [smem:$0x3F00];
	_ =	sdelay $0x3  }
0x36: {  	p1 =	seq.s32 s10, $0x1;
	s10 =	sld [smem:$0x3F01];
	_ =	sdelay $0x3  }
0x37: {  	[smem:$0x3F01] =	sst s10  }
0x38: {  	s10 =	sld [smem:$0x3F02]  }
0x39: {  	_ = 	snop;
	(pc) =	sbr.ind lr, $3  }
0x3a: {  	_ = 	snop  }
0x3b: {  	_ = 	snop  }
0x3c: {  	p2 =	seq.s32 s10, $0x1;
	s10 =	sld [smem:$0x3F01]  }
0x3d: {  	_ =	shalt  }
0x3e: {  	_ =	shalt  }
0x3f: {  	_ =	shalt  }
0x40: {  	_ =	shalt  }
0x41: {  	_ =	shalt  }
0x42: {  	_ =	shalt  }
0x43: {  	_ =	shalt  }
0x44: {  	_ =	shalt  }
0x45: {  	_ =	shalt  }
0x46: {  	_ =	shalt  }
0x47: {  	_ =	shalt  }
0x48: {  	_ =	shalt  }
0x49: {  	_ =	shalt  }
0x4a: {  	_ =	shalt  }
0x4b: {  	_ =	shalt  }
0x4c: {  	_ =	shalt  }
0x4d: {  	_ =	shalt  }
0x4e: {  	_ =	shalt  }
0x4f: {  	_ =	shalt  }
0x50: {  	_ =	shalt  }
0x51: {  	_ =	shalt  }
0x52: {  	_ =	shalt  }
0x53: {  	_ =	shalt  }
0x54: {  	_ =	shalt  }
0x55: {  	_ =	shalt  }
0x56: {  	_ =	shalt  }
0x57: {  	_ =	shalt  }
0x58: {  	_ =	shalt  }
0x59: {  	_ =	shalt  }
0x5a: {  	_ =	shalt  }
0x5b: {  	_ =	shalt  }
0x5c: {  	_ =	shalt  }
0x5d: {  	_ =	shalt  }
0x5e: {  	_ =	shalt  }
0x5f: {  	_ =	shalt  }
0x60: {  	_ =	shalt  }
0x61: {  	_ =	shalt  }
0x62: {  	_ =	shalt  }
0x63: {  	_ =	shalt  }
0x64: {  	_ =	shalt  }
0x65: {  	_ =	shalt  }
0x66: {  	_ =	shalt  }
0x67: {  	_ =	shalt  }
0x68: {  	_ =	shalt  }
0x69: {  	_ =	shalt  }
0x6a: {  	_ =	shalt  }
0x6b: {  	_ =	shalt  }
0x6c: {  	_ =	shalt  }
0x6d: {  	_ =	shalt  }
0x6e: {  	_ =	shalt  }
0x6f: {  	_ =	shalt  }
0x70: {  	_ =	shalt  }
0x71: {  	_ =	shalt  }
0x72: {  	_ =	shalt  }
0x73: {  	_ =	shalt  }
0x74: {  	_ =	shalt  }
0x75: {  	_ =	shalt  }
0x76: {  	_ =	shalt  }
0x77: {  	_ =	shalt  }
0x78: {  	_ =	shalt  }
0x79: {  	_ =	shalt  }
0x7a: {  	_ =	shalt  }
0x7b: {  	_ =	shalt  }
0x7c: {  	_ =	shalt  }
0x7d: {  	_ =	shalt  }
0x7e: {  	_ =	shalt  }
0x7f: {  	_ =	shalt  }
0x80: {  	_ =	shalt  }
0x81: {  	_ =	shalt  }
0x82: {  	_ =	shalt  }
0x83: {  	_ =	shalt  }
0x84: {  	_ =	shalt  }
0x85: {  	_ =	shalt  }
0x86: {  	_ =	shalt  }
0x87: {  	_ =	shalt  }
.Lfunc_end0:
.L_simem_size_0:
called_computation.7_lowered:
.L_overlay_start_0:
0x88: {  	s0 =	sld [smem:$0x3FD9]  }
0x89: {  	s1 =	sld [smem:$0x3FFE];
	_ =	sdelay $0x3  }
0x8a: {  	s0 =	sadd.s32 s1, s0  }
0x8b: {  	[smem:$0x3F0D] =	sst s0  }
0x8c: {  	_ = 	snop  }
0x8d: {  	(tm) =	ssettm $0x1  }
0x8e: {  	s15 =	sld [smem:$0x3FFB];
	_ =	sdelay $0x3  }
0x8f: {  	_ =	strace s15  }
0x90: {  	s0 =	sld [smem:$0x3FFC];
	_ =	sdelay $0x3  }
0x91: {  	_ =	strace s0  }
0x92: {  	s0 =	sld [smem:$0x3FFD];
	_ =	sdelay $0x3  }
0x93: {  	_ =	strace s0  }
0x94: {  	_ =	strace $0x8FFFFFFF  }
0x95: {  	s16 =	sld [smem:$0x3FDB];
	_ =	sdelay $0x1  }
0x96: {  	s17 =	simm.s32 $_scs_section_size  }
0x97: {  	s2 =	simm.s32 $_size__tile_overlayer_lowered;
	s3 =	simm.s32 $_tile_overlayer_lowered  }
0x98: {  	s20 =	simm.s32 $0x1BFF;
	s19 =	sshll.u32 s3, $0x1;
	s0 =	sadd.s32 s17, s16  }
0x99: {  	s4 =	simm.s32 $0x0;
	s18 =	sshll.u32 s2, $0x1;
	s2 =	sadd.s32 s19, s0  }
0x9a: {  	[timem:s4], [sflag:s20] =	dma.local [hbm:s2], s18  }
0x9b: {  	_ =	swait.ge [sflag:s20], s18  }
0x9c: {  	s1 =	ssub.s32 $0x0, s18;
	[sflag:s20] =	ssyncset.done $0x0  }
0x9d: {  	[sflag:s20] =	ssyncadd.s32 s1;
	_ =	sdelay $0x1  }
0x9e: {  	s21 =	simm.s32 $0x1B8B  }
0x9f: {  	_ =	swait.ge [sflag:s21], $0x1  }
0xa0: {  	[sflag:s21] =	ssyncset.done $0x0  }
0xa1: {  	s23 =	simm.s32 $0x1B8E;
	s22 =	sld [smem:$0x3FFE];
	[sflag:s21] =	ssyncadd.s32 $0xFFFFFFFF  }
0xa2: {  	s24 =	simm.s32 $execute0_lowered;
	[smem:$0x3FD2] =	sst s23  }
0xa3: {  	s2 =	sshll.u32 s24, $0x1;
	_ =	strace $0x8000005B;
	[dreg:$0x1] =	wrdreg $0xFFFFFFFF  }
0xa4: {  	s25 =	simm.s32 $_size_execute0_lowered;
	s0 =	sadd.s32 s0, s2;
	[dreg:$0x0] =	wrdreg $0x0  }
0xa5: {  	s2 =	sshll.u32 s25, $0x1;
	[dreg:$0x2] =	wrdreg s0  }
0xa6: {  	[dreg:$0x3] =	wrdreg s2  }
0xa7: {  	[dreg:$0x4] =	wrdreg $0xC0  }
0xa8: {  	_ =	task [dreg:s4], $0x5FFFF  }
0xa9: {  	[dreg:$0x1] =	wrdreg $0xFFFFFFFF  }
0xaa: {  	[dreg:$0x0] =	wrdreg $0x60  }
0xab: {  	[dreg:$0x2] =	wrdreg s22  }
0xac: {  	[dreg:$0x3] =	wrdreg $0x9  }
0xad: {  	_ =	task.clear_ibuf [dreg:s4], $0x4FFFF;
	_ =	strace $0x9000005B  }
0xae: {  	s26 =	simm.s32 $0x9;
	_ =	strace $0x8000005D  }
0xaf: {  	_ =	swait.ge [sflag:s26], $0x1  }
0xb0: {  	[sflag:s26] =	ssyncadd.s32 $0xFFFFFFFF  }
0xb1: {  	_ =	strace $0x9000005D  }
0xb2: {  	_ =	sfence  }
0xb3: {  	s28 =	sld [smem:$0x0];
	_ =	sdelay $0x1  }
0xb4: {  	s29 =	srdreg.scid  }
0xb5: {  	s30 =	sshll.u32 s29, $0xD;
	s31 =	sshrl.u32 s29, $0x2  }
0xb6: {  	s1 =	sand.u32 $0x1, s29;
	s2 =	sand.u32 $0x4000, s30;
	s0 =	sadd.s32 s31, s28  }
0xb7: {  	s1 =	sor.u32 s2, s1;
	s0 =	sshll.u32 s0, $0x11  }
0xb8: {  	s0 =	sor.u32 s0, s1  }
0xb9: {  	s0 =	sadd.s32 $0x8F2B, s0  }
0xba: {  	[sflag:s0] =	ssyncadd.remote.s32 $0x1  }
0xbb: {  	_ =	sfence.sel $0xFFFF  }
0xbc: {  	[dreg:$0x0] =	wrdreg $0xFFFFFFFF;
	(pc) =	sbr.abs _section_cstart, $3  }
0xbd: {  	[dreg:$0x1] =	wrdreg $0xFFFFFFFF  }
0xbe: {  	_ =	task.clear_ibuf [dreg:s4], $0x2FFFF;
	_ =	strace $0x9FFFFFFF  }
0xbf: {  	(tm) =	ssettm $0x7FFFFFFF  }
tec
execute0_lowered:
.L_overlay_start_1:
0x0: {  	(tag) =	ssettag $0x1  }
0x1: {  	s0 =	stileid.u32  }
0x2: {  	s1 =	smin.u32 s0, $0x9  }
0x3: {  	s1 =	sadd.s32 s0, s1  }
0x4: {  	s2 =	simm.s32 $0x320;
	p0 =	slt.u32 s0, $0x9;
	s1 =	smul.u32 $0x190, s1  }
0x5: {  	s2 =	simm.s32 @!p0 $0x190  }
0x6: {  	s2 =	sadd.s32 s2, s1  }
0x7: {  	s3 =	smin.u32 s2, $0x2710  }
0x8: {  	s7 =	ssub.s32 s3, s1  }
0x9: {  	p0 =	sgt.s32 s7, $0x0  }
0xa: {  	s7 =	simm.s32 @!p0 $0x0  }
0xb: {  	s31 =	sand.u32 $0xFFF0, s7  }
0xc: {  	s2 =	sshrl.u32 s31, $0x4  }
0xd: {  	s2 =	smul.u32 $0xA3E, s2  }
0xe: {  	s9 =	rddreg [dreg:$0x0];
	s6 =	simm.s32 $0x1;
	s11 =	simm.s32 $0x3  }
0xf: {  	s13 =	simm.s32 $0x0;
	s12 =	simm.s32 $0x0;
	s8 =	sshrl.u32 s2, $0x10  }
0x10: {  	s4 =	sadd.s32 $0x2AA00, s9;
	s5 =	sadd.s32 $0x2A400, s9;
	s10 =	smul.u32 $0x190, s8  }
.Ltmp0:
0x11: {  	s9 =	sadd.s32 $0x51C00, s9;
	s2 =	rddreg [dreg:$0x1];
	(pc) =	sbr.rel .LBB2_1-.Ltmp0, $4  }
0x12: {  	_ =	strace $0x8000005C;
	p0 =	sne.s32 s7, s10;
	s10 =	simm.s32 $0x1  }
0x13: {  	[sflag:s6] =	ssyncpa.u1 $0x0;
	s7 =	simm.s32 $0x2;
	s10 =	simm.s32 @!p0 $0x0  }
0x14: {  	[sflag:s7] =	ssyncpa.u1 $0x0;
	p0 =	por $0x0, $0x0;
	s8 =	sadd.s32 s8, s10  }
0x15: {  	vm0 =	vmmov $0xff;
	vm1 =	vcmask $0x3F20;
	[sflag:s11] =	ssyncpa.u1 $0x0;
	s11 =	smov.u32 s1;
	s10 =	sadd.s32 $0x1, s8  }
.LBB2_6:
0x16: {  	[hbm:s17] =	stream.linear.scatter [tilespmem:s14], [sflag:$0x3], $0x400, $0x38;
	[tilespmem:$0x19320] =	vst v63  }
.LBB2_7:
0x17: {  	s13 =	sadd.s32 $0x190, s11  }
0x18: {  	s15 =	smov.u32 s1;
	p2 =	slt.s32 s13, s3  }
0x19: {  	s15 =	smov.u32 @p2 s13;
	p2 =	sne.s32 s12, s10  }
.Ltmp1:
0x1a: {  	p1 =	slt.u32 s12, $0x2;
	(pc) =	sbr.rel @!p2 .LBB2_8-.Ltmp1, $4  }
0x1b: {  	s14 =	simm.s32 @!p1 $0x3  }
0x1c: {  	s16 =	sadd.s32 $0x1, s12;
	_ =	swait.ge @!p1 [sflag:s14], $0xC800  }
0x1d: {  	p0 =	por !p0, !p0;
	s13 =	smov.u32 s11;
	[sflag:s14] =	ssyncset.done @!p1 $0x0  }
0x1e: {  	s12 =	smov.u32 s16;
	s11 =	smov.u32 s15;
	[sflag:s14] =	ssyncadd.s32 @!p1 $0xFFFF3800  }
.LBB2_1:
0x1f: {  	p1 =	sge.u32 s12, s8  }
0x20: {  	s14 =	sxor.u32 @!p1 $0xFFFFFFFF, s12  }
0x21: {  	s14 =	sand.u32 @!p1 $0x1, s14  }
0x22: {  	s14 =	smul.u32 @!p1 $0x640, s14  }
0x23: {  	s31 =	sadd.s32 $0xFFFFFFFF, s12;
	s15 =	sshrl.u32 @!p1 s11, $0x3  }
0x24: {  	s16 =	sand.u32 @!p1 $0x7, s11;
	s15 =	sadd.s32 @!p1 s5, s15;
	s14 =	sshrl.u32 @!p1 s14, $0x2  }
0x25: {  	[tilespmem:s14], [sflag:$0x2] =	stream.linear.gather @!p1 [hbm4b:s15+s16], $0x190, $0x38;
	[tilespmem:$0x19320] =	vst v63  }
0x26: {  	p1 =	sge.u32 s31, s8  }
.Ltmp2:
0x27: {  	_ = 	snop;
	(pc) =	sbr.rel @p1 .LBB2_7-.Ltmp2, $1  }
0x28: {  	_ =	sdelay $0x3  }
0x29: {  	s14 =	simm.s32 $0x1  }
0x2a: {  	s14 =	simm.s32 @!p0 $0x0  }
0x2b: {  	s15 =	smul.u32 $0x640, s14  }
0x2c: {  	_ =	swait.ge [sflag:s7], $0x190  }
0x2d: {  	[sflag:s7] =	ssyncset.done $0x0;
	s16 =	sshrl.u32 s15, $0x2  }
0x2e: {  	[sflag:s7] =	ssyncadd.s32 $0xFFFFFE70;
	s15 =	sadd.s32 $0x0, s16  }
0x2f: {  	v0 =	vld.msk [tilespmem:s15+$0x0 ss:$0x1], $0xffff;
	_ =	sdelay $0x4  }
0x30: {  	vm2 =	vgt.s32 v0, $0x0  }
0x31: {  	v0 =	vnsel vm2, $0x0, v0  }
0x32: {  	v0 =	vmin.u32 v0, $0x270F  }
0x33: {  	v0 =	vshll.u32 v0, $0x4  }
0x34: {  	s14 =	smul.u32 $0x32000, s14;
	_ =	sdelay $0x1  }
0x35: {  	s14 =	sshrl.u32 s14, $0x2  }
0x36: {  	s14 =	sor.u32 $0x320, s14  }
0x37: {  	[tilespmem:s14], [sflag:$0x1] =	stream.indirect_vreg.gather [hbm:s4], $0x80, v0, vm0, $0x38;
	[tilespmem:$0x19320] =	vst v63  }
0x38: {  	s17 =	sadd.s32 $0x10, s16;
	s15 =	sadd.s32 $0x400, s14  }
0x39: {  	[tilespmem:s15], [sflag:$0x1] =	stream.indirect_vreg.gather [hbm:s4], $0x80, v0, vm1, $0x38;
	[tilespmem:$0x19320] =	vst v63  }
0x3a: {  	s18 =	simm.s32 $0x80;
	v0 =	vld.msk [tilespmem:s17+$0x0 ss:$0x1], $0xffff;
	s17 =	smov.u32 s14  }
.LBB2_3:
0x3b: {  	p1 =	sne.s32 s18, $0x600;
	_ =	sdelay $0x4  }
0x3c: {  	vm2 =	vgt.s32 v0, $0x0  }
0x3d: {  	v0 =	vnsel vm2, $0x0, v0  }
0x3e: {  	v0 =	vmin.u32 v0, $0x270F  }
0x3f: {  	v0 =	vshll.u32 v0, $0x4;
	_ =	sdelay $0x3  }
.Ltmp3:
0x40: {  	s19 =	sshra.s32 s18, $0x2;
	s17 =	sadd.s32 $0x800, s17;
	(pc) =	sbr.rel @p1 .LBB2_3-.Ltmp3, $4  }
0x41: {  	[tilespmem:s17], [sflag:$0x1] =	stream.indirect_vreg.gather [hbm:s4], $0x80, v0, vm0, $0x38;
	[tilespmem:$0x19320] =	vst v63  }
0x42: {  	s19 =	sadd.s32 s19, s16;
	s20 =	sadd.s32 $0x400, s17  }
0x43: {  	[tilespmem:s20], [sflag:$0x1] =	stream.indirect_vreg.gather [hbm:s4], $0x80, v0, vm1, $0x38;
	[tilespmem:$0x19320] =	vst v63  }
0x44: {  	s18 =	sadd.s32 $0x40, s18;
	v0 =	vld.msk [tilespmem:s19+$0x0 ss:$0x1], $0xffff  }
0x45: {  	_ =	sdelay $0x3  }
0x46: {  	vm2 =	vgt.s32 v0, $0x0  }
0x47: {  	v0 =	vnsel vm2, $0x0, v0  }
0x48: {  	v0 =	vmin.u32 v0, $0x270F  }
0x49: {  	v0 =	vshll.u32 v0, $0x4;
	_ =	sdelay $0x3  }
0x4a: {  	s16 =	sadd.s32 $0x800, s17  }
0x4b: {  	[tilespmem:s16], [sflag:$0x1] =	stream.indirect_vreg.gather [hbm:s4], $0x80, v0, vm0, $0x38;
	[tilespmem:$0x19320] =	vst v63  }
0x4c: {  	s16 =	sadd.s32 $0x400, s16  }
0x4d: {  	[tilespmem:s16], [sflag:$0x1] =	stream.indirect_vreg.gather [hbm:s4], $0x80, v0, vm1, $0x38;
	[tilespmem:$0x19320] =	vst v63  }
0x4e: {  	s13 =	sshll.u32 s13, $0x4;
	_ =	swait.ge [sflag:s6], $0xC800  }
0x4f: {  	s13 =	sadd.s32 s13, s9;
	[sflag:s6] =	ssyncset.done $0x0  }
0x50: {  	s17 =	sadd.s32 $0x0, s13;
	s16 =	simm.s32 $0x80;
	[sflag:s6] =	ssyncadd.s32 $0xFFFF3800  }
.LBB2_5:
0x51: {  	[hbm:s17] =	stream.linear.scatter [tilespmem:s14], [sflag:$0x3], $0x400, $0x38;
	[tilespmem:$0x19320] =	vst v63  }
0x52: {  	s17 =	smov.u32 s16;
	s14 =	smov.u32 s15;
	p1 =	sne.s32 s16, $0x1880  }
.Ltmp4:
0x53: {  	s16 =	sadd.s32 $0x80, s16;
	(pc) =	sbr.rel @p1 .LBB2_5-.Ltmp4, $2  }
0x54: {  	_ =	sdelay $0x2  }
0x55: {  	s15 =	sadd.s32 $0x400, s15;
	s17 =	sadd.s32 s17, s13  }
.Ltmp5:
0x56: {  	_ = 	snop;
	(pc) =	sbr.rel .LBB2_6-.Ltmp5, $1  }
0x57: {  	_ =	sdelay $0x3  }
.LBB2_8:
0x58: {  	_ =	sfence.sel $0x180000  }
0x59: {  	s1 =	simm.s32 $0x2;
	[bflag:$0x0] =	sbarrier.arrive $0xFFFF  }
0x5a: {  	s30 =	simm.s32 $0x3;
	[sflag:s1] =	ssyncpa.u1 $0x1  }
0x5b: {  	s31 =	simm.s32 $0x1;
	[sflag:s30] =	ssyncpa.u1 $0x1  }
0x5c: {  	[sflag:s31] =	ssyncpa.u1 $0x1  }
0x5d: {  	p0 =	sne.s32 s0, $0x0;
	_ =	strace $0x9000005C  }
0x5e: {  	s0 =	sadd.s32 @!p0 $0x100000, s2;
	[bflag:$0x2] =	sbarrier.arrive $0xFFFF  }
0x5f: {  	[sflag:s0] =	ssyncadd.tile.s32 @!p0 $0x1;
	_ =	shalt  }
.Lfunc_end2:
_tile_overlayer_lowered:
.L_overlay_start_2:
0x60: {  	(tag) =	ssettag $0x2  }
0x61: {  	s0 =	rddreg [dreg:$0x0];
	s2 =	stileid.u32  }
0x62: {  	s1 =	rddreg [dreg:$0x1];
	p0 =	sne.s32 s2, $0x0  }
0x63: {  	s3 =	rddreg [dreg:$0x2];
	[bflag:$0x3] =	sbarrier.arrive $0xFFFF;
	s2 =	simm.s32 @!p0 $0x1C01  }
0x64: {  	[timem:s3], [sflag:s2] =	dma.local @!p0 [hbm:s0], s1  }
0x65: {  	s0 =	simm.s32 @!p0 $0x1  }
0x66: {  	_ =	swait.ge @!p0 [sflag:s0], s1  }
0x67: {  	s1 =	ssub.s32 @!p0 $0x0, s1;
	[sflag:s0] =	ssyncset.done @!p0 $0x0  }
0x68: {  	[sflag:s0] =	ssyncadd.s32 @!p0 s1  }
0x69: {  	[bflag:$0x3] =	sbarrier.arrive $0xFFFF  }
0x6a: {  	_ =	shalt  }

// kernel: gather_offload_async_start
scs
__scs_entry_jumppad:
0x0: {  	(pc) =	sbr.rel $0x88, $3  }
0x1: {  	(tag) =	ssettag $0x0;
	lr =	simm.s32 $0x1  }
0x2: {  	[smem:$0x3EE6] =	sst lr;
	_ =	strace $0xD0000000  }
0x3: {  	_ = 	snop  }
0x4: {  	_ = 	snop  }
0x5: {  	_ = 	snop  }
0x6: {  	_ = 	snop  }
0x7: {  	_ = 	snop  }
__scs_overlays_trampoline_lowered:
0x8: {  	[smem:$0x3EF5] =	sst s0  }
0x9: {  	[smem:$0x3EF6] =	sst s1  }
0xa: {  	[smem:$0x3EF7] =	sst s2  }
0xb: {  	[smem:$0x3EF8] =	sst s3  }
0xc: {  	[smem:$0x3EF9] =	sst s4  }
0xd: {  	[smem:$0x3EFA] =	sst s5  }
0xe: {  	[smem:$0x3EFB] =	sst s6  }
0xf: {  	[smem:$0x3EFC] =	sst s7  }
0x10: {  	[smem:$0x3EFD] =	sst s8  }
0x11: {  	[smem:$0x3EFE] =	sst s9;
	s0 =	simm.s32 @!p0 $0x0  }
0x12: {  	s1 =	sld [smem:$0x3EE4];
	s0 =	simm.s32 @p0 $0x1  }
0x13: {  	[smem:$0x3EFF] =	sst s0;
	s0 =	simm.s32 @!p1 $0x0  }
0x14: {  	s2 =	sld [smem:$0x3EE3];
	s0 =	simm.s32 @p1 $0x1  }
0x15: {  	[smem:$0x3F00] =	sst s0;
	s0 =	simm.s32 @!p2 $0x0  }
0x16: {  	s3 =	sld [smem:$0x3FDB];
	s0 =	simm.s32 @p2 $0x1  }
0x17: {  	s4 =	simm.s32 $0x1BF5;
	[smem:$0x3F02] =	sst s0  }
0x18: {  	s0 =	sld [smem:$0x3EE5];
	_ =	swait.ge [sflag:s4], $0x0  }
0x19: {  	s7 =	sld [smem:$0x3EE6]  }
0x1a: {  	s8 =	sadd.s32 $0xFFFFE003, lr  }
0x1b: {  	s9 =	sadd.s32 $0xFFFFFEF7, lr;
	s5 =	simm.s32 $0xFFFFFFFF;
	p2 =	slt.u32 s8, $0xFFFFF086  }
0x1c: {  	p1 =	slt.u32 s9, $0xF7A;
	s5 =	simm.s32 @!p2 $0x0  }
0x1d: {  	s5 =	simm.s32 @p1 $0x1;
	p0 =	seq.s32 s7, s2  }
0x1e: {  	s7 =	smul.u32 @!p0 $0xF7A, s2;
	p2 =	seq.s32 @!p0 s5, $0x0  }
0x1f: {  	s9 =	smul.u32 $0xF7A, s1;
	s8 =	simm.s32 @!p0 $0x1BF5;
	p2 =	por !p2, p0  }
0x20: {  	[sflag:s8] =	ssyncset.s32 @!p0 $0xFFFFF086;
	s6 =	sadd.s32 @!p0 s3, s7;
	s7 =	simm.s32 @!p0 $0x108  }
0x21: {  	s3 =	sadd.s32 s3, s9;
	s6 =	sadd.s32 @!p0 $0x88, s6;
	s7 =	simm.s32 @p2 $0x1082  }
0x22: {  	[simem:s7], [sflag:s8] =	dma.local @!p0 [hbm:s6], $0xF7A  }
0x23: {  	s9 =	sor.u32 $0xD0000000, s2;
	s6 =	simm.s32 $0x108;
	_ =	swait.ge @!p0 [sflag:s8], $0x0  }
0x24: {  	s3 =	sadd.s32 $0x88, s3;
	s6 =	simm.s32 @!p1 $0x1082;
	[sflag:s4] =	ssyncset.s32 $0xFFFFF086  }
0x25: {  	[simem:s6], [sflag:s4] =	dma.local [hbm:s3], $0xF7A  }
0x26: {  	[smem:$0x3EE6] =	sst s1;
	(tag) =	ssettag s2;
	_ =	strace s9  }
0x27: {  	s1 =	sld [smem:$0x3EF6]  }
0x28: {  	s2 =	sld [smem:$0x3EF7]  }
0x29: {  	s4 =	sld [smem:$0x3EF9]  }
0x2a: {  	p0 =	seq.s32 s5, $0x0;
	s5 =	sld [smem:$0x3EFA]  }
0x2b: {  	s6 =	sld [smem:$0x3EFB]  }
0x2c: {  	s7 =	sld [smem:$0x3EFC]  }
0x2d: {  	s3 =	simm.s32 $0x108;
	s8 =	sld [smem:$0x3EFD]  }
0x2e: {  	s3 =	simm.s32 @!p0 $0x1082;
	s9 =	sld [smem:$0x3EFE]  }
0x2f: {  	lr =	sadd.s32 s0, s3;
	s0 =	sld [smem:$0x3EF5]  }
0x30: {  	s3 =	sld [smem:$0x3EF8]  }
0x31: {  	[smem:$0x3F01] =	sst s10  }
0x32: {  	s10 =	sld [smem:$0x3EFF];
	_ =	sdelay $0x3  }
0x33: {  	p0 =	seq.s32 s10, $0x1;
	s10 =	sld [smem:$0x3F01];
	_ =	sdelay $0x3  }
0x34: {  	[smem:$0x3F01] =	sst s10  }
0x35: {  	s10 =	sld [smem:$0x3F00];
	_ =	sdelay $0x3  }
0x36: {  	p1 =	seq.s32 s10, $0x1;
	s10 =	sld [smem:$0x3F01];
	_ =	sdelay $0x3  }
0x37: {  	[smem:$0x3F01] =	sst s10  }
0x38: {  	s10 =	sld [smem:$0x3F02]  }
0x39: {  	_ = 	snop;
	(pc) =	sbr.ind lr, $3  }
0x3a: {  	_ = 	snop  }
0x3b: {  	_ = 	snop  }
0x3c: {  	p2 =	seq.s32 s10, $0x1;
	s10 =	sld [smem:$0x3F01]  }
0x3d: {  	_ =	shalt  }
0x3e: {  	_ =	shalt  }
0x3f: {  	_ =	shalt  }
0x40: {  	_ =	shalt  }
0x41: {  	_ =	shalt  }
0x42: {  	_ =	shalt  }
0x43: {  	_ =	shalt  }
0x44: {  	_ =	shalt  }
0x45: {  	_ =	shalt  }
0x46: {  	_ =	shalt  }
0x47: {  	_ =	shalt  }
0x48: {  	_ =	shalt  }
0x49: {  	_ =	shalt  }
0x4a: {  	_ =	shalt  }
0x4b: {  	_ =	shalt  }
0x4c: {  	_ =	shalt  }
0x4d: {  	_ =	shalt  }
0x4e: {  	_ =	shalt  }
0x4f: {  	_ =	shalt  }
0x50: {  	_ =	shalt  }
0x51: {  	_ =	shalt  }
0x52: {  	_ =	shalt  }
0x53: {  	_ =	shalt  }
0x54: {  	_ =	shalt  }
0x55: {  	_ =	shalt  }
0x56: {  	_ =	shalt  }
0x57: {  	_ =	shalt  }
0x58: {  	_ =	shalt  }
0x59: {  	_ =	shalt  }
0x5a: {  	_ =	shalt  }
0x5b: {  	_ =	shalt  }
0x5c: {  	_ =	shalt  }
0x5d: {  	_ =	shalt  }
0x5e: {  	_ =	shalt  }
0x5f: {  	_ =	shalt  }
0x60: {  	_ =	shalt  }
0x61: {  	_ =	shalt  }
0x62: {  	_ =	shalt  }
0x63: {  	_ =	shalt  }
0x64: {  	_ =	shalt  }
0x65: {  	_ =	shalt  }
0x66: {  	_ =	shalt  }
0x67: {  	_ =	shalt  }
0x68: {  	_ =	shalt  }
0x69: {  	_ =	shalt  }
0x6a: {  	_ =	shalt  }
0x6b: {  	_ =	shalt  }
0x6c: {  	_ =	shalt  }
0x6d: {  	_ =	shalt  }
0x6e: {  	_ =	shalt  }
0x6f: {  	_ =	shalt  }
0x70: {  	_ =	shalt  }
0x71: {  	_ =	shalt  }
0x72: {  	_ =	shalt  }
0x73: {  	_ =	shalt  }
0x74: {  	_ =	shalt  }
0x75: {  	_ =	shalt  }
0x76: {  	_ =	shalt  }
0x77: {  	_ =	shalt  }
0x78: {  	_ =	shalt  }
0x79: {  	_ =	shalt  }
0x7a: {  	_ =	shalt  }
0x7b: {  	_ =	shalt  }
0x7c: {  	_ =	shalt  }
0x7d: {  	_ =	shalt  }
0x7e: {  	_ =	shalt  }
0x7f: {  	_ =	shalt  }
0x80: {  	_ =	shalt  }
0x81: {  	_ =	shalt  }
0x82: {  	_ =	shalt  }
0x83: {  	_ =	shalt  }
0x84: {  	_ =	shalt  }
0x85: {  	_ =	shalt  }
0x86: {  	_ =	shalt  }
0x87: {  	_ =	shalt  }
.Lfunc_end0:
.L_simem_size_0:
called_computation.3_lowered:
.L_overlay_start_0:
0x88: {  	s0 =	sld [smem:$0x3FD9]  }
0x89: {  	s1 =	sld [smem:$0x3FFE];
	_ =	sdelay $0x3  }
0x8a: {  	s0 =	sadd.s32 s1, s0  }
0x8b: {  	[smem:$0x3F0D] =	sst s0  }
0x8c: {  	_ = 	snop  }
0x8d: {  	(tm) =	ssettm $0x1  }
0x8e: {  	s15 =	sld [smem:$0x3FFB];
	_ =	sdelay $0x3  }
0x8f: {  	_ =	strace s15  }
0x90: {  	s0 =	sld [smem:$0x3FFC];
	_ =	sdelay $0x3  }
0x91: {  	_ =	strace s0  }
0x92: {  	s0 =	sld [smem:$0x3FFD];
	_ =	sdelay $0x3  }
0x93: {  	_ =	strace s0  }
0x94: {  	_ =	strace $0x8FFFFFFF  }
0x95: {  	s16 =	sld [smem:$0x3FDB];
	_ =	sdelay $0x1  }
0x96: {  	s17 =	simm.s32 $_scs_section_size  }
0x97: {  	s2 =	simm.s32 $_size__tile_overlayer_lowered;
	s3 =	simm.s32 $_tile_overlayer_lowered  }
0x98: {  	s20 =	simm.s32 $0x1BFF;
	s19 =	sshll.u32 s3, $0x1;
	s0 =	sadd.s32 s17, s16  }
0x99: {  	s4 =	simm.s32 $0x0;
	s18 =	sshll.u32 s2, $0x1;
	s2 =	sadd.s32 s19, s0  }
0x9a: {  	[timem:s4], [sflag:s20] =	dma.local [hbm:s2], s18  }
0x9b: {  	_ =	swait.ge [sflag:s20], s18  }
0x9c: {  	s1 =	ssub.s32 $0x0, s18;
	[sflag:s20] =	ssyncset.done $0x0  }
0x9d: {  	[sflag:s20] =	ssyncadd.s32 s1;
	_ =	sdelay $0x1  }
0x9e: {  	s21 =	simm.s32 $0x1B8B  }
0x9f: {  	_ =	swait.ge [sflag:s21], $0x1  }
0xa0: {  	[sflag:s21] =	ssyncset.done $0x0  }
0xa1: {  	s23 =	simm.s32 $0x1B8E;
	s22 =	sld [smem:$0x3FFE];
	[sflag:s21] =	ssyncadd.s32 $0xFFFFFFFF  }
0xa2: {  	s24 =	simm.s32 $execute0_lowered;
	[smem:$0x3FD2] =	sst s23  }
0xa3: {  	s2 =	sshll.u32 s24, $0x1;
	_ =	strace $0x80000046;
	[dreg:$0x1] =	wrdreg $0xFFFFFFFF  }
0xa4: {  	s25 =	simm.s32 $_size_execute0_lowered;
	s0 =	sadd.s32 s0, s2;
	[dreg:$0x0] =	wrdreg $0x0  }
0xa5: {  	s2 =	sshll.u32 s25, $0x1;
	[dreg:$0x2] =	wrdreg s0  }
0xa6: {  	[dreg:$0x3] =	wrdreg s2  }
0xa7: {  	[dreg:$0x4] =	wrdreg $0xC0  }
0xa8: {  	_ =	task [dreg:s4], $0x5FFFF  }
0xa9: {  	[dreg:$0x1] =	wrdreg $0xFFFFFFFF  }
0xaa: {  	[dreg:$0x0] =	wrdreg $0x60  }
0xab: {  	[dreg:$0x2] =	wrdreg s22  }
0xac: {  	[dreg:$0x3] =	wrdreg $0x9  }
0xad: {  	_ =	task.clear_ibuf [dreg:s4], $0x4FFFF;
	_ =	strace $0x90000046  }
0xae: {  	s26 =	simm.s32 $0x9;
	_ =	strace $0x80000048  }
0xaf: {  	_ =	swait.ge [sflag:s26], $0x1  }
0xb0: {  	[sflag:s26] =	ssyncadd.s32 $0xFFFFFFFF  }
0xb1: {  	_ =	strace $0x90000048  }
0xb2: {  	_ =	sfence  }
0xb3: {  	s28 =	sld [smem:$0x0];
	_ =	sdelay $0x1  }
0xb4: {  	s29 =	srdreg.scid  }
0xb5: {  	s30 =	sshll.u32 s29, $0xD;
	s31 =	sshrl.u32 s29, $0x2  }
0xb6: {  	s1 =	sand.u32 $0x1, s29;
	s2 =	sand.u32 $0x4000, s30;
	s0 =	sadd.s32 s31, s28  }
0xb7: {  	s1 =	sor.u32 s2, s1;
	s0 =	sshll.u32 s0, $0x11  }
0xb8: {  	s0 =	sor.u32 s0, s1  }
0xb9: {  	s0 =	sadd.s32 $0x8F2B, s0  }
0xba: {  	[sflag:s0] =	ssyncadd.remote.s32 $0x1  }
0xbb: {  	_ =	sfence.sel $0xFFFF  }
0xbc: {  	[dreg:$0x0] =	wrdreg $0xFFFFFFFF;
	(pc) =	sbr.abs _section_cstart, $3  }
0xbd: {  	[dreg:$0x1] =	wrdreg $0xFFFFFFFF  }
0xbe: {  	_ =	task.clear_ibuf [dreg:s4], $0x2FFFF;
	_ =	strace $0x9FFFFFFF  }
0xbf: {  	(tm) =	ssettm $0x7FFFFFFF  }
tec
execute0_lowered:
.L_overlay_start_1:
0x0: {  	(tag) =	ssettag $0x1  }
0x1: {  	s0 =	stileid.u32  }
0x2: {  	s1 =	smin.u32 s0, $0x9  }
0x3: {  	s1 =	sadd.s32 s0, s1  }
0x4: {  	s2 =	simm.s32 $0x320;
	p0 =	slt.u32 s0, $0x9;
	s1 =	smul.u32 $0x190, s1  }
0x5: {  	s2 =	simm.s32 @!p0 $0x190  }
0x6: {  	s2 =	sadd.s32 s2, s1  }
0x7: {  	s3 =	smin.u32 s2, $0x2710  }
0x8: {  	s7 =	ssub.s32 s3, s1  }
0x9: {  	p0 =	sgt.s32 s7, $0x0  }
0xa: {  	s7 =	simm.s32 @!p0 $0x0  }
0xb: {  	s31 =	sand.u32 $0xFFF0, s7  }
0xc: {  	s2 =	sshrl.u32 s31, $0x4  }
0xd: {  	s2 =	smul.u32 $0xA3E, s2  }
0xe: {  	s9 =	rddreg [dreg:$0x0];
	s6 =	simm.s32 $0x1;
	s11 =	simm.s32 $0x3  }
0xf: {  	s13 =	simm.s32 $0x0;
	s12 =	simm.s32 $0x0;
	s8 =	sshrl.u32 s2, $0x10  }
0x10: {  	s4 =	sadd.s32 $0x20400, s9;
	s5 =	sadd.s32 $0x47600, s9;
	s10 =	smul.u32 $0x190, s8  }
.Ltmp0:
0x11: {  	s9 =	sadd.s32 $0x47C00, s9;
	s2 =	rddreg [dreg:$0x1];
	(pc) =	sbr.rel .LBB2_1-.Ltmp0, $4  }
0x12: {  	_ =	strace $0x80000047;
	p0 =	sne.s32 s7, s10;
	s10 =	simm.s32 $0x1  }
0x13: {  	[sflag:s6] =	ssyncpa.u1 $0x0;
	s7 =	simm.s32 $0x2;
	s10 =	simm.s32 @!p0 $0x0  }
0x14: {  	[sflag:s7] =	ssyncpa.u1 $0x0;
	p0 =	por $0x0, $0x0;
	s8 =	sadd.s32 s8, s10  }
0x15: {  	vm0 =	vmmov $0xff;
	vm1 =	vcmask $0x3F20;
	[sflag:s11] =	ssyncpa.u1 $0x0;
	s11 =	smov.u32 s1;
	s10 =	sadd.s32 $0x1, s8  }
.LBB2_6:
0x16: {  	[hbm:s17] =	stream.linear.scatter [tilespmem:s14], [sflag:$0x3], $0x400, $0x38;
	[tilespmem:$0x19320] =	vst v63  }
.LBB2_7:
0x17: {  	s13 =	sadd.s32 $0x190, s11  }
0x18: {  	s15 =	smov.u32 s1;
	p2 =	slt.s32 s13, s3  }
0x19: {  	s15 =	smov.u32 @p2 s13;
	p2 =	sne.s32 s12, s10  }
.Ltmp1:
0x1a: {  	p1 =	slt.u32 s12, $0x2;
	(pc) =	sbr.rel @!p2 .LBB2_8-.Ltmp1, $4  }
0x1b: {  	s14 =	simm.s32 @!p1 $0x3  }
0x1c: {  	s16 =	sadd.s32 $0x1, s12;
	_ =	swait.ge @!p1 [sflag:s14], $0xC800  }
0x1d: {  	p0 =	por !p0, !p0;
	s13 =	smov.u32 s11;
	[sflag:s14] =	ssyncset.done @!p1 $0x0  }
0x1e: {  	s12 =	smov.u32 s16;
	s11 =	smov.u32 s15;
	[sflag:s14] =	ssyncadd.s32 @!p1 $0xFFFF3800  }
.LBB2_1:
0x1f: {  	p1 =	sge.u32 s12, s8  }
0x20: {  	s14 =	sxor.u32 @!p1 $0xFFFFFFFF, s12  }
0x21: {  	s14 =	sand.u32 @!p1 $0x1, s14  }
0x22: {  	s14 =	smul.u32 @!p1 $0x640, s14  }
0x23: {  	s31 =	sadd.s32 $0xFFFFFFFF, s12;
	s15 =	sshrl.u32 @!p1 s11, $0x3  }
0x24: {  	s16 =	sand.u32 @!p1 $0x7, s11;
	s15 =	sadd.s32 @!p1 s5, s15;
	s14 =	sshrl.u32 @!p1 s14, $0x2  }
0x25: {  	[tilespmem:s14], [sflag:$0x2] =	stream.linear.gather @!p1 [hbm4b:s15+s16], $0x190, $0x38;
	[tilespmem:$0x19320] =	vst v63  }
0x26: {  	p1 =	sge.u32 s31, s8  }
.Ltmp2:
0x27: {  	_ = 	snop;
	(pc) =	sbr.rel @p1 .LBB2_7-.Ltmp2, $1  }
0x28: {  	_ =	sdelay $0x3  }
0x29: {  	s14 =	simm.s32 $0x1  }
0x2a: {  	s14 =	simm.s32 @!p0 $0x0  }
0x2b: {  	s15 =	smul.u32 $0x640, s14  }
0x2c: {  	_ =	swait.ge [sflag:s7], $0x190  }
0x2d: {  	[sflag:s7] =	ssyncset.done $0x0;
	s16 =	sshrl.u32 s15, $0x2  }
0x2e: {  	[sflag:s7] =	ssyncadd.s32 $0xFFFFFE70;
	s15 =	sadd.s32 $0x0, s16  }
0x2f: {  	v0 =	vld.msk [tilespmem:s15+$0x0 ss:$0x1], $0xffff;
	_ =	sdelay $0x4  }
0x30: {  	vm2 =	vgt.s32 v0, $0x0  }
0x31: {  	v0 =	vnsel vm2, $0x0, v0  }
0x32: {  	v0 =	vmin.u32 v0, $0x270F  }
0x33: {  	v0 =	vshll.u32 v0, $0x4  }
0x34: {  	s14 =	smul.u32 $0x32000, s14;
	_ =	sdelay $0x1  }
0x35: {  	s14 =	sshrl.u32 s14, $0x2  }
0x36: {  	s14 =	sor.u32 $0x320, s14  }
0x37: {  	[tilespmem:s14], [sflag:$0x1] =	stream.indirect_vreg.gather [hbm:s4], $0x80, v0, vm0, $0x38;
	[tilespmem:$0x19320] =	vst v63  }
0x38: {  	s17 =	sadd.s32 $0x10, s16;
	s15 =	sadd.s32 $0x400, s14  }
0x39: {  	[tilespmem:s15], [sflag:$0x1] =	stream.indirect_vreg.gather [hbm:s4], $0x80, v0, vm1, $0x38;
	[tilespmem:$0x19320] =	vst v63  }
0x3a: {  	s18 =	simm.s32 $0x80;
	v0 =	vld.msk [tilespmem:s17+$0x0 ss:$0x1], $0xffff;
	s17 =	smov.u32 s14  }
.LBB2_3:
0x3b: {  	p1 =	sne.s32 s18, $0x600;
	_ =	sdelay $0x4  }
0x3c: {  	vm2 =	vgt.s32 v0, $0x0  }
0x3d: {  	v0 =	vnsel vm2, $0x0, v0  }
0x3e: {  	v0 =	vmin.u32 v0, $0x270F  }
0x3f: {  	v0 =	vshll.u32 v0, $0x4;
	_ =	sdelay $0x3  }
.Ltmp3:
0x40: {  	s19 =	sshra.s32 s18, $0x2;
	s17 =	sadd.s32 $0x800, s17;
	(pc) =	sbr.rel @p1 .LBB2_3-.Ltmp3, $4  }
0x41: {  	[tilespmem:s17], [sflag:$0x1] =	stream.indirect_vreg.gather [hbm:s4], $0x80, v0, vm0, $0x38;
	[tilespmem:$0x19320] =	vst v63  }
0x42: {  	s19 =	sadd.s32 s19, s16;
	s20 =	sadd.s32 $0x400, s17  }
0x43: {  	[tilespmem:s20], [sflag:$0x1] =	stream.indirect_vreg.gather [hbm:s4], $0x80, v0, vm1, $0x38;
	[tilespmem:$0x19320] =	vst v63  }
0x44: {  	s18 =	sadd.s32 $0x40, s18;
	v0 =	vld.msk [tilespmem:s19+$0x0 ss:$0x1], $0xffff  }
0x45: {  	_ =	sdelay $0x3  }
0x46: {  	vm2 =	vgt.s32 v0, $0x0  }
0x47: {  	v0 =	vnsel vm2, $0x0, v0  }
0x48: {  	v0 =	vmin.u32 v0, $0x270F  }
0x49: {  	v0 =	vshll.u32 v0, $0x4;
	_ =	sdelay $0x3  }
0x4a: {  	s16 =	sadd.s32 $0x800, s17  }
0x4b: {  	[tilespmem:s16], [sflag:$0x1] =	stream.indirect_vreg.gather [hbm:s4], $0x80, v0, vm0, $0x38;
	[tilespmem:$0x19320] =	vst v63  }
0x4c: {  	s16 =	sadd.s32 $0x400, s16  }
0x4d: {  	[tilespmem:s16], [sflag:$0x1] =	stream.indirect_vreg.gather [hbm:s4], $0x80, v0, vm1, $0x38;
	[tilespmem:$0x19320] =	vst v63  }
0x4e: {  	s13 =	sshll.u32 s13, $0x4;
	_ =	swait.ge [sflag:s6], $0xC800  }
0x4f: {  	s13 =	sadd.s32 s13, s9;
	[sflag:s6] =	ssyncset.done $0x0  }
0x50: {  	s17 =	sadd.s32 $0x0, s13;
	s16 =	simm.s32 $0x80;
	[sflag:s6] =	ssyncadd.s32 $0xFFFF3800  }
.LBB2_5:
0x51: {  	[hbm:s17] =	stream.linear.scatter [tilespmem:s14], [sflag:$0x3], $0x400, $0x38;
	[tilespmem:$0x19320] =	vst v63  }
0x52: {  	s17 =	smov.u32 s16;
	s14 =	smov.u32 s15;
	p1 =	sne.s32 s16, $0x1880  }
.Ltmp4:
0x53: {  	s16 =	sadd.s32 $0x80, s16;
	(pc) =	sbr.rel @p1 .LBB2_5-.Ltmp4, $2  }
0x54: {  	_ =	sdelay $0x2  }
0x55: {  	s15 =	sadd.s32 $0x400, s15;
	s17 =	sadd.s32 s17, s13  }
.Ltmp5:
0x56: {  	_ = 	snop;
	(pc) =	sbr.rel .LBB2_6-.Ltmp5, $1  }
0x57: {  	_ =	sdelay $0x3  }
.LBB2_8:
0x58: {  	_ =	sfence.sel $0x180000  }
0x59: {  	s1 =	simm.s32 $0x2;
	[bflag:$0x0] =	sbarrier.arrive $0xFFFF  }
0x5a: {  	s30 =	simm.s32 $0x3;
	[sflag:s1] =	ssyncpa.u1 $0x1  }
0x5b: {  	s31 =	simm.s32 $0x1;
	[sflag:s30] =	ssyncpa.u1 $0x1  }
0x5c: {  	[sflag:s31] =	ssyncpa.u1 $0x1  }
0x5d: {  	p0 =	sne.s32 s0, $0x0;
	_ =	strace $0x90000047  }
0x5e: {  	s0 =	sadd.s32 @!p0 $0x100000, s2;
	[bflag:$0x2] =	sbarrier.arrive $0xFFFF  }
0x5f: {  	[sflag:s0] =	ssyncadd.tile.s32 @!p0 $0x1;
	_ =	shalt  }
.Lfunc_end2:
_tile_overlayer_lowered:
.L_overlay_start_2:
0x60: {  	(tag) =	ssettag $0x2  }
0x61: {  	s0 =	rddreg [dreg:$0x0];
	s2 =	stileid.u32  }
0x62: {  	s1 =	rddreg [dreg:$0x1];
	p0 =	sne.s32 s2, $0x0  }
0x63: {  	s3 =	rddreg [dreg:$0x2];
	[bflag:$0x3] =	sbarrier.arrive $0xFFFF;
	s2 =	simm.s32 @!p0 $0x1C01  }
0x64: {  	[timem:s3], [sflag:s2] =	dma.local @!p0 [hbm:s0], s1  }
0x65: {  	s0 =	simm.s32 @!p0 $0x1  }
0x66: {  	_ =	swait.ge @!p0 [sflag:s0], s1  }
0x67: {  	s1 =	ssub.s32 @!p0 $0x0, s1;
	[sflag:s0] =	ssyncset.done @!p0 $0x0  }
0x68: {  	[sflag:s0] =	ssyncadd.s32 @!p0 s1  }
0x69: {  	[bflag:$0x3] =	sbarrier.arrive $0xFFFF  }
0x6a: {  	_ =	shalt  }

// kernel: scatter_offload_async_start
scs
__scs_entry_jumppad:
0x0: {  	(pc) =	sbr.rel $0x88, $3  }
0x1: {  	(tag) =	ssettag $0x0;
	lr =	simm.s32 $0x1  }
0x2: {  	[smem:$0x3EE6] =	sst lr;
	_ =	strace $0xD0000000  }
0x3: {  	_ = 	snop  }
0x4: {  	_ = 	snop  }
0x5: {  	_ = 	snop  }
0x6: {  	_ = 	snop  }
0x7: {  	_ = 	snop  }
__scs_overlays_trampoline_lowered:
0x8: {  	[smem:$0x3EF5] =	sst s0  }
0x9: {  	[smem:$0x3EF6] =	sst s1  }
0xa: {  	[smem:$0x3EF7] =	sst s2  }
0xb: {  	[smem:$0x3EF8] =	sst s3  }
0xc: {  	[smem:$0x3EF9] =	sst s4  }
0xd: {  	[smem:$0x3EFA] =	sst s5  }
0xe: {  	[smem:$0x3EFB] =	sst s6  }
0xf: {  	[smem:$0x3EFC] =	sst s7  }
0x10: {  	[smem:$0x3EFD] =	sst s8  }
0x11: {  	[smem:$0x3EFE] =	sst s9;
	s0 =	simm.s32 @!p0 $0x0  }
0x12: {  	s1 =	sld [smem:$0x3EE4];
	s0 =	simm.s32 @p0 $0x1  }
0x13: {  	[smem:$0x3EFF] =	sst s0;
	s0 =	simm.s32 @!p1 $0x0  }
0x14: {  	s2 =	sld [smem:$0x3EE3];
	s0 =	simm.s32 @p1 $0x1  }
0x15: {  	[smem:$0x3F00] =	sst s0;
	s0 =	simm.s32 @!p2 $0x0  }
0x16: {  	s3 =	sld [smem:$0x3FDB];
	s0 =	simm.s32 @p2 $0x1  }
0x17: {  	s4 =	simm.s32 $0x1BF5;
	[smem:$0x3F02] =	sst s0  }
0x18: {  	s0 =	sld [smem:$0x3EE5];
	_ =	swait.ge [sflag:s4], $0x0  }
0x19: {  	s7 =	sld [smem:$0x3EE6]  }
0x1a: {  	s8 =	sadd.s32 $0xFFFFE003, lr  }
0x1b: {  	s9 =	sadd.s32 $0xFFFFFEF7, lr;
	s5 =	simm.s32 $0xFFFFFFFF;
	p2 =	slt.u32 s8, $0xFFFFF086  }
0x1c: {  	p1 =	slt.u32 s9, $0xF7A;
	s5 =	simm.s32 @!p2 $0x0  }
0x1d: {  	s5 =	simm.s32 @p1 $0x1;
	p0 =	seq.s32 s7, s2  }
0x1e: {  	s7 =	smul.u32 @!p0 $0xF7A, s2;
	p2 =	seq.s32 @!p0 s5, $0x0  }
0x1f: {  	s9 =	smul.u32 $0xF7A, s1;
	s8 =	simm.s32 @!p0 $0x1BF5;
	p2 =	por !p2, p0  }
0x20: {  	[sflag:s8] =	ssyncset.s32 @!p0 $0xFFFFF086;
	s6 =	sadd.s32 @!p0 s3, s7;
	s7 =	simm.s32 @!p0 $0x108  }
0x21: {  	s3 =	sadd.s32 s3, s9;
	s6 =	sadd.s32 @!p0 $0x88, s6;
	s7 =	simm.s32 @p2 $0x1082  }
0x22: {  	[simem:s7], [sflag:s8] =	dma.local @!p0 [hbm:s6], $0xF7A  }
0x23: {  	s9 =	sor.u32 $0xD0000000, s2;
	s6 =	simm.s32 $0x108;
	_ =	swait.ge @!p0 [sflag:s8], $0x0  }
0x24: {  	s3 =	sadd.s32 $0x88, s3;
	s6 =	simm.s32 @!p1 $0x1082;
	[sflag:s4] =	ssyncset.s32 $0xFFFFF086  }
0x25: {  	[simem:s6], [sflag:s4] =	dma.local [hbm:s3], $0xF7A  }
0x26: {  	[smem:$0x3EE6] =	sst s1;
	(tag) =	ssettag s2;
	_ =	strace s9  }
0x27: {  	s1 =	sld [smem:$0x3EF6]  }
0x28: {  	s2 =	sld [smem:$0x3EF7]  }
0x29: {  	s4 =	sld [smem:$0x3EF9]  }
0x2a: {  	p0 =	seq.s32 s5, $0x0;
	s5 =	sld [smem:$0x3EFA]  }
0x2b: {  	s6 =	sld [smem:$0x3EFB]  }
0x2c: {  	s7 =	sld [smem:$0x3EFC]  }
0x2d: {  	s3 =	simm.s32 $0x108;
	s8 =	sld [smem:$0x3EFD]  }
0x2e: {  	s3 =	simm.s32 @!p0 $0x1082;
	s9 =	sld [smem:$0x3EFE]  }
0x2f: {  	lr =	sadd.s32 s0, s3;
	s0 =	sld [smem:$0x3EF5]  }
0x30: {  	s3 =	sld [smem:$0x3EF8]  }
0x31: {  	[smem:$0x3F01] =	sst s10  }
0x32: {  	s10 =	sld [smem:$0x3EFF];
	_ =	sdelay $0x3  }
0x33: {  	p0 =	seq.s32 s10, $0x1;
	s10 =	sld [smem:$0x3F01];
	_ =	sdelay $0x3  }
0x34: {  	[smem:$0x3F01] =	sst s10  }
0x35: {  	s10 =	sld [smem:$0x3F00];
	_ =	sdelay $0x3  }
0x36: {  	p1 =	seq.s32 s10, $0x1;
	s10 =	sld [smem:$0x3F01];
	_ =	sdelay $0x3  }
0x37: {  	[smem:$0x3F01] =	sst s10  }
0x38: {  	s10 =	sld [smem:$0x3F02]  }
0x39: {  	_ = 	snop;
	(pc) =	sbr.ind lr, $3  }
0x3a: {  	_ = 	snop  }
0x3b: {  	_ = 	snop  }
0x3c: {  	p2 =	seq.s32 s10, $0x1;
	s10 =	sld [smem:$0x3F01]  }
0x3d: {  	_ =	shalt  }
0x3e: {  	_ =	shalt  }
0x3f: {  	_ =	shalt  }
0x40: {  	_ =	shalt  }
0x41: {  	_ =	shalt  }
0x42: {  	_ =	shalt  }
0x43: {  	_ =	shalt  }
0x44: {  	_ =	shalt  }
0x45: {  	_ =	shalt  }
0x46: {  	_ =	shalt  }
0x47: {  	_ =	shalt  }
0x48: {  	_ =	shalt  }
0x49: {  	_ =	shalt  }
0x4a: {  	_ =	shalt  }
0x4b: {  	_ =	shalt  }
0x4c: {  	_ =	shalt  }
0x4d: {  	_ =	shalt  }
0x4e: {  	_ =	shalt  }
0x4f: {  	_ =	shalt  }
0x50: {  	_ =	shalt  }
0x51: {  	_ =	shalt  }
0x52: {  	_ =	shalt  }
0x53: {  	_ =	shalt  }
0x54: {  	_ =	shalt  }
0x55: {  	_ =	shalt  }
0x56: {  	_ =	shalt  }
0x57: {  	_ =	shalt  }
0x58: {  	_ =	shalt  }
0x59: {  	_ =	shalt  }
0x5a: {  	_ =	shalt  }
0x5b: {  	_ =	shalt  }
0x5c: {  	_ =	shalt  }
0x5d: {  	_ =	shalt  }
0x5e: {  	_ =	shalt  }
0x5f: {  	_ =	shalt  }
0x60: {  	_ =	shalt  }
0x61: {  	_ =	shalt  }
0x62: {  	_ =	shalt  }
0x63: {  	_ =	shalt  }
0x64: {  	_ =	shalt  }
0x65: {  	_ =	shalt  }
0x66: {  	_ =	shalt  }
0x67: {  	_ =	shalt  }
0x68: {  	_ =	shalt  }
0x69: {  	_ =	shalt  }
0x6a: {  	_ =	shalt  }
0x6b: {  	_ =	shalt  }
0x6c: {  	_ =	shalt  }
0x6d: {  	_ =	shalt  }
0x6e: {  	_ =	shalt  }
0x6f: {  	_ =	shalt  }
0x70: {  	_ =	shalt  }
0x71: {  	_ =	shalt  }
0x72: {  	_ =	shalt  }
0x73: {  	_ =	shalt  }
0x74: {  	_ =	shalt  }
0x75: {  	_ =	shalt  }
0x76: {  	_ =	shalt  }
0x77: {  	_ =	shalt  }
0x78: {  	_ =	shalt  }
0x79: {  	_ =	shalt  }
0x7a: {  	_ =	shalt  }
0x7b: {  	_ =	shalt  }
0x7c: {  	_ =	shalt  }
0x7d: {  	_ =	shalt  }
0x7e: {  	_ =	shalt  }
0x7f: {  	_ =	shalt  }
0x80: {  	_ =	shalt  }
0x81: {  	_ =	shalt  }
0x82: {  	_ =	shalt  }
0x83: {  	_ =	shalt  }
0x84: {  	_ =	shalt  }
0x85: {  	_ =	shalt  }
0x86: {  	_ =	shalt  }
0x87: {  	_ =	shalt  }
.Lfunc_end0:
.L_simem_size_0:
called_computation_lowered:
.L_overlay_start_0:
0x88: {  	s0 =	sld [smem:$0x3FD9]  }
0x89: {  	s1 =	sld [smem:$0x3FFE];
	_ =	sdelay $0x3  }
0x8a: {  	s0 =	sadd.s32 s1, s0  }
0x8b: {  	[smem:$0x3F0D] =	sst s0  }
0x8c: {  	_ = 	snop  }
0x8d: {  	(tm) =	ssettm $0x1  }
0x8e: {  	s15 =	sld [smem:$0x3FFB];
	_ =	sdelay $0x3  }
0x8f: {  	_ =	strace s15  }
0x90: {  	s0 =	sld [smem:$0x3FFC];
	_ =	sdelay $0x3  }
0x91: {  	_ =	strace s0  }
0x92: {  	s0 =	sld [smem:$0x3FFD];
	_ =	sdelay $0x3  }
0x93: {  	_ =	strace s0  }
0x94: {  	_ =	strace $0x8FFFFFFF  }
0x95: {  	s16 =	sld [smem:$0x3FDB];
	_ =	sdelay $0x1  }
0x96: {  	s17 =	simm.s32 $_scs_section_size  }
0x97: {  	s2 =	simm.s32 $_size__tile_overlayer_lowered;
	s3 =	simm.s32 $_tile_overlayer_lowered  }
0x98: {  	s20 =	simm.s32 $0x1BFF;
	s19 =	sshll.u32 s3, $0x1;
	s0 =	sadd.s32 s17, s16  }
0x99: {  	s4 =	simm.s32 $0x0;
	s18 =	sshll.u32 s2, $0x1;
	s2 =	sadd.s32 s19, s0  }
0x9a: {  	[timem:s4], [sflag:s20] =	dma.local [hbm:s2], s18  }
0x9b: {  	_ =	swait.ge [sflag:s20], s18  }
0x9c: {  	s1 =	ssub.s32 $0x0, s18;
	[sflag:s20] =	ssyncset.done $0x0  }
0x9d: {  	[sflag:s20] =	ssyncadd.s32 s1;
	_ =	sdelay $0x1  }
0x9e: {  	s21 =	simm.s32 $0x1B8B  }
0x9f: {  	_ =	swait.ge [sflag:s21], $0x1  }
0xa0: {  	[sflag:s21] =	ssyncset.done $0x0  }
0xa1: {  	s23 =	simm.s32 $0x1B8E;
	s22 =	sld [smem:$0x3FFE];
	[sflag:s21] =	ssyncadd.s32 $0xFFFFFFFF  }
0xa2: {  	s24 =	simm.s32 $execute0_lowered;
	[smem:$0x3FD2] =	sst s23  }
0xa3: {  	s2 =	sshll.u32 s24, $0x1;
	_ =	strace $0x80000052;
	[dreg:$0x1] =	wrdreg $0xFFFFFFFF  }
0xa4: {  	s25 =	simm.s32 $_size_execute0_lowered;
	s0 =	sadd.s32 s0, s2;
	[dreg:$0x0] =	wrdreg $0x0  }
0xa5: {  	s2 =	sshll.u32 s25, $0x1;
	[dreg:$0x2] =	wrdreg s0  }
0xa6: {  	[dreg:$0x3] =	wrdreg s2  }
0xa7: {  	[dreg:$0x4] =	wrdreg $0xC0  }
0xa8: {  	_ =	task [dreg:s4], $0x5FFFF  }
0xa9: {  	[dreg:$0x1] =	wrdreg $0xFFFFFFFF  }
0xaa: {  	[dreg:$0x0] =	wrdreg $0x60  }
0xab: {  	[dreg:$0x2] =	wrdreg s22  }
0xac: {  	[dreg:$0x3] =	wrdreg $0x9  }
0xad: {  	_ =	task.clear_ibuf [dreg:s4], $0x4FFFF;
	_ =	strace $0x90000052  }
0xae: {  	s26 =	simm.s32 $0x9;
	_ =	strace $0x80000054  }
0xaf: {  	_ =	swait.ge [sflag:s26], $0x1  }
0xb0: {  	[sflag:s26] =	ssyncadd.s32 $0xFFFFFFFF  }
0xb1: {  	_ =	strace $0x90000054  }
0xb2: {  	_ =	sfence  }
0xb3: {  	s28 =	sld [smem:$0x0];
	_ =	sdelay $0x1  }
0xb4: {  	s29 =	srdreg.scid  }
0xb5: {  	s30 =	sshll.u32 s29, $0xD;
	s31 =	sshrl.u32 s29, $0x2  }
0xb6: {  	s1 =	sand.u32 $0x1, s29;
	s2 =	sand.u32 $0x4000, s30;
	s0 =	sadd.s32 s31, s28  }
0xb7: {  	s1 =	sor.u32 s2, s1;
	s0 =	sshll.u32 s0, $0x11  }
0xb8: {  	s0 =	sor.u32 s0, s1  }
0xb9: {  	s0 =	sadd.s32 $0x8F2B, s0  }
0xba: {  	[sflag:s0] =	ssyncadd.remote.s32 $0x1  }
0xbb: {  	_ =	sfence.sel $0xFFFF  }
0xbc: {  	[dreg:$0x0] =	wrdreg $0xFFFFFFFF;
	(pc) =	sbr.abs _section_cstart, $3  }
0xbd: {  	[dreg:$0x1] =	wrdreg $0xFFFFFFFF  }
0xbe: {  	_ =	task.clear_ibuf [dreg:s4], $0x2FFFF;
	_ =	strace $0x9FFFFFFF  }
0xbf: {  	(tm) =	ssettm $0x7FFFFFFF  }
tec
execute0_lowered:
.L_overlay_start_1:
0x0: {  	(tag) =	ssettag $0x1  }
0x1: {  	s5 =	rddreg [dreg:$0x0]  }
0x2: {  	s0 =	rddreg [dreg:$0x1];
	_ =	strace $0x80000053;
	s3 =	stileid.u32  }
0x3: {  	s2 =	simm.s32 $0x3E;
	s1 =	sadd.s32 $0x9B000, s5;
	p0 =	sne.s32 s3, $0x0  }
0x4: {  	[sflag:s2] =	ssyncpa.u1 $0x0;
	s4 =	simm.s32 @!p0 $0x1C3E;
	s6 =	simm.s32 @!p0 $0x0  }
0x5: {  	[spmem:s6], [sflag:s4] =	dma.local @!p0 [hbm:s1], $0x12500  }
0x6: {  	s4 =	simm.s32 @!p0 $0x3E  }
0x7: {  	_ =	swait.ge @!p0 [sflag:s4], $0x12500  }
0x8: {  	s3 =	smul.u32 $0x258000, s3;
	[sflag:s4] =	ssyncset.done @!p0 $0x0  }
.Ltmp0:
0x9: {  	s7 =	simm.s32 $0x2;
	[sflag:s4] =	ssyncadd.s32 @!p0 $0xFFFEDB00;
	(pc) =	sbr.rel .LBB2_1-.Ltmp0, $4  }
0xa: {  	s8 =	simm.s32 $0x0;
	s9 =	simm.s32 $0x0;
	[bflag:$0x0] =	sbarrier.arrive $0xFFFF  }
0xb: {  	s6 =	sadd.s32 $0x258000, s3;
	[sflag:s2] =	ssyncpa.u1 $0x1;
	s2 =	simm.s32 $0x1  }
0xc: {  	s10 =	smov.u32 s3;
	s4 =	sadd.s32 $0xB22000, s5;
	[sflag:s2] =	ssyncpa.u1 $0x0  }
0xd: {  	vm0 =	vmmov $0xffff;
	s5 =	sadd.s32 $0x203200, s5;
	(ifvalue) =	ssetifvalue $0x92800;
	[sflag:s7] =	ssyncpa.u1 $0x0  }
.LBB2_5:
0xe: {  	s9 =	sadd.s32 $0x1, s9  }
0xf: {  	p2 =	sne.s32 s9, $0x12D  }
.Ltmp1:
0x10: {  	_ = 	snop;
	(pc) =	sbr.rel @!p2 .LBB2_6-.Ltmp1, $4  }
0x11: {  	_ = 	snop  }
0x12: {  	s11 =	sadd.s32 $0x2000, s10  }
0x13: {  	s10 =	smov.u32 s3;
	p1 =	slt.s32 s11, s6  }
0x14: {  	s10 =	smov.u32 @p1 s11  }
.LBB2_1:
0x15: {  	p1 =	seq.s32 s9, $0x12C  }
0x16: {  	s11 =	sshll.u32 @!p1 s9, $0xD;
	p2 =	seq.s32 @!p1 s9, $0x0  }
0x17: {  	s11 =	sand.u32 @!p1 $0x2000, s11;
	p2 =	por p1, !p2  }
.Ltmp2:
0x18: {  	s13 =	sshrl.u32 @!p1 s10, $0x3;
	s12 =	sxor.u32 @!p1 $0x2000, s11;
	(pc) =	sbr.rel @!p2 .LBB2_5-.Ltmp2, $4  }
0x19: {  	s16 =	sand.u32 @!p1 $0x7, s10;
	s14 =	sadd.s32 @!p1 s4, s13;
	s15 =	sor.u32 @!p1 $0x9280, s12  }
0x1a: {  	[tilespmem:s15], [sflag:$0x2] =	stream.linear.gather @!p1 [hbm4b:s14+s16], $0x2000, $0x38;
	[tilespmem:$0x11280] =	vst v63  }
0x1b: {  	s13 =	sadd.s32 @!p1 s5, s13;
	s12 =	sor.u32 @!p1 $0xD280, s12  }
0x1c: {  	[tilespmem:s12], [sflag:$0x2] =	stream.linear.gather @!p1 [hbm4b:s13+s16], $0x2000, $0x38;
	[tilespmem:$0x11280] =	vst v63  }
0x1d: {  	_ =	swait.ge [sflag:s7], $0x4000  }
0x1e: {  	s11 =	simm.s32 @p1 $0x0;
	[sflag:s7] =	ssyncset.done $0x0  }
0x1f: {  	s13 =	sadd.s32 $0x9280, s11;
	[sflag:s7] =	ssyncadd.s32 $0xFFFFC000  }
0x20: {  	v0 =	vld.msk [tilespmem:s13+$0x0 ss:$0x1], $0xffff;
	_ =	sdelay $0x4  }
0x21: {  	v0 =	vmin.u32 v0, $0x92800;
	_ =	sdelay $0x3  }
0x22: {  	s12 =	simm.s32 $0x0;
	s11 =	sadd.s32 $0xD280, s11;
	s13 =	sadd.s32 $0x10, s13  }
0x23: {  	[spmem:s8] =	stream.indirect_vreg.scatter.add.s32 [tilespmem:s11], [sflag:$0x1], $0x1, v0, vm0, $0x4038;
	[tilespmem:$0x11280] =	vst v63  }
.LBB2_3:
0x24: {  	v0 =	vld.msk [tilespmem:s13+$0x0 ss:$0x1], $0xffff;
	s12 =	sadd.s32 $0x10, s12  }
0x25: {  	p1 =	slt.u32 s12, $0x1FF0;
	_ =	sdelay $0x4  }
0x26: {  	v0 =	vmin.u32 v0, $0x92800  }
.Ltmp3:
0x27: {  	(pc) =	sbr.rel @p1 .LBB2_3-.Ltmp3, $3  }
0x28: {  	_ =	sdelay $0x1  }
0x29: {  	s13 =	sadd.s32 $0x10, s13;
	s11 =	sadd.s32 $0x10, s11  }
0x2a: {  	[spmem:s8] =	stream.indirect_vreg.scatter.add.s32 [tilespmem:s11], [sflag:$0x1], $0x1, v0, vm0, $0x4038;
	[tilespmem:$0x11280] =	vst v63  }
.Ltmp4:
0x2b: {  	(pc) =	sbr.rel .LBB2_5-.Ltmp4, $4  }
0x2c: {  	_ = 	snop  }
0x2d: {  	_ =	swait.ge [sflag:s2], $0x2000  }
0x2e: {  	[sflag:s2] =	ssyncset.done $0x0  }
0x2f: {  	[sflag:s2] =	ssyncadd.s32 $0xFFFFE000  }
.LBB2_6:
0x30: {  	_ =	sfence.sel $0x180000  }
0x31: {  	s2 =	simm.s32 $0x2;
	[bflag:$0x0] =	sbarrier.arrive $0xFFFF  }
0x32: {  	s30 =	simm.s32 $0x1;
	[sflag:s2] =	ssyncpa.u1 $0x1  }
0x33: {  	[sflag:s30] =	ssyncpa.u1 $0x1  }
0x34: {  	_ =	sfence.stream.spmem  }
0x35: {  	s31 =	simm.s32 $0x3D;
	[bflag:$0x0] =	sbarrier.arrive $0xFFFF  }
0x36: {  	s2 =	simm.s32 @p0 $0x3D;
	[sflag:s31] =	ssyncpa.u1 $0x0  }
0x37: {  	[sflag:s2] =	ssyncpa.u1 @p0 $0x1  }
0x38: {  	[bflag:$0x0] =	sbarrier.arrive @p0 $0xFFFF  }
0x39: {  	_ =	strace @p0 $0x90000053  }
0x3a: {  	s3 =	simm.s32 @!p0 $0x1C3D;
	s2 =	simm.s32 @!p0 $0x0;
	[bflag:$0x2] =	sbarrier.arrive @p0 $0xFFFF  }
0x3b: {  	[hbm:s1], [sflag:s3] =	dma.local @!p0 [spmem:s2], $0x12500  }
0x3c: {  	s1 =	simm.s32 @!p0 $0x3D  }
0x3d: {  	_ =	swait.ge @!p0 [sflag:s1], $0x12500  }
0x3e: {  	[sflag:s1] =	ssyncset.done @!p0 $0x0  }
0x3f: {  	[sflag:s1] =	ssyncadd.s32 @!p0 $0xFFFEDB00  }
0x40: {  	[sflag:s1] =	ssyncpa.u1 @!p0 $0x1  }
0x41: {  	[bflag:$0x0] =	sbarrier.arrive @!p0 $0xFFFF  }
0x42: {  	_ =	strace @!p0 $0x90000053  }
0x43: {  	s0 =	sadd.s32 @!p0 $0x100000, s0;
	[bflag:$0x2] =	sbarrier.arrive @!p0 $0xFFFF  }
0x44: {  	[sflag:s0] =	ssyncadd.tile.s32 @!p0 $0x1;
	_ =	shalt  }
.Lfunc_end2:
_tile_overlayer_lowered:
.L_overlay_start_2:
0x45: {  	(tag) =	ssettag $0x2  }
0x46: {  	s0 =	rddreg [dreg:$0x0];
	s2 =	stileid.u32  }
0x47: {  	s1 =	rddreg [dreg:$0x1];
	p0 =	sne.s32 s2, $0x0  }
0x48: {  	s3 =	rddreg [dreg:$0x2];
	[bflag:$0x3] =	sbarrier.arrive $0xFFFF;
	s2 =	simm.s32 @!p0 $0x1C01  }
0x49: {  	[timem:s3], [sflag:s2] =	dma.local @!p0 [hbm:s0], s1  }
0x4a: {  	s0 =	simm.s32 @!p0 $0x1  }
0x4b: {  	_ =	swait.ge @!p0 [sflag:s0], s1  }
0x4c: {  	s1 =	ssub.s32 @!p0 $0x0, s1;
	[sflag:s0] =	ssyncset.done @!p0 $0x0  }
0x4d: {  	[sflag:s0] =	ssyncadd.s32 @!p0 s1  }
0x4e: {  	[bflag:$0x3] =	sbarrier.arrive $0xFFFF  }
0x4f: {  	_ =	shalt  }

// kernel: sparse-core-data-format-call.1.cloned.1.call-start
scs
called_computation.2_lowered:
.L_overlay_start_0:
0x0: {  	s1 =	sld [smem:$0x3FD9]  }
0x1: {  	s2 =	sld [smem:$0x3FFE];
	_ =	sdelay $0x1  }
0x2: {  	s3 =	srdreg.scid  }
0x3: {  	s0 =	sand.u32 $0x1, s3  }
0x4: {  	s17 =	sshll.u32 s0, $0xA;
	s1 =	sadd.s32 s2, s1  }
0x5: {  	s1 =	sadd.s32 s1, s17  }
0x6: {  	[smem:$0x3F0D] =	sst s1  }
0x7: {  	_ = 	snop  }
0x8: {  	(tm) =	ssettm $0x1  }
0x9: {  	s18 =	sld [smem:$0x3FFB];
	_ =	sdelay $0x3  }
0xa: {  	_ =	strace s18  }
0xb: {  	s1 =	sld [smem:$0x3FFC];
	_ =	sdelay $0x3  }
0xc: {  	_ =	strace s1  }
0xd: {  	s1 =	sld [smem:$0x3FFD];
	_ =	sdelay $0x3  }
0xe: {  	_ =	strace s1  }
0xf: {  	_ =	strace $0x8FFFFFFF  }
0x10: {  	s19 =	sld [smem:$0x3FDB];
	_ =	sdelay $0x1  }
0x11: {  	s20 =	simm.s32 $_scs_section_size  }
0x12: {  	s4 =	simm.s32 $_size__tile_overlayer_lowered;
	s5 =	simm.s32 $_tile_overlayer_lowered  }
0x13: {  	s23 =	simm.s32 $0x1BFF;
	s22 =	sshll.u32 s5, $0x1;
	s1 =	sadd.s32 s20, s19  }
0x14: {  	s6 =	simm.s32 $0x0;
	s21 =	sshll.u32 s4, $0x1;
	s4 =	sadd.s32 s22, s1  }
0x15: {  	[timem:s6], [sflag:s23] =	dma.local [hbm:s4], s21  }
0x16: {  	_ =	swait.ge [sflag:s23], s21  }
0x17: {  	s2 =	ssub.s32 $0x0, s21;
	[sflag:s23] =	ssyncset.done $0x0  }
0x18: {  	[sflag:s23] =	ssyncadd.s32 s2;
	_ =	sdelay $0x1  }
0x19: {  	s24 =	simm.s32 $0x1B8B  }
0x1a: {  	_ =	swait.ge [sflag:s24], $0x1  }
0x1b: {  	[sflag:s24] =	ssyncset.done $0x0  }
0x1c: {  	s26 =	simm.s32 $0x1B8E;
	s25 =	sld [smem:$0x3FFE];
	[sflag:s24] =	ssyncadd.s32 $0xFFFFFFFF  }
0x1d: {  	s27 =	simm.s32 $execute0_lowered;
	[smem:$0x3FD2] =	sst s26  }
0x1e: {  	s4 =	sshll.u32 s27, $0x1;
	_ =	strace $0x80000049;
	[dreg:$0x1] =	wrdreg $0xFFFFFFFF  }
0x1f: {  	s28 =	simm.s32 $_size_execute0_lowered;
	s1 =	sadd.s32 s1, s4;
	[dreg:$0x0] =	wrdreg $0x0  }
0x20: {  	s4 =	sshll.u32 s28, $0x1;
	[dreg:$0x2] =	wrdreg s1  }
0x21: {  	[dreg:$0x3] =	wrdreg s4  }
0x22: {  	[dreg:$0x4] =	wrdreg $0xC0  }
0x23: {  	_ =	task [dreg:s6], $0x5FFFF  }
0x24: {  	[dreg:$0x1] =	wrdreg $0xFFFFFFFF  }
0x25: {  	[dreg:$0x0] =	wrdreg $0x60  }
0x26: {  	[dreg:$0x2] =	wrdreg s25  }
0x27: {  	[dreg:$0x3] =	wrdreg $0x9  }
0x28: {  	_ =	task.clear_ibuf [dreg:s6], $0x4FFFF;
	_ =	strace $0x90000049  }
0x29: {  	s29 =	simm.s32 $0x9;
	_ =	strace $0x8000004B  }
0x2a: {  	_ =	swait.ge [sflag:s29], $0x1  }
0x2b: {  	[sflag:s29] =	ssyncadd.s32 $0xFFFFFFFF  }
0x2c: {  	_ =	strace $0x9000004B  }
0x2d: {  	_ =	sfence  }
0x2e: {  	s30 =	sld [smem:$0x0];
	_ =	sdelay $0x2  }
0x2f: {  	s31 =	sshll.u32 s3, $0xD;
	s3 =	sshrl.u32 s3, $0x2  }
0x30: {  	s2 =	sand.u32 $0x4000, s31;
	s1 =	sadd.s32 s3, s30  }
0x31: {  	s0 =	sor.u32 s2, s0;
	s1 =	sshll.u32 s1, $0x11  }
0x32: {  	s0 =	sor.u32 s1, s0  }
0x33: {  	s0 =	sadd.s32 $0x8F2B, s0  }
0x34: {  	[sflag:s0] =	ssyncadd.remote.s32 $0x1  }
0x35: {  	_ =	sfence.sel $0xFFFF  }
0x36: {  	[dreg:$0x0] =	wrdreg $0xFFFFFFFF;
	(pc) =	sbr.abs _section_cstart, $3  }
0x37: {  	[dreg:$0x1] =	wrdreg $0xFFFFFFFF  }
0x38: {  	_ =	task.clear_ibuf [dreg:s6], $0x2FFFF;
	_ =	strace $0x9FFFFFFF  }
0x39: {  	(tm) =	ssettm $0x7FFFFFFF  }
tec
execute0_lowered:
.L_overlay_start_1:
0x0: {  	(tag) =	ssettag $0x1  }
0x1: {  	s0 =	srdreg.scid  }
0x2: {  	s1 =	sshll.u32 s0, $0x4  }
0x3: {  	s4 =	rddreg [dreg:$0x0];
	s0 =	stileid.u32;
	s1 =	sand.u32 $0x10, s1  }
0x4: {  	s7 =	simm.s32 $0x1;
	s8 =	simm.s32 $0x2;
	s2 =	sor.u32 s0, s1  }
0x5: {  	s11 =	simm.s32 $0x0;
	s3 =	sadd.s32 $0x64AE00, s4;
	s2 =	sshll.u32 s2, $0x7  }
0x6: {  	s10 =	simm.s32 $0x0;
	s4 =	sadd.s32 $0x19AE00, s4;
	s6 =	ssub.s32 $0x4B000, s2  }
.Ltmp0:
0x7: {  	s1 =	rddreg [dreg:$0x1];
	s5 =	sand.u32 $0xF80, s6;
	(pc) =	sbr.rel .LBB1_1-.Ltmp0, $4  }
0x8: {  	_ =	strace $0x8000004A;
	s9 =	smov.u32 s2;
	p0 =	sne.s32 s5, $0x0  }
0x9: {  	s6 =	sshrl.u32 s6, $0xC;
	s5 =	simm.s32 $0x1;
	s7 =	simm.s32 @!p0 $0x0  }
0xa: {  	[sflag:s5] =	ssyncpa.u1 $0x0;
	p0 =	por $0x0, $0x0;
	s6 =	sadd.s32 s7, s6  }
0xb: {  	[sflag:s8] =	ssyncpa.u1 $0x0;
	s8 =	simm.s32 $0x258000;
	s7 =	sadd.s32 $0x1, s6  }
.LBB1_4:
0xc: {  	v5 =	vld [tilespmem:s15+$0xFFFFFFD0];
	[tilespmem:s14+$0x2040 ss:$0x81] =	vst.msk $0xffff, v3;
	s17 =	sshll.u32 s11, $0x3  }
0xd: {  	v58 =	vld [tilespmem:s15+$0xFFFFFFE0];
	[tilespmem:s14+$0x2850 ss:$0x81] =	vst.msk $0xffff, v4;
	s25 =	sand.u32 $0x7F, s11;
	s18 =	sand.u32 $0xFFFFFC00, s17  }
0xe: {  	s16 =	sshra.s32 s16, $0x2;
	v59 =	vld [tilespmem:s15+$0xFFFFFFF0];
	[tilespmem:s14+$0x3060 ss:$0x81] =	vst.msk $0xffff, v2;
	s11 =	sor.u32 s25, s18  }
0xf: {  	v60 =	vld [tilespmem:s15+$0x0];
	[tilespmem:s14+$0x0 ss:$0x81] =	vst.msk $0xffff, v0;
	s13 =	sadd.s32 s16, s13;
	s26 =	smulhi.u32 $0x1B4E81B5, s11  }
0x10: {  	v61 =	vld [tilespmem:s15+$0x10];
	s27 =	smulhi.u32 $0x1B4E81B5, s17;
	[tilespmem:s13+$0x3870 ss:$0x81] =	vst.msk $0xffff, v1  }
0x11: {  	v62 =	vld [tilespmem:s15+$0x20];
	[tilespmem:s13+$0x810 ss:$0x81] =	vst.msk $0xffff, v5;
	s14 =	sshrl.u32 s26, $0xF  }
0x12: {  	v63 =	vld [tilespmem:s15+$0xFFFFFFC0];
	s28 =	sshrl.u32 s27, $0xF;
	[tilespmem:s13+$0x1020 ss:$0x81] =	vst.msk $0xffff, v58;
	s14 =	smul.u32 $0x4B000, s14  }
0x13: {  	s15 =	sand.u32 $0x7F, s28;
	[tilespmem:s13+$0x1830 ss:$0x81] =	vst.msk $0xffff, v59  }
0x14: {  	[tilespmem:s13+$0x2040 ss:$0x81] =	vst.msk $0xffff, v60;
	s29 =	smul.u32 $0x9600, s15;
	s11 =	ssub.s32 s11, s14  }
0x15: {  	[tilespmem:s13+$0x2850 ss:$0x81] =	vst.msk $0xffff, v61;
	s30 =	sand.u32 $0x7, s11  }
0x16: {  	[tilespmem:s13+$0x3060 ss:$0x81] =	vst.msk $0xffff, v62;
	s14 =	sadd.s32 s4, s29;
	s11 =	sshrl.u32 s11, $0x3;
	s15 =	sshll.u32 s30, $0x12  }
0x17: {  	[tilespmem:s13+$0x0 ss:$0x81] =	vst.msk $0xffff, v63;
	s11 =	sadd.s32 s11, s14;
	s31 =	sor.u32 $0x400, s15  }
0x18: {  	[hbm4b:s11+s31] =	stream.strided.scatter [tilespmem:s12], [sflag:$0x2], $0x4000, s8, s31, $0x20;
	[tilespmem:$0x10100] =	vst v63  }
.LBB1_5:
0x19: {  	s13 =	sadd.s32 $0x1000, s9  }
0x1a: {  	p2 =	sgt.s32 s13, $0x4AFFF  }
0x1b: {  	s13 =	smov.u32 @p2 s2;
	p2 =	sne.s32 s10, s7  }
.Ltmp1:
0x1c: {  	p1 =	slt.u32 s10, $0x2;
	(pc) =	sbr.rel @!p2 .LBB1_6-.Ltmp1, $4  }
0x1d: {  	s12 =	simm.s32 @!p1 $0x2  }
0x1e: {  	s14 =	sadd.s32 $0x1, s10;
	_ =	swait.ge @!p1 [sflag:s12], $0x4000  }
0x1f: {  	s11 =	smov.u32 s9;
	p0 =	por !p0, !p0;
	[sflag:s12] =	ssyncset.done @!p1 $0x0  }
0x20: {  	s10 =	smov.u32 s14;
	s9 =	smov.u32 s13;
	[sflag:s12] =	ssyncadd.s32 @!p1 $0xFFFFC000  }
.LBB1_1:
0x21: {  	p1 =	sge.u32 s10, s6  }
0x22: {  	s12 =	sand.u32 @!p1 $0x1FFFFFF, s9  }
0x23: {  	s13 =	smulhi.u32 @!p1 $0x6D3A07, s12;
	_ =	sdelay $0x1  }
0x24: {  	s13 =	sshrl.u32 @!p1 s13, $0x9  }
0x25: {  	s13 =	smul.u32 @!p1 $0x4B000, s13;
	_ =	sdelay $0x1  }
0x26: {  	s14 =	sxor.u32 @!p1 $0xFFFFFFFF, s10;
	s12 =	ssub.s32 @!p1 s12, s13  }
0x27: {  	s31 =	sadd.s32 $0xFFFFFFFF, s10;
	s13 =	sshll.u32 @!p1 s14, $0xE;
	s12 =	sshll.u32 @!p1 s12, $0x4  }
0x28: {  	s14 =	simm.s32 @!p1 $0x0;
	s13 =	sand.u32 @!p1 $0x4000, s13;
	s12 =	sadd.s32 @!p1 s3, s12  }
0x29: {  	[tilespmem:s13], [sflag:$0x1] =	stream.linear.gather @!p1 [hbm4b:s12+s14], $0x4000, $0x38;
	[tilespmem:$0x10100] =	vst v63  }
0x2a: {  	p1 =	sge.u32 s31, s6  }
.Ltmp2:
0x2b: {  	_ = 	snop;
	(pc) =	sbr.rel @p1 .LBB1_5-.Ltmp2, $1  }
0x2c: {  	_ =	sdelay $0x3  }
0x2d: {  	s12 =	simm.s32 $0x1  }
0x2e: {  	_ =	swait.ge [sflag:s5], $0x4000;
	s12 =	simm.s32 @!p0 $0x0  }
0x2f: {  	[sflag:s5] =	ssyncset.done $0x0;
	s13 =	sshll.u32 s12, $0xE  }
0x30: {  	[sflag:s5] =	ssyncadd.s32 $0xFFFFC000;
	s15 =	sor.u32 $0x40, s13  }
0x31: {  	s12 =	smul.u32 $0x10200, s12;
	v0 =	vld [tilespmem:s15+$0x30]  }
0x32: {  	v1 =	vld [tilespmem:s15+$0xFFFFFFD0]  }
0x33: {  	s12 =	sshrl.u32 s12, $0x2;
	v5 =	vld [tilespmem:s15+$0xFFFFFFE0]  }
0x34: {  	v6 =	vld [tilespmem:s15+$0xFFFFFFF0];
	s13 =	sor.u32 $0x8000, s12  }
0x35: {  	s31 =	sand.u32 $0x1, s10;
	v3 =	vld [tilespmem:s15+$0x0];
	s14 =	sadd.s32 $0x0, s13  }
0x36: {  	v4 =	vld [tilespmem:s15+$0x10];
	s12 =	smul.u32 $0x10200, s31;
	[tilespmem:s14+$0x3870 ss:$0x81] =	vst.msk $0xffff, v0  }
0x37: {  	v2 =	vld [tilespmem:s15+$0x20];
	[tilespmem:s14+$0x810 ss:$0x81] =	vst.msk $0xffff, v1  }
0x38: {  	s12 =	sshrl.u32 s12, $0x2;
	v0 =	vld [tilespmem:s15+$0xFFFFFFC0];
	[tilespmem:s14+$0x1020 ss:$0x81] =	vst.msk $0xffff, v5;
	s15 =	sadd.s32 $0x80, s15  }
0x39: {  	s16 =	simm.s32 $0x4;
	s17 =	simm.s32 $0x8;
	s12 =	sor.u32 $0x8000, s12;
	[tilespmem:s14+$0x1830 ss:$0x81] =	vst.msk $0xffff, v6;
	v1 =	vld [tilespmem:s15+$0x30]  }
.LBB1_3:
0x3a: {  	p1 =	sne.s32 s17, $0x1FC;
	v5 =	vld [tilespmem:s15+$0xFFFFFFD0];
	[tilespmem:s14+$0x2040 ss:$0x81] =	vst.msk $0xffff, v3  }
0x3b: {  	v6 =	vld [tilespmem:s15+$0xFFFFFFE0];
	[tilespmem:s14+$0x2850 ss:$0x81] =	vst.msk $0xffff, v4  }
0x3c: {  	s18 =	sshra.s32 s16, $0x2;
	s16 =	smov.u32 s17;
	v7 =	vld [tilespmem:s15+$0xFFFFFFF0];
	[tilespmem:s14+$0x3060 ss:$0x81] =	vst.msk $0xffff, v2  }
.Ltmp3:
0x3d: {  	v3 =	vld [tilespmem:s15+$0x0];
	[tilespmem:s14+$0x0 ss:$0x81] =	vst.msk $0xffff, v0;
	s14 =	sadd.s32 s18, s13;
	(pc) =	sbr.rel @p1 .LBB1_3-.Ltmp3, $4  }
0x3e: {  	v4 =	vld [tilespmem:s15+$0x10];
	[tilespmem:s14+$0x3870 ss:$0x81] =	vst.msk $0xffff, v1  }
0x3f: {  	[tilespmem:s14+$0x810 ss:$0x81] =	vst.msk $0xffff, v5;
	v2 =	vld [tilespmem:s15+$0x20]  }
0x40: {  	v0 =	vld [tilespmem:s15+$0xFFFFFFC0];
	[tilespmem:s14+$0x1020 ss:$0x81] =	vst.msk $0xffff, v6;
	s15 =	sadd.s32 $0x80, s15  }
0x41: {  	s17 =	sadd.s32 $0x4, s17;
	v1 =	vld [tilespmem:s15+$0x30];
	[tilespmem:s14+$0x1830 ss:$0x81] =	vst.msk $0xffff, v7  }
.Ltmp4:
0x42: {  	_ = 	snop;
	(pc) =	sbr.rel .LBB1_4-.Ltmp4, $1  }
0x43: {  	_ =	sdelay $0x3  }
.LBB1_6:
0x44: {  	_ =	sfence.sel $0x180000  }
0x45: {  	s2 =	simm.s32 $0x1;
	[bflag:$0x0] =	sbarrier.arrive $0xFFFF  }
0x46: {  	s31 =	simm.s32 $0x2;
	[sflag:s2] =	ssyncpa.u1 $0x1  }
0x47: {  	[sflag:s31] =	ssyncpa.u1 $0x1  }
0x48: {  	p0 =	sne.s32 s0, $0x0;
	_ =	strace $0x9000004A  }
0x49: {  	s0 =	sadd.s32 @!p0 $0x100000, s1;
	[bflag:$0x2] =	sbarrier.arrive $0xFFFF  }
0x4a: {  	[sflag:s0] =	ssyncadd.tile.s32 @!p0 $0x1;
	_ =	shalt  }
.Lfunc_end1:
_tile_overlayer_lowered:
.L_overlay_start_2:
0x4b: {  	(tag) =	ssettag $0x2  }
0x4c: {  	s0 =	rddreg [dreg:$0x0];
	s2 =	stileid.u32  }
0x4d: {  	s1 =	rddreg [dreg:$0x1];
	p0 =	sne.s32 s2, $0x0  }
0x4e: {  	s3 =	rddreg [dreg:$0x2];
	[bflag:$0x3] =	sbarrier.arrive $0xFFFF;
	s2 =	simm.s32 @!p0 $0x1C01  }
0x4f: {  	[timem:s3], [sflag:s2] =	dma.local @!p0 [hbm:s0], s1  }
0x50: {  	s0 =	simm.s32 @!p0 $0x1  }
0x51: {  	_ =	swait.ge @!p0 [sflag:s0], s1  }
0x52: {  	s1 =	ssub.s32 @!p0 $0x0, s1;
	[sflag:s0] =	ssyncset.done @!p0 $0x0  }
0x53: {  	[sflag:s0] =	ssyncadd.s32 @!p0 s1  }
0x54: {  	[bflag:$0x3] =	sbarrier.arrive $0xFFFF  }
0x55: {  	_ =	shalt  }

// kernel: sparse-core-data-format-call.cloned.1.call-start
scs
called_computation.1_lowered:
.L_overlay_start_0:
0x0: {  	s2 =	sld [smem:$0x3FD9]  }
0x1: {  	s3 =	sld [smem:$0x3FFE];
	_ =	sdelay $0x1  }
0x2: {  	s1 =	srdreg.scid  }
0x3: {  	s0 =	sand.u32 $0x1, s1  }
0x4: {  	s18 =	sshll.u32 s0, $0xA;
	s2 =	sadd.s32 s3, s2  }
0x5: {  	s2 =	sadd.s32 s2, s18  }
0x6: {  	[smem:$0x3F0D] =	sst s2  }
0x7: {  	_ = 	snop  }
0x8: {  	(tm) =	ssettm $0x1  }
0x9: {  	s19 =	sld [smem:$0x3FFB];
	_ =	sdelay $0x3  }
0xa: {  	_ =	strace s19  }
0xb: {  	s2 =	sld [smem:$0x3FFC];
	_ =	sdelay $0x3  }
0xc: {  	_ =	strace s2  }
0xd: {  	s2 =	sld [smem:$0x3FFD];
	_ =	sdelay $0x3  }
0xe: {  	_ =	strace s2  }
0xf: {  	_ =	strace $0x8FFFFFFF  }
0x10: {  	s20 =	sld [smem:$0x3FDB];
	_ =	sdelay $0x1  }
0x11: {  	s21 =	simm.s32 $_scs_section_size  }
0x12: {  	s4 =	simm.s32 $_size__tile_overlayer_lowered;
	s5 =	simm.s32 $_tile_overlayer_lowered  }
0x13: {  	s6 =	simm.s32 $0x1BFF;
	s22 =	sshll.u32 s5, $0x1;
	s3 =	sadd.s32 s21, s20  }
0x14: {  	s23 =	simm.s32 $0x0;
	s4 =	sshll.u32 s4, $0x1;
	s5 =	sadd.s32 s22, s3  }
0x15: {  	[timem:s23], [sflag:s6] =	dma.local [hbm:s5], s4  }
0x16: {  	_ =	swait.ge [sflag:s6], s4  }
0x17: {  	s4 =	ssub.s32 $0x0, s4;
	[sflag:s6] =	ssyncset.done $0x0  }
0x18: {  	[sflag:s6] =	ssyncadd.s32 s4;
	_ =	sdelay $0x1  }
0x19: {  	s24 =	simm.s32 $0x1B8B  }
0x1a: {  	_ =	swait.ge [sflag:s24], $0x1  }
0x1b: {  	[sflag:s24] =	ssyncset.done $0x0  }
0x1c: {  	[sflag:s24] =	ssyncadd.s32 $0xFFFFFFFF  }
0x1d: {  	s4 =	sld [smem:$0x0]  }
0x1e: {  	s5 =	sand.u32 $0xFFFFFFFE, s1  }
0x1f: {  	p0 =	sne.s32 s1, s5  }
0x20: {  	s5 =	sshll.u32 @p0 s5, $0xE  }
0x21: {  	s5 =	sadd.s32 @p0 $0x11B8D, s5;
	s6 =	sshll.u32 @p0 s4, $0x11  }
0x22: {  	s5 =	sor.u32 @p0 s6, s5  }
0x23: {  	[sflag:s5] =	ssyncadd.remote.s32 @p0 $0x1;
	_ =	sdelay $0x1  }
0x24: {  	s5 =	simm.s32 @p0 $0x1B8D  }
0x25: {  	_ =	swait.eq @p0 [sflag:s5], $0x1  }
0x26: {  	[sflag:s5] =	ssyncadd.s32 @p0 $0xFFFFFFFF  }
0x27: {  	s6 =	sshll.u32 @!p0 s1, $0xE  }
0x28: {  	s6 =	sor.u32 @!p0 $0x4000, s6;
	s5 =	simm.s32 @!p0 $0x1B8D  }
0x29: {  	s4 =	sshll.u32 @!p0 s4, $0x11;
	s6 =	sadd.s32 @!p0 $0x11B8D, s6;
	_ =	swait.eq @!p0 [sflag:s5], $0x1  }
0x2a: {  	s4 =	sor.u32 @!p0 s4, s6;
	[sflag:s5] =	ssyncadd.s32 @!p0 $0xFFFFFFFF  }
0x2b: {  	s26 =	simm.s32 $0x1B8E;
	s25 =	sld [smem:$0x3FFE];
	[sflag:s4] =	ssyncadd.remote.s32 @!p0 $0x1  }
0x2c: {  	s27 =	simm.s32 $execute0_lowered;
	[smem:$0x3FD2] =	sst s26  }
0x2d: {  	s5 =	sshll.u32 s27, $0x1;
	_ =	strace $0x8000004F;
	[dreg:$0x1] =	wrdreg $0xFFFFFFFF  }
0x2e: {  	s28 =	simm.s32 $_size_execute0_lowered;
	s3 =	sadd.s32 s3, s5;
	[dreg:$0x0] =	wrdreg $0x0  }
0x2f: {  	s5 =	sshll.u32 s28, $0x1;
	[dreg:$0x2] =	wrdreg s3  }
0x30: {  	[dreg:$0x3] =	wrdreg s5  }
0x31: {  	[dreg:$0x4] =	wrdreg $0xC0  }
0x32: {  	_ =	task [dreg:s23], $0x5FFFF  }
0x33: {  	[dreg:$0x1] =	wrdreg $0xFFFFFFFF  }
0x34: {  	[dreg:$0x0] =	wrdreg $0x60  }
0x35: {  	[dreg:$0x2] =	wrdreg s25  }
0x36: {  	[dreg:$0x3] =	wrdreg $0x9  }
0x37: {  	_ =	task.clear_ibuf [dreg:s23], $0x4FFFF;
	_ =	strace $0x9000004F  }
0x38: {  	s29 =	simm.s32 $0x9;
	_ =	strace $0x80000051  }
0x39: {  	_ =	swait.ge [sflag:s29], $0x1  }
0x3a: {  	[sflag:s29] =	ssyncadd.s32 $0xFFFFFFFF  }
0x3b: {  	_ =	strace $0x90000051  }
0x3c: {  	_ =	sfence  }
0x3d: {  	s30 =	sld [smem:$0x0];
	_ =	sdelay $0x2  }
0x3e: {  	s31 =	sshll.u32 s1, $0xD;
	s1 =	sshrl.u32 s1, $0x2  }
0x3f: {  	s4 =	sand.u32 $0x4000, s31;
	s1 =	sadd.s32 s1, s30  }
0x40: {  	s0 =	sor.u32 s4, s0;
	s1 =	sshll.u32 s1, $0x11  }
0x41: {  	s0 =	sor.u32 s1, s0  }
0x42: {  	s0 =	sadd.s32 $0x8F2B, s0  }
0x43: {  	[sflag:s0] =	ssyncadd.remote.s32 $0x1  }
0x44: {  	_ =	sfence.sel $0xFFFF  }
0x45: {  	[dreg:$0x0] =	wrdreg $0xFFFFFFFF;
	(pc) =	sbr.abs _section_cstart, $3  }
0x46: {  	[dreg:$0x1] =	wrdreg $0xFFFFFFFF  }
0x47: {  	_ =	task.clear_ibuf [dreg:s23], $0x2FFFF;
	_ =	strace $0x9FFFFFFF  }
0x48: {  	(tm) =	ssettm $0x7FFFFFFF  }
0x49: {  	_ =	shalt  }
tec
execute0_lowered:
.L_overlay_start_1:
0x0: {  	(tag) =	ssettag $0x1  }
0x1: {  	s0 =	srdreg.scid  }
0x2: {  	s5 =	rddreg [dreg:$0x0];
	s1 =	sshll.u32 s0, $0x4  }
0x3: {  	s4 =	simm.s32 $0x1;
	s0 =	stileid.u32;
	s1 =	sand.u32 $0x10, s1  }
0x4: {  	s8 =	simm.s32 $0x2;
	s12 =	simm.s32 $0x0;
	s2 =	sor.u32 s0, s1  }
0x5: {  	s11 =	simm.s32 $0x0;
	s9 =	simm.s32 $0x0;
	s2 =	sshll.u32 s2, $0x7  }
0x6: {  	s10 =	simm.s32 $0x0;
	s3 =	sadd.s32 $0x64AE00, s5;
	s6 =	ssub.s32 $0x4B000, s2  }
.Ltmp0:
0x7: {  	s1 =	rddreg [dreg:$0x1];
	s7 =	sand.u32 $0xF80, s6;
	(pc) =	sbr.rel .LBB1_1-.Ltmp0, $4  }
0x8: {  	_ =	strace $0x80000050;
	p0 =	sne.s32 s7, $0x0;
	s7 =	simm.s32 $0x1  }
0x9: {  	[sflag:s4] =	ssyncpa.u1 $0x0;
	s6 =	sshrl.u32 s6, $0xC;
	s7 =	simm.s32 @!p0 $0x0  }
0xa: {  	s5 =	sadd.s32 $0xB22000, s5;
	[sflag:s8] =	ssyncpa.u1 $0x0;
	s6 =	sadd.s32 s7, s6  }
0xb: {  	s8 =	smov.u32 s2;
	p0 =	por $0x0, $0x0;
	s7 =	sadd.s32 $0x1, s6  }
.LBB1_4:
0xc: {  	s12 =	sshll.u32 s12, $0x7;
	s18 =	sshll.u32 s11, $0x3  }
0xd: {  	v5 =	vld [tilespmem:s16+$0xFFFFFFD0];
	[tilespmem:s15+$0x2040 ss:$0x81] =	vst.msk $0xffff, v4;
	s19 =	sand.u32 $0xFFFFFC00, s12;
	s18 =	sand.u32 $0xFFFFFC00, s18  }
0xe: {  	v58 =	vld [tilespmem:s16+$0xFFFFFFE0];
	[tilespmem:s15+$0x2850 ss:$0x81] =	vst.msk $0xffff, v3;
	s12 =	sand.u32 $0x380, s12;
	s18 =	sadd.s32 s18, s19  }
0xf: {  	s17 =	sshra.s32 s17, $0x2;
	v59 =	vld [tilespmem:s16+$0xFFFFFFF0];
	[tilespmem:s15+$0x3060 ss:$0x81] =	vst.msk $0xffff, v2;
	s12 =	sor.u32 s12, s18  }
0x10: {  	v60 =	vld [tilespmem:s16+$0x0];
	[tilespmem:s15+$0x0 ss:$0x81] =	vst.msk $0xffff, v0;
	s14 =	sadd.s32 s17, s14;
	s12 =	sshrl.u32 s12, $0x7  }
0x11: {  	v61 =	vld [tilespmem:s16+$0x10];
	[tilespmem:s14+$0x3870 ss:$0x81] =	vst.msk $0xffff, v1;
	s28 =	smulhi.u32 $0x6D3A07, s12  }
0x12: {  	v62 =	vld [tilespmem:s16+$0x20];
	[tilespmem:s14+$0x810 ss:$0x81] =	vst.msk $0xffff, v5  }
0x13: {  	v63 =	vld [tilespmem:s16+$0xFFFFFFC0];
	[tilespmem:s14+$0x1020 ss:$0x81] =	vst.msk $0xffff, v58;
	s15 =	sshrl.u32 s28, $0x9  }
0x14: {  	[tilespmem:s14+$0x1830 ss:$0x81] =	vst.msk $0xffff, v59;
	s15 =	smul.u32 $0x4B000, s15  }
0x15: {  	s29 =	sshrl.u32 s11, $0x3;
	[tilespmem:s14+$0x2040 ss:$0x81] =	vst.msk $0xffff, v60  }
0x16: {  	s30 =	sand.u32 $0xF, s29;
	[tilespmem:s14+$0x2850 ss:$0x81] =	vst.msk $0xffff, v61;
	s12 =	ssub.s32 s12, s15  }
0x17: {  	[tilespmem:s14+$0x3060 ss:$0x81] =	vst.msk $0xffff, v62;
	s15 =	sadd.s32 s5, s30;
	s12 =	sshll.u32 s12, $0x4  }
0x18: {  	s31 =	sand.u32 $0x7, s11;
	[tilespmem:s14+$0x0 ss:$0x81] =	vst.msk $0xffff, v63;
	s12 =	sadd.s32 s12, s15  }
0x19: {  	[hbm4b:s12+s31] =	stream.linear.scatter [tilespmem:s13], [sflag:$0x2], $0x4000, $0x20;
	[tilespmem:$0x10100] =	vst v63  }
.LBB1_5:
0x1a: {  	s13 =	sadd.s32 $0x1000, s8  }
0x1b: {  	s11 =	sadd.s32 $0x80, s9;
	s15 =	smov.u32 s9;
	p2 =	sgt.s32 s13, $0x4AFFF  }
0x1c: {  	s15 =	smov.u32 @p2 s11  }
0x1d: {  	s13 =	smov.u32 @p2 s2;
	p2 =	sgt.s32 s15, $0x7F  }
0x1e: {  	s15 =	simm.s32 @p2 $0x0;
	p2 =	sne.s32 s10, s7  }
.Ltmp1:
0x1f: {  	p1 =	slt.u32 s10, $0x2;
	(pc) =	sbr.rel @!p2 .LBB1_6-.Ltmp1, $4  }
0x20: {  	s14 =	simm.s32 @!p1 $0x2  }
0x21: {  	s12 =	smov.u32 s8;
	p0 =	por !p0, !p0;
	_ =	swait.ge @!p1 [sflag:s14], $0x4000  }
0x22: {  	s11 =	smov.u32 s9;
	[sflag:s14] =	ssyncset.done @!p1 $0x0;
	s8 =	smov.u32 s13  }
0x23: {  	s10 =	sadd.s32 $0x1, s10;
	[sflag:s14] =	ssyncadd.s32 @!p1 $0xFFFFC000;
	s9 =	smov.u32 s15  }
.LBB1_1:
0x24: {  	p1 =	sge.u32 s10, s6  }
0x25: {  	s13 =	sshrl.u32 @!p1 s9, $0x3  }
0x26: {  	s14 =	sshll.u32 @!p1 s8, $0x3;
	s15 =	sshll.u32 @!p1 s9, $0x7;
	s13 =	smul.u32 @!p1 $0x258000, s13  }
0x27: {  	s16 =	sand.u32 @!p1 $0x7F, s8;
	s14 =	sand.u32 @!p1 $0xFFFFFC00, s14;
	s15 =	sand.u32 @!p1 $0x380, s15  }
0x28: {  	s13 =	sadd.s32 @!p1 s13, s14;
	s14 =	sor.u32 @!p1 s16, s15  }
0x29: {  	s14 =	sor.u32 @!p1 s13, s14  }
0x2a: {  	s15 =	smulhi.u32 @!p1 $0x1B4E81B5, s14;
	_ =	sdelay $0x1  }
0x2b: {  	s13 =	smulhi.u32 @!p1 $0x1B4E81B5, s13;
	s15 =	sshrl.u32 @!p1 s15, $0xF  }
0x2c: {  	s15 =	smul.u32 @!p1 $0x4B000, s15  }
0x2d: {  	s31 =	sadd.s32 $0xFFFFFFFF, s10;
	s16 =	sxor.u32 @!p1 $0xFFFFFFFF, s10;
	s13 =	sshrl.u32 @!p1 s13, $0xF  }
0x2e: {  	s16 =	sshll.u32 @!p1 s16, $0xE;
	s13 =	sand.u32 @!p1 $0x7F, s13;
	s14 =	ssub.s32 @!p1 s14, s15  }
0x2f: {  	s13 =	smul.u32 @!p1 $0x9600, s13;
	s15 =	sshrl.u32 @!p1 s14, $0x3;
	s14 =	sand.u32 @!p1 $0x7, s14  }
0x30: {  	s16 =	sand.u32 @!p1 $0x4000, s16;
	s15 =	sadd.s32 @!p1 s3, s15;
	s14 =	sshll.u32 @!p1 s14, $0x12  }
0x31: {  	s13 =	sadd.s32 @!p1 s13, s15;
	s14 =	sor.u32 @!p1 $0x400, s14;
	s15 =	simm.s32 @!p1 $0x258000  }
0x32: {  	[tilespmem:s16], [sflag:$0x1] =	stream.strided.gather @!p1 [hbm4b:s13+s14], $0x4000, s15, s14, $0x38;
	[tilespmem:$0x10100] =	vst v63  }
0x33: {  	p1 =	sge.u32 s31, s6  }
.Ltmp2:
0x34: {  	_ = 	snop;
	(pc) =	sbr.rel @p1 .LBB1_5-.Ltmp2, $1  }
0x35: {  	_ =	sdelay $0x3  }
0x36: {  	s13 =	simm.s32 $0x1  }
0x37: {  	_ =	swait.ge [sflag:s4], $0x4000;
	s13 =	simm.s32 @!p0 $0x0  }
0x38: {  	[sflag:s4] =	ssyncset.done $0x0;
	s14 =	sshll.u32 s13, $0xE  }
0x39: {  	[sflag:s4] =	ssyncadd.s32 $0xFFFFC000;
	s16 =	sor.u32 $0x40, s14  }
0x3a: {  	s13 =	smul.u32 $0x10200, s13;
	v0 =	vld [tilespmem:s16+$0x30]  }
0x3b: {  	v1 =	vld [tilespmem:s16+$0xFFFFFFD0]  }
0x3c: {  	s13 =	sshrl.u32 s13, $0x2;
	v5 =	vld [tilespmem:s16+$0xFFFFFFE0]  }
0x3d: {  	v6 =	vld [tilespmem:s16+$0xFFFFFFF0];
	s14 =	sor.u32 $0x8000, s13  }
0x3e: {  	s31 =	sand.u32 $0x1, s10;
	v4 =	vld [tilespmem:s16+$0x0];
	s15 =	sadd.s32 $0x0, s14  }
0x3f: {  	v3 =	vld [tilespmem:s16+$0x10];
	s13 =	smul.u32 $0x10200, s31;
	[tilespmem:s15+$0x3870 ss:$0x81] =	vst.msk $0xffff, v0  }
0x40: {  	v2 =	vld [tilespmem:s16+$0x20];
	[tilespmem:s15+$0x810 ss:$0x81] =	vst.msk $0xffff, v1  }
0x41: {  	s13 =	sshrl.u32 s13, $0x2;
	v0 =	vld [tilespmem:s16+$0xFFFFFFC0];
	[tilespmem:s15+$0x1020 ss:$0x81] =	vst.msk $0xffff, v5;
	s16 =	sadd.s32 $0x80, s16  }
0x42: {  	s17 =	simm.s32 $0x4;
	s18 =	simm.s32 $0x8;
	s13 =	sor.u32 $0x8000, s13;
	[tilespmem:s15+$0x1830 ss:$0x81] =	vst.msk $0xffff, v6;
	v1 =	vld [tilespmem:s16+$0x30]  }
.LBB1_3:
0x43: {  	p1 =	sne.s32 s18, $0x1FC;
	v5 =	vld [tilespmem:s16+$0xFFFFFFD0];
	[tilespmem:s15+$0x2040 ss:$0x81] =	vst.msk $0xffff, v4  }
0x44: {  	v6 =	vld [tilespmem:s16+$0xFFFFFFE0];
	[tilespmem:s15+$0x2850 ss:$0x81] =	vst.msk $0xffff, v3  }
0x45: {  	s19 =	sshra.s32 s17, $0x2;
	s17 =	smov.u32 s18;
	v7 =	vld [tilespmem:s16+$0xFFFFFFF0];
	[tilespmem:s15+$0x3060 ss:$0x81] =	vst.msk $0xffff, v2  }
.Ltmp3:
0x46: {  	v4 =	vld [tilespmem:s16+$0x0];
	[tilespmem:s15+$0x0 ss:$0x81] =	vst.msk $0xffff, v0;
	s15 =	sadd.s32 s19, s14;
	(pc) =	sbr.rel @p1 .LBB1_3-.Ltmp3, $4  }
0x47: {  	v3 =	vld [tilespmem:s16+$0x10];
	[tilespmem:s15+$0x3870 ss:$0x81] =	vst.msk $0xffff, v1  }
0x48: {  	[tilespmem:s15+$0x810 ss:$0x81] =	vst.msk $0xffff, v5;
	v2 =	vld [tilespmem:s16+$0x20]  }
0x49: {  	v0 =	vld [tilespmem:s16+$0xFFFFFFC0];
	[tilespmem:s15+$0x1020 ss:$0x81] =	vst.msk $0xffff, v6;
	s16 =	sadd.s32 $0x80, s16  }
0x4a: {  	s18 =	sadd.s32 $0x4, s18;
	v1 =	vld [tilespmem:s16+$0x30];
	[tilespmem:s15+$0x1830 ss:$0x81] =	vst.msk $0xffff, v7  }
.Ltmp4:
0x4b: {  	_ = 	snop;
	(pc) =	sbr.rel .LBB1_4-.Ltmp4, $1  }
0x4c: {  	_ =	sdelay $0x3  }
.LBB1_6:
0x4d: {  	_ =	sfence.sel $0x180000  }
0x4e: {  	s2 =	simm.s32 $0x1;
	[bflag:$0x0] =	sbarrier.arrive $0xFFFF  }
0x4f: {  	s31 =	simm.s32 $0x2;
	[sflag:s2] =	ssyncpa.u1 $0x1  }
0x50: {  	[sflag:s31] =	ssyncpa.u1 $0x1  }
0x51: {  	p0 =	sne.s32 s0, $0x0;
	_ =	strace $0x90000050  }
0x52: {  	s0 =	sadd.s32 @!p0 $0x100000, s1;
	[bflag:$0x2] =	sbarrier.arrive $0xFFFF  }
0x53: {  	[sflag:s0] =	ssyncadd.tile.s32 @!p0 $0x1;
	_ =	shalt  }
.Lfunc_end1:
_tile_overlayer_lowered:
.L_overlay_start_2:
0x54: {  	(tag) =	ssettag $0x2  }
0x55: {  	s0 =	rddreg [dreg:$0x0];
	s2 =	stileid.u32  }
0x56: {  	s1 =	rddreg [dreg:$0x1];
	p0 =	sne.s32 s2, $0x0  }
0x57: {  	s3 =	rddreg [dreg:$0x2];
	[bflag:$0x3] =	sbarrier.arrive $0xFFFF;
	s2 =	simm.s32 @!p0 $0x1C01  }
0x58: {  	[timem:s3], [sflag:s2] =	dma.local @!p0 [hbm:s0], s1  }
0x59: {  	s0 =	simm.s32 @!p0 $0x1  }
0x5a: {  	_ =	swait.ge @!p0 [sflag:s0], s1  }
0x5b: {  	s1 =	ssub.s32 @!p0 $0x0, s1;
	[sflag:s0] =	ssyncset.done @!p0 $0x0  }
0x5c: {  	[sflag:s0] =	ssyncadd.s32 @!p0 s1  }
0x5d: {  	[bflag:$0x3] =	sbarrier.arrive $0xFFFF  }
0x5e: {  	_ =	shalt  }

</sc_bundles>
